<compile_context>
chip_gen: v7x
topology: tpu7x:2x2x1
jax: 0.10.2.dev20260603
libtpu: 0.0.44.dev20260713+nightly
codegen_flags: <defaults>
</compile_context>

<pallas_src>
import functools

import jax
import jax.numpy as jnp
from jax import lax
from jax.experimental import pallas as pl
from jax.experimental.pallas import tpu as pltpu, tpu_sc as plsc

B, N, D_IN, E, ED, H = 2, 50176, 7, 401408, 5, 64
K, HEADS, C, HT, WD = 16, 4, 7, 224, 224

RT = 1024
NT = N // RT
ET = 2048

N4 = N // 4
CH = 64
NSUB = 16
EPT = E // NSUB
RPT = N4 // NSUB
NPT = N // 32


def _ln(x, g, b):
    m = jnp.mean(x, axis=-1, keepdims=True)
    v = jnp.mean((x - m) ** 2, axis=-1, keepdims=True)
    return (x - m) * jax.lax.rsqrt(v + 1e-5) * g + b


def _gelu(x):
    return x * 0.5 * (1.0 + lax.erf(x * 0.7071067811865476))


def _dot_t(x, w):
    return lax.dot_general(x, w, (((1,), (1,)), ((), ())),
                           preferred_element_type=jnp.float32)


def _stage1_body(xa_ref, xb_ref, in_w, in_b, in_g, in_lb, msg_w, msg_b,
                 ha_ref, hb_ref, hm_ref):
    ha = _gelu(_ln(_dot_t(xa_ref[...], in_w[...]) + in_b[...],
                   in_g[...], in_lb[...]))
    hb = _gelu(_ln(_dot_t(xb_ref[...], in_w[...]) + in_b[...],
                   in_g[...], in_lb[...]))
    ha_ref[...] = ha
    hb_ref[...] = hb
    hm_ref[...] = jnp.concatenate(
        [_gelu(_dot_t(ha, msg_w[...]) + msg_b[...]),
         _gelu(_dot_t(hb, msg_w[...]) + msg_b[...])], axis=1)


def _stage1(x2, p):
    full = lambda s: pl.BlockSpec(s, lambda i: (0,) * len(s))
    return pl.pallas_call(
        _stage1_body,
        grid=(NT,),
        in_specs=[
            pl.BlockSpec((RT, D_IN), lambda i: (i, 0)),
            pl.BlockSpec((RT, D_IN), lambda i: (NT + i, 0)),
            full((H, D_IN)), full((1, H)), full((1, H)), full((1, H)),
            full((H, H)), full((1, H)),
        ],
        out_specs=[
            pl.BlockSpec((RT, H), lambda i: (i, 0)),
            pl.BlockSpec((RT, H), lambda i: (i, 0)),
            pl.BlockSpec((RT, 2 * H), lambda i: (i, 0)),
        ],
        out_shape=[
            jax.ShapeDtypeStruct((N, H), jnp.float32),
            jax.ShapeDtypeStruct((N, H), jnp.float32),
            jax.ShapeDtypeStruct((N, 2 * H), jnp.float32),
        ],
    )(x2, x2, p['in_w'], p['in_b'].reshape(1, H), p['in_g'].reshape(1, H),
      p['in_lb'].reshape(1, H), p['msg_w'], p['msg_b'].reshape(1, H))


def _stage2_body(ea_ref, w1, b1, w2, b2, gate_ref):
    t = _gelu(_dot_t(ea_ref[...], w1[...]) + b1[...])
    gate_ref[...] = jax.nn.sigmoid(_dot_t(t, w2[...]) + b2[...])


def _stage2(edge_attr, p):
    full = lambda s: pl.BlockSpec(s, lambda i: (0,) * len(s))
    return pl.pallas_call(
        _stage2_body,
        grid=(E // ET,),
        in_specs=[
            pl.BlockSpec((ET, ED), lambda i: (i, 0)),
            full((H, ED)), full((1, H)), full((H, H)), full((1, H)),
        ],
        out_specs=pl.BlockSpec((ET, H), lambda i: (i, 0)),
        out_shape=jax.ShapeDtypeStruct((E, H), jnp.float32),
    )(edge_attr, p['eg1_w'], p['eg1_b'].reshape(1, H), p['eg2_w'],
      p['eg2_b'].reshape(1, H))


DR = N // 128


def _edge_body(hm_hbm, gate_hbm, src_hbm, dst_hbm, id_hbm, agg_hbm, deg_hbm,
               srcv, dstv, idxa, gatev, rowsv, acc, deg2, sem):
    c = lax.axis_index("c")
    s = lax.axis_index("s")

    for p in range(2):
        lo = (c * 2 + p) * N4
        plsc.subcore_barrier()

        def _z(i, _):
            rowsv[i // 8, pl.ds((i % 8) * 16, 16)] = jnp.zeros((16,),
                                                              jnp.float32)
            return 0
        lax.fori_loop(0, CH * 8, _z, 0)
        for z in range(RPT // CH):
            pltpu.sync_copy(rowsv, acc.at[pl.ds(s * RPT + z * CH, CH)])
        if RPT % CH:
            pltpu.sync_copy(rowsv.at[pl.ds(0, RPT % CH)],
                            acc.at[pl.ds(s * RPT + (RPT // CH) * CH,
                                         RPT % CH)])

        @pl.when(s == 0)
        def _():
            pltpu.sync_copy(rowsv.at[pl.ds(0, 8)], acc.at[pl.ds(N4, 8)])
        if p == 0:
            pltpu.sync_copy(rowsv.at[pl.ds(0, 24)],
                            deg2.at[pl.ds(s * 24, 24)])

            @pl.when(s == 0)
            def _():
                pltpu.sync_copy(rowsv.at[pl.ds(0, 8)],
                                deg2.at[pl.ds(384, 8)])
        plsc.subcore_barrier()

        def chunk(ci, _):
            base = s * EPT + ci * CH
            pltpu.sync_copy(src_hbm.at[pl.ds(base, CH)], srcv)
            hmcp = pltpu.async_copy(hm_hbm.at[srcv], rowsv, sem)
            pltpu.sync_copy(dst_hbm.at[pl.ds(base, CH)], dstv)
            pltpu.sync_copy(gate_hbm.at[pl.ds(base, CH)], gatev)

            def _i1(j, _):
                d = dstv[pl.ds(j * 16, 16)]
                lcl = d - lo
                m = (lcl >= 0) & (lcl < N4)
                idxa[0, pl.ds(j * 16, 16)] = jnp.where(m, lcl, N4)
                return 0
            lax.fori_loop(0, CH // 16, _i1, 0)
            if p == 0:
                def _i2(j, _):
                    d = dstv[pl.ds(j * 16, 16)]
                    idxa[1, pl.ds(j * 16, 16)] = d >> 7
                    return 0
                lax.fori_loop(0, CH // 16, _i2, 0)

                def _i3(j, _):
                    d = dstv[pl.ds(j * 16, 16)]
                    idxa[2, pl.ds(j * 16, 16)] = d & 127
                    return 0
                lax.fori_loop(0, CH // 16, _i3, 0)
            hmcp.wait()

            def _mul(e, _):
                g = [gatev[e, pl.ds(kk * 16, 16)] for kk in range(4)]
                for kk in range(8):
                    rowsv[e, pl.ds(kk * 16, 16)] = (
                        rowsv[e, pl.ds(kk * 16, 16)] * g[kk % 4])
                return 0
            lax.fori_loop(0, CH, _mul, 0)
            pltpu.sync_copy(rowsv, acc.at[idxa.at[0]], add=True)
            if p == 0:
                pltpu.async_copy(id_hbm.at[idxa.at[2]], rowsv, sem).wait()
                pltpu.sync_copy(rowsv, deg2.at[idxa.at[1]], add=True)
            return 0
        lax.fori_loop(0, EPT // CH, chunk, 0)
        plsc.subcore_barrier()
        pltpu.sync_copy(acc.at[pl.ds(s * RPT, RPT)],
                        agg_hbm.at[pl.ds(lo + s * RPT, RPT)])
        if p == 0:
            pltpu.sync_copy(deg2.at[pl.ds(s * 24, 24)],
                            deg_hbm.at[c, pl.ds(s * 24, 24)])

            @pl.when(s == 0)
            def _():
                pltpu.sync_copy(deg2.at[pl.ds(384, 8)],
                                deg_hbm.at[c, pl.ds(384, 8)])
    plsc.subcore_barrier()


def _stage3(hm, gate, src, dst, ident):
    mesh = plsc.VectorSubcoreMesh(core_axis_name="c", subcore_axis_name="s")
    f = functools.partial(
        pl.kernel, _edge_body, mesh=mesh,
        out_type=[jax.ShapeDtypeStruct((N, 2 * H), jnp.float32),
                  jax.ShapeDtypeStruct((2, DR, 128), jnp.float32)],
        scratch_types=[
            pltpu.VMEM((CH,), jnp.int32),
            pltpu.VMEM((CH,), jnp.int32),
            pltpu.VMEM((3, CH), jnp.int32),
            pltpu.VMEM((CH, H), jnp.float32),
            pltpu.VMEM((CH, 2 * H), jnp.float32),
            pltpu.VMEM_SHARED((N4 + 8, 2 * H), jnp.float32),
            pltpu.VMEM_SHARED((DR + 8, 128), jnp.float32),
            pltpu.SemaphoreType.DMA,
        ],
    )()
    return f(hm, gate, src, dst, ident)


def _stage4_body(ha_ref, hb_ref, agg_ref, deg_ref, agg_w, agg_bb, nm_g,
                 nm_b, f1_w, f1_b, f2_w, f2_b, nf_g, nf_b, key_w, key_b,
                 pq, val_w, val_b, s_ref):
    i = pl.program_id(0)
    a = agg_ref[...]
    nloc = lax.broadcasted_iota(jnp.int32, (RT, 1), 0)
    rsel = (nloc // 128 == lax.broadcasted_iota(jnp.int32, (RT, 8), 1)
            ).astype(jnp.float32)
    d8 = 0.5 * jnp.sum(deg_ref[...], axis=0)
    dflat = jnp.dot(rsel, d8, preferred_element_type=jnp.float32)
    lsel = (nloc % 128 == lax.broadcasted_iota(jnp.int32, (RT, 128), 1))
    deg = jnp.sum(jnp.where(lsel, dflat, 0.0), axis=1, keepdims=True)
    rdeg = 1.0 / jnp.clip(deg, 1.0, None)
    n = i * RT + nloc
    y = (n // WD).astype(jnp.float32) * (1.0 / (HT - 1))
    x = (n % WD).astype(jnp.float32) * (1.0 / (WD - 1))
    lane = lax.broadcasted_iota(jnp.int32, (RT, H), 1)
    aux = (jnp.where(lane == 0, y, 0.0) + jnp.where(lane == 1, x, 0.0)
           + jnp.where(lane == 2, 1.0, 0.0))

    @pl.when(i == 0)
    def _():
        s_ref[...] = jnp.zeros_like(s_ref)

    for b, h_ref in ((0, ha_ref), (1, hb_ref)):
        aggn = a[:, b * H:(b + 1) * H] * rdeg
        t = _gelu(_dot_t(aggn, agg_w[...]) + agg_bb[...])
        h2 = _ln(h_ref[...] + t, nm_g[...], nm_b[...])
        ffn = (_dot_t(_gelu(_dot_t(h2, f1_w[...]) + f1_b[...]), f2_w[...])
               + f2_b[...])
        h3 = _ln(h2 + ffn, nf_g[...], nf_b[...])
        keys = _dot_t(h3, key_w[...]) + key_b[...]
        logits = _dot_t(keys, pq[...]) * 0.125
        z = logits - jnp.max(logits, axis=-1, keepdims=True)
        ez = jnp.exp(z)
        m = ez / jnp.sum(ez, axis=-1, keepdims=True)
        vals = _dot_t(h3, val_w[...]) + val_b[...]
        va = jnp.concatenate([vals, aux], axis=1)
        part = lax.dot_general(m, va, (((0,), (0,)), ((), ())),
                               preferred_element_type=jnp.float32)
        s_ref[b, :, :] += part


def _stage4(ha, hb, agg, deg, p):
    full = lambda s: pl.BlockSpec(s, lambda i: (0,) * len(s))
    r1 = lambda name: p[name].reshape(1, -1)
    return pl.pallas_call(
        _stage4_body,
        grid=(NT,),
        in_specs=[
            pl.BlockSpec((RT, H), lambda i: (i, 0)),
            pl.BlockSpec((RT, H), lambda i: (i, 0)),
            pl.BlockSpec((RT, 2 * H), lambda i: (i, 0)),
            pl.BlockSpec((2, 8, 128), lambda i: (0, i, 0)),
            full((H, H)), full((1, H)), full((1, H)), full((1, H)),
            full((2 * H, H)), full((1, 2 * H)), full((H, 2 * H)),
            full((1, H)), full((1, H)), full((1, H)),
            full((H, H)), full((1, H)), full((K, H)),
            full((H, H)), full((1, H)),
        ],
        out_specs=pl.BlockSpec((B, K, 2 * H), lambda i: (0, 0, 0)),
        out_shape=jax.ShapeDtypeStruct((B, K, 2 * H), jnp.float32),
    )(ha, hb, agg, deg, p['agg_w'], r1('agg_b'), r1('nm_g'), r1('nm_b'),
      p['f1_w'], r1('f1_b'), p['f2_w'], r1('f2_b'), r1('nf_g'), r1('nf_b'),
      p['key_w'], r1('key_b'), p['pq'], p['val_w'], r1('val_b'))


def _stage5_body(s_ref, pos1_wt, pos1_b, pos2_w, pos2_b,
                 qw, qb, kw, kb, vw, vb, ao_w, ao_b, na_g, na_b,
                 pf1_w, pf1_b, pf2_w, pf2_b, np_g, np_b,
                 c1_w, c1_b, c2_w, c2_b, out_ref):
    lane = lax.broadcasted_iota(jnp.int32, (K, 2 * H), 1)
    for b in range(B):
        sb = s_ref[b]
        den = jnp.sum(jnp.where(lane == H + 2, sb, 0.0), axis=1,
                      keepdims=True) + 1e-8
        cy = jnp.sum(jnp.where(lane == H, sb, 0.0), axis=1, keepdims=True)
        cx = jnp.sum(jnp.where(lane == H + 1, sb, 0.0), axis=1, keepdims=True)
        pf = sb[:, 0:H] / den
        pe = _gelu((cy / den) * pos1_wt[0:1, :] + (cx / den) * pos1_wt[1:2, :]
                   + pos1_b[...])
        pf = pf + _dot_t(pe, pos2_w[...]) + pos2_b[...]
        q = _dot_t(pf, qw[...]) + qb[...]
        k = _dot_t(pf, kw[...]) + kb[...]
        v = _dot_t(pf, vw[...]) + vb[...]
        dh = H // HEADS
        aos = []
        for hh in range(HEADS):
            qh = q[:, hh * dh:(hh + 1) * dh]
            kh = k[:, hh * dh:(hh + 1) * dh]
            vh = v[:, hh * dh:(hh + 1) * dh]
            aw = lax.dot_general(qh, kh, (((1,), (1,)), ((), ())),
                                 preferred_element_type=jnp.float32) * 0.25
            aw = aw - jnp.max(aw, axis=-1, keepdims=True)
            ea = jnp.exp(aw)
            aw = ea / jnp.sum(ea, axis=-1, keepdims=True)
            aos.append(jnp.dot(aw, vh, preferred_element_type=jnp.float32))
        ao = jnp.concatenate(aos, axis=1)
        ao = _dot_t(ao, ao_w[...]) + ao_b[...]
        hp = _ln(pf + ao, na_g[...], na_b[...])
        pffn = _dot_t(_gelu(_dot_t(hp, pf1_w[...]) + pf1_b[...]),
                      pf2_w[...]) + pf2_b[...]
        hp = _ln(hp + pffn, np_g[...], np_b[...])
        img = jnp.mean(hp, axis=0, keepdims=True)
        ob = _dot_t(_gelu(_dot_t(img, c1_w[...]) + c1_b[...]),
                    c2_w[...]) + c2_b[...]
        out_ref[b:b + 1, :] = ob


def _stage5(s, p):
    c2p = jnp.zeros((2 * H, 2 * H), jnp.float32).at[:C, :].set(p['c2_w'])
    c2bp = jnp.zeros((1, 2 * H), jnp.float32).at[0, :C].set(p['c2_b'])
    r1 = lambda a: a.reshape(1, -1)
    args = [s, p['pos1_w'].T, r1(p['pos1_b']), p['pos2_w'], r1(p['pos2_b']),
            p['qkv_w'][0:H], r1(p['qkv_b'][0:H]),
            p['qkv_w'][H:2 * H], r1(p['qkv_b'][H:2 * H]),
            p['qkv_w'][2 * H:], r1(p['qkv_b'][2 * H:]),
            p['ao_w'], r1(p['ao_b']), r1(p['na_g']), r1(p['na_b']),
            p['pf1_w'], r1(p['pf1_b']), p['pf2_w'], r1(p['pf2_b']),
            r1(p['np_g']), r1(p['np_b']),
            p['c1_w'], r1(p['c1_b']), c2p, c2bp]
    out = pl.pallas_call(
        _stage5_body,
        in_specs=[pl.BlockSpec(a.shape, (lambda nd: lambda: (0,) * nd)(a.ndim))
                  for a in args],
        out_specs=pl.BlockSpec((B, 2 * H), lambda: (0, 0)),
        out_shape=jax.ShapeDtypeStruct((B, 2 * H), jnp.float32),
    )(*args)
    return out[:, :C]


def kernel(x, edge_index, edge_attr, params):
    p = params
    x2 = x.reshape(B * N, D_IN)
    src = edge_index[0].astype(jnp.int32)
    dst = edge_index[1].astype(jnp.int32)
    ha, hb, hm = _stage1(x2, p)
    gate = _stage2(edge_attr, p)
    ident = jnp.eye(128, dtype=jnp.float32)
    agg, deg = _stage3(hm, gate, src, dst, ident)
    s = _stage4(ha, hb, agg, deg, p)
    return _stage5(s, p)

# --- scband reference (transcript-rebuilt; emitter-appended) ---
"""Pipeline reference for scband-slot-pixel-part-graph-motif-27315992002774 (READ-ONLY COPY).

The authoritative reference and input builder live on the scoring server;
editing this copy changes nothing except your own understanding.
"""

import jax, jax.numpy as jnp
import numpy as np

B, N, D_IN, E, ED, H = 2, 50176, 7, 401408, 5, 64
K, HEADS, C, HT, WD = 16, 4, 7, 224, 224


def linear(x, w, b):
    return x @ w.T + b


def ln(x, g, b):
    m = x.mean(-1, keepdims=True)
    v = ((x - m) ** 2).mean(-1, keepdims=True)
    return (x - m) / jnp.sqrt(v + 1e-5) * g + b


def gelu(x):
    return jax.nn.gelu(x, approximate=False)


def make_params(key):
    ks = iter(jax.random.split(key, 32))
    def w(shape):
        return jax.random.normal(next(ks), shape, jnp.float32) * 0.02
    p = {}
    p['in_w'] = w((H, D_IN)); p['in_b'] = jnp.zeros(H); p['in_g'] = jnp.ones(H); p['in_lb'] = jnp.zeros(H)
    p['msg_w'] = w((H, H)); p['msg_b'] = jnp.zeros(H)
    p['eg1_w'] = w((H, ED)); p['eg1_b'] = jnp.zeros(H)
    p['eg2_w'] = w((H, H)); p['eg2_b'] = jnp.zeros(H)
    p['agg_w'] = w((H, H)); p['agg_b'] = jnp.zeros(H)
    p['nm_g'] = jnp.ones(H); p['nm_b'] = jnp.zeros(H)
    p['f1_w'] = w((2 * H, H)); p['f1_b'] = jnp.zeros(2 * H)
    p['f2_w'] = w((H, 2 * H)); p['f2_b'] = jnp.zeros(H)
    p['nf_g'] = jnp.ones(H); p['nf_b'] = jnp.zeros(H)
    p['pq'] = w((K, H))
    p['key_w'] = w((H, H)); p['key_b'] = jnp.zeros(H)
    p['val_w'] = w((H, H)); p['val_b'] = jnp.zeros(H)
    p['pos1_w'] = w((H, 2)); p['pos1_b'] = jnp.zeros(H)
    p['pos2_w'] = w((H, H)); p['pos2_b'] = jnp.zeros(H)
    p['qkv_w'] = w((3 * H, H)); p['qkv_b'] = jnp.zeros(3 * H)
    p['ao_w'] = w((H, H)); p['ao_b'] = jnp.zeros(H)
    p['na_g'] = jnp.ones(H); p['na_b'] = jnp.zeros(H)
    p['pf1_w'] = w((2 * H, H)); p['pf1_b'] = jnp.zeros(2 * H)
    p['pf2_w'] = w((H, 2 * H)); p['pf2_b'] = jnp.zeros(H)
    p['np_g'] = jnp.ones(H); p['np_b'] = jnp.zeros(H)
    p['c1_w'] = w((128, H)); p['c1_b'] = jnp.zeros(128)
    p['c2_w'] = w((C, 128)); p['c2_b'] = jnp.zeros(C)
    return p


def positions():
    ys = jnp.arange(HT, dtype=jnp.float32) / (HT - 1)
    xs = jnp.arange(WD, dtype=jnp.float32) / (WD - 1)
    yy, xx = jnp.meshgrid(ys, xs, indexing='ij')
    return jnp.stack([yy.reshape(-1), xx.reshape(-1)], axis=-1)


def setup_inputs(seed: int = 0):
    key = jax.random.key(seed)
    k1, k2, k3, k4 = jax.random.split(key, 4)
    x = jax.random.normal(k1, (B, N, D_IN), jnp.float32)
    edge_index = jax.random.randint(k2, (2, E), 0, N)
    edge_attr = jax.random.normal(k3, (E, ED), jnp.float32)
    params = make_params(k4)
    return {'x': x, 'edge_index': edge_index, 'edge_attr': edge_attr, 'params': params}


def forward(x, edge_attr, params, edge_index):
    p = params
    src = edge_index[0]
    dst = edge_index[1]
    # input_proj: Linear -> LayerNorm -> GELU (dropout=0 in eval)
    h = gelu(ln(linear(x, p['in_w'], p['in_b']), p['in_g'], p['in_lb']))
    # EdgeAwarePixelMessageLayer
    h_src = h[:, src, :]
    gate = jax.nn.sigmoid(linear(gelu(linear(edge_attr, p['eg1_w'], p['eg1_b'])), p['eg2_w'], p['eg2_b']))
    msg = gelu(linear(h_src, p['msg_w'], p['msg_b'])) * gate[None, :, :]
    agg = jnp.zeros_like(h).at[:, dst, :].add(msg)
    deg = jnp.zeros((N,), jnp.float32).at[dst].add(1.0)
    agg = agg / jnp.clip(deg, 1.0, None)[None, :, None]
    h = ln(h + gelu(linear(agg, p['agg_w'], p['agg_b'])), p['nm_g'], p['nm_b'])
    ffn = linear(gelu(linear(h, p['f1_w'], p['f1_b'])), p['f2_w'], p['f2_b'])
    h = ln(h + ffn, p['nf_g'], p['nf_b'])
    # soft part slot assignment
    keys = linear(h, p['key_w'], p['key_b'])
    logits = jnp.einsum('kd,bnd->bkn', p['pq'], keys) / (jnp.sqrt(float(H)) * 1.0)
    part_masks = jax.nn.softmax(logits, axis=1)
    pool_w = part_masks / (part_masks.sum(axis=2, keepdims=True) + 1e-8)
    vals = linear(h, p['val_w'], p['val_b'])
    part_feats = jnp.einsum('bkn,bnd->bkd', pool_w, vals)
    centers = jnp.einsum('bkn,nc->bkc', pool_w, positions())
    part_feats = part_feats + linear(gelu(linear(centers, p['pos1_w'], p['pos1_b'])), p['pos2_w'], p['pos2_b'])
    # PartSelfAttentionLayer (MultiheadAttention, batch_first)
    qkv = linear(part_feats, p['qkv_w'], p['qkv_b'])
    q, k_, v = jnp.split(qkv, 3, axis=-1)
    dh = H // HEADS
    def sp(t):
        return t.reshape(B, K, HEADS, dh).transpose(0, 2, 1, 3)
    q, k_, v = sp(q), sp(k_), sp(v)
    aw = jax.nn.softmax(q @ k_.transpose(0, 1, 3, 2) / jnp.sqrt(float(dh)), axis=-1)
    ao = (aw @ v).transpose(0, 2, 1, 3).reshape(B, K, H)
    ao = linear(ao, p['ao_w'], p['ao_b'])
    hp = ln(part_feats + ao, p['na_g'], p['na_b'])
    pffn = linear(gelu(linear(hp, p['pf1_w'], p['pf1_b'])), p['pf2_w'], p['pf2_b'])
    hp = ln(hp + pffn, p['np_g'], p['np_b'])
    img = hp.mean(axis=1)
    out = linear(gelu(linear(img, p['c1_w'], p['c1_b'])), p['c2_w'], p['c2_b'])
    return out


def reference(x, edge_index, edge_attr, params):
    return forward(x, edge_attr, params, edge_index)

if __name__ == "__main__":
    import jax
    _d = setup_inputs()
    print(jax.jit(kernel)(*tuple(_d.values())))

</pallas_src>

<mosaic_0001>
#map = affine_map<(d0, d1) -> (0, 0)>
#map1 = affine_map<(d0, d1) -> (0)>
#map2 = affine_map<(d0, d1) -> (0, 0, 0)>
module attributes {stable_mosaic.version = 14 : i64} {
  func.func @_edge_body(%arg0: i32, %arg1: i32, %arg2: memref<50176x128xf32, #tpu.memory_space<hbm>>, %arg3: memref<401408x64xf32, #tpu.memory_space<hbm>>, %arg4: memref<401408xi32, #tpu.memory_space<hbm>>, %arg5: memref<401408xi32, #tpu.memory_space<hbm>>, %arg6: memref<128x128xf32, #tpu.memory_space<hbm>>, %arg7: memref<50176x128xf32, #tpu.memory_space<hbm>>, %arg8: memref<2x392x128xf32, #tpu.memory_space<hbm>>, %arg9: memref<64xi32, #tpu.memory_space<vmem>>, %arg10: memref<64xi32, #tpu.memory_space<vmem>>, %arg11: memref<3x64xi32, #tpu.memory_space<vmem>>, %arg12: memref<64x64xf32, #tpu.memory_space<vmem>>, %arg13: memref<64x128xf32, #tpu.memory_space<vmem>>, %arg14: memref<12552x128xf32, #tpu.memory_space<vmem_shared>>, %arg15: memref<400x128xf32, #tpu.memory_space<vmem_shared>>, %arg16: memref<!tpu.dma_semaphore, #tpu.memory_space<semaphore_mem>>) attributes {dimension_semantics = [#tpu.dimension_semantics<core_parallel>, #tpu.dimension_semantics<subcore_parallel>], iteration_bounds = array<i64: 2, 16>, scalar_prefetch = 0 : i64, scratch_operands = 8 : i64, tpu.core_type = #tpu.core_type<sc_vector_subcore>, window_params = [{transform_indices = #map}, {transform_indices = #map}, {transform_indices = #map1}, {transform_indices = #map1}, {transform_indices = #map}, {transform_indices = #map}, {transform_indices = #map2}]} {
    %mul3A = arith.constant 2 : i32
    %mul3A_0 = arith.muli %arg0, %mul3A : i32
    %add3A = arith.constant 0 : i32
    %add3A_1 = arith.addi %mul3A_0, %add3A : i32
    %mul3A_2 = arith.constant 12544 : i32
    %mul3A_3 = arith.muli %add3A_1, %mul3A_2 : i32
    %barrier3A = arith.constant 0 : index
    tpu.barrier barrier_id(%barrier3A)
    %scan3A = arith.constant 0 : i32
    %scan3A_4 = arith.constant 0 : i32
    %scan3A_5 = arith.constant 512 : i32
    %scan3A_6 = arith.addi %scan3A_4, %scan3A_5 : i32
    %scan3A_7 = arith.constant 1 : i32
    %scan3A_8 = scf.for %scan3A_180 = %scan3A_4 to %scan3A_6 step %scan3A_7 iter_args(%scan3A_181 = %scan3A) -> (i32)  : i32 {
      %broadcast_in_dim3A = arith.constant 0.000000e+00 : f32
      %broadcast_in_dim3A_182 = vector.broadcast %broadcast_in_dim3A : f32 to vector<16xf32>
      %jit3A = arith.constant 8 : i32
      %div3A = arith.divsi %scan3A_180, %jit3A : i32
      %sign3A = arith.constant 0 : i32
      %sign3A_183 = arith.cmpi sgt, %scan3A_180, %sign3A : i32
      %sign3A_184 = arith.extui %sign3A_183 : i1 to i32
      %sign3A_185 = arith.constant 0 : i32
      %sign3A_186 = arith.cmpi slt, %scan3A_180, %sign3A_185 : i32
      %sign3A_187 = arith.extui %sign3A_186 : i1 to i32
      %sign3A_188 = arith.subi %sign3A_184, %sign3A_187 : i32
      %sign3A_189 = arith.constant 0 : i32
      %sign3A_190 = arith.cmpi sgt, %jit3A, %sign3A_189 : i32
      %sign3A_191 = arith.extui %sign3A_190 : i1 to i32
      %sign3A_192 = arith.constant 0 : i32
      %sign3A_193 = arith.cmpi slt, %jit3A, %sign3A_192 : i32
      %sign3A_194 = arith.extui %sign3A_193 : i1 to i32
      %sign3A_195 = arith.subi %sign3A_191, %sign3A_194 : i32
      %ne3A = arith.cmpi ne, %sign3A_188, %sign3A_195 : i32
      %rem3A = arith.remsi %scan3A_180, %jit3A : i32
      %ne3A_196 = arith.constant 0 : i32
      %ne3A_197 = arith.cmpi ne, %rem3A, %ne3A_196 : i32
      %and3A = arith.andi %ne3A, %ne3A_197 : i1
      %sub3A = arith.constant 1 : i32
      %sub3A_198 = arith.subi %div3A, %sub3A : i32
      %select_n3A = arith.select %and3A, %sub3A_198, %div3A : i32
      %jit3A_199 = arith.constant 8 : i32
      %eq3A_200 = arith.constant 0 : i32
      %eq3A_201 = arith.cmpi eq, %jit3A_199, %eq3A_200 : i32
      %jit3A_202 = arith.constant 1 : i32
      %select_n3A_203 = arith.select %eq3A_201, %jit3A_202, %jit3A_199 : i32
      %rem3A_204 = arith.remsi %scan3A_180, %select_n3A_203 : i32
      %ne3A_205 = arith.constant 0 : i32
      %ne3A_206 = arith.cmpi ne, %rem3A_204, %ne3A_205 : i32
      %lt3A = arith.constant 0 : i32
      %lt3A_207 = arith.cmpi slt, %rem3A_204, %lt3A : i32
      %lt3A_208 = arith.constant 0 : i32
      %lt3A_209 = arith.cmpi slt, %select_n3A_203, %lt3A_208 : i32
      %ne3A_210 = arith.xori %lt3A_207, %lt3A_209 : i1
      %and3A_211 = arith.andi %ne3A_210, %ne3A_206 : i1
      %add3A_212 = arith.addi %rem3A_204, %select_n3A_203 : i32
      %select_n3A_213 = arith.select %and3A_211, %add3A_212, %rem3A_204 : i32
      %mul3A_214 = arith.constant 16 : i32
      %mul3A_215 = arith.muli %select_n3A_213, %mul3A_214 : i32
      %swap3A = arith.index_cast %select_n3A : i32 to index
      %swap3A_216 = arith.index_cast %mul3A_215 : i32 to index
      %swap3A_217 = tpu.vector_load %arg13[%swap3A, %swap3A_216] {strides = array<i32>} : memref<64x128xf32, #tpu.memory_space<vmem>>, vector<1x16xf32>,
      %swap3A_218 = vector.shape_cast %swap3A_217 : vector<1x16xf32> to vector<16xf32>
      %swap3A_219 = vector.shape_cast %broadcast_in_dim3A_182 : vector<16xf32> to vector<1x16xf32>
      tpu.vector_store %arg13[%swap3A, %swap3A_216], %swap3A_219 {strides = array<i32>} : memref<64x128xf32, #tpu.memory_space<vmem>>, vector<1x16xf32>,
      %scan3A_220 = arith.constant 0 : i32
      scf.yield %scan3A_220 : i32
    }
    %scan3A_9 = arith.constant 512 : i32
    %mul3A_10 = arith.constant 784 : i32
    %mul3A_11 = arith.muli %arg1, %mul3A_10 : i32
    %add3A_12 = arith.constant 0 : i32
    %add3A_13 = arith.addi %mul3A_11, %add3A_12 : i32
    "tpu.region"() ({
      %run_scoped3A = tpu.sem_alloc : memref<!tpu.dma_semaphore, #tpu.memory_space<semaphore_mem>>
      %dma_start3A = arith.constant 0 : i32
      %dma_start3A_180 = tpu.memref_slice %arg14[%add3A_13, %dma_start3A] : memref<12552x128xf32, #tpu.memory_space<vmem_shared>> -> memref<64x128xf32, #tpu.memory_space<vmem_shared>>
      %dma_start3A_181 = arith.constant 0 : i32
      %dma_start3A_182 = tpu.memref_slice %arg14[%add3A_13, %dma_start3A_181] : memref<12552x128xf32, #tpu.memory_space<vmem_shared>> -> memref<64x128xf32, #tpu.memory_space<vmem_shared>>
      tpu.enqueue_dma source(%arg13 : memref<64x128xf32, #tpu.memory_space<vmem>>) target(%dma_start3A_182 : memref<64x128xf32, #tpu.memory_space<vmem_shared>>) target_semaphore(%run_scoped3A : memref<!tpu.dma_semaphore, #tpu.memory_space<semaphore_mem>>)
      %dma_wait3A = arith.constant 0 : i32
      %dma_wait3A_183 = tpu.memref_slice %arg14[%add3A_13, %dma_wait3A] : memref<12552x128xf32, #tpu.memory_space<vmem_shared>> -> memref<64x128xf32, #tpu.memory_space<vmem_shared>>
      %dma_wait3A_184 = arith.constant 0 : i32
      %dma_wait3A_185 = tpu.memref_slice %arg14[%add3A_13, %dma_wait3A_184] : memref<12552x128xf32, #tpu.memory_space<vmem_shared>> -> memref<64x128xf32, #tpu.memory_space<vmem_shared>>
      tpu.wait_dma2 semaphore(%run_scoped3A : memref<!tpu.dma_semaphore, #tpu.memory_space<semaphore_mem>>) src(%arg13 : memref<64x128xf32, #tpu.memory_space<vmem>>) dst(%dma_wait3A_185 : memref<64x128xf32, #tpu.memory_space<vmem_shared>>)
      tpu.yield
    }) : () -> ()
    %mul3A_14 = arith.constant 784 : i32
    %mul3A_15 = arith.muli %arg1, %mul3A_14 : i32
    %add3A_16 = arith.constant 64 : i32
    %add3A_17 = arith.addi %mul3A_15, %add3A_16 : i32
    "tpu.region"() ({
      %run_scoped3A = tpu.sem_alloc : memref<!tpu.dma_semaphore, #tpu.memory_space<semaphore_mem>>
      %dma_start3A = arith.constant 0 : i32
      %dma_start3A_180 = tpu.memref_slice %arg14[%add3A_17, %dma_start3A] : memref<12552x128xf32, #tpu.memory_space<vmem_shared>> -> memref<64x128xf32, #tpu.memory_space<vmem_shared>>
      %dma_start3A_181 = arith.constant 0 : i32
      %dma_start3A_182 = tpu.memref_slice %arg14[%add3A_17, %dma_start3A_181] : memref<12552x128xf32, #tpu.memory_space<vmem_shared>> -> memref<64x128xf32, #tpu.memory_space<vmem_shared>>
      tpu.enqueue_dma source(%arg13 : memref<64x128xf32, #tpu.memory_space<vmem>>) target(%dma_start3A_182 : memref<64x128xf32, #tpu.memory_space<vmem_shared>>) target_semaphore(%run_scoped3A : memref<!tpu.dma_semaphore, #tpu.memory_space<semaphore_mem>>)
      %dma_wait3A = arith.constant 0 : i32
      %dma_wait3A_183 = tpu.memref_slice %arg14[%add3A_17, %dma_wait3A] : memref<12552x128xf32, #tpu.memory_space<vmem_shared>> -> memref<64x128xf32, #tpu.memory_space<vmem_shared>>
      %dma_wait3A_184 = arith.constant 0 : i32
      %dma_wait3A_185 = tpu.memref_slice %arg14[%add3A_17, %dma_wait3A_184] : memref<12552x128xf32, #tpu.memory_space<vmem_shared>> -> memref<64x128xf32, #tpu.memory_space<vmem_shared>>
      tpu.wait_dma2 semaphore(%run_scoped3A : memref<!tpu.dma_semaphore, #tpu.memory_space<semaphore_mem>>) src(%arg13 : memref<64x128xf32, #tpu.memory_space<vmem>>) dst(%dma_wait3A_185 : memref<64x128xf32, #tpu.memory_space<vmem_shared>>)
      tpu.yield
    }) : () -> ()
    %mul3A_18 = arith.constant 784 : i32
    %mul3A_19 = arith.muli %arg1, %mul3A_18 : i32
    %add3A_20 = arith.constant 128 : i32
    %add3A_21 = arith.addi %mul3A_19, %add3A_20 : i32
    "tpu.region"() ({
      %run_scoped3A = tpu.sem_alloc : memref<!tpu.dma_semaphore, #tpu.memory_space<semaphore_mem>>
      %dma_start3A = arith.constant 0 : i32
      %dma_start3A_180 = tpu.memref_slice %arg14[%add3A_21, %dma_start3A] : memref<12552x128xf32, #tpu.memory_space<vmem_shared>> -> memref<64x128xf32, #tpu.memory_space<vmem_shared>>
      %dma_start3A_181 = arith.constant 0 : i32
      %dma_start3A_182 = tpu.memref_slice %arg14[%add3A_21, %dma_start3A_181] : memref<12552x128xf32, #tpu.memory_space<vmem_shared>> -> memref<64x128xf32, #tpu.memory_space<vmem_shared>>
      tpu.enqueue_dma source(%arg13 : memref<64x128xf32, #tpu.memory_space<vmem>>) target(%dma_start3A_182 : memref<64x128xf32, #tpu.memory_space<vmem_shared>>) target_semaphore(%run_scoped3A : memref<!tpu.dma_semaphore, #tpu.memory_space<semaphore_mem>>)
      %dma_wait3A = arith.constant 0 : i32
      %dma_wait3A_183 = tpu.memref_slice %arg14[%add3A_21, %dma_wait3A] : memref<12552x128xf32, #tpu.memory_space<vmem_shared>> -> memref<64x128xf32, #tpu.memory_space<vmem_shared>>
      %dma_wait3A_184 = arith.constant 0 : i32
      %dma_wait3A_185 = tpu.memref_slice %arg14[%add3A_21, %dma_wait3A_184] : memref<12552x128xf32, #tpu.memory_space<vmem_shared>> -> memref<64x128xf32, #tpu.memory_space<vmem_shared>>
      tpu.wait_dma2 semaphore(%run_scoped3A : memref<!tpu.dma_semaphore, #tpu.memory_space<semaphore_mem>>) src(%arg13 : memref<64x128xf32, #tpu.memory_space<vmem>>) dst(%dma_wait3A_185 : memref<64x128xf32, #tpu.memory_space<vmem_shared>>)
      tpu.yield
    }) : () -> ()
    %mul3A_22 = arith.constant 784 : i32
    %mul3A_23 = arith.muli %arg1, %mul3A_22 : i32
    %add3A_24 = arith.constant 192 : i32
    %add3A_25 = arith.addi %mul3A_23, %add3A_24 : i32
    "tpu.region"() ({
      %run_scoped3A = tpu.sem_alloc : memref<!tpu.dma_semaphore, #tpu.memory_space<semaphore_mem>>
      %dma_start3A = arith.constant 0 : i32
      %dma_start3A_180 = tpu.memref_slice %arg14[%add3A_25, %dma_start3A] : memref<12552x128xf32, #tpu.memory_space<vmem_shared>> -> memref<64x128xf32, #tpu.memory_space<vmem_shared>>
      %dma_start3A_181 = arith.constant 0 : i32
      %dma_start3A_182 = tpu.memref_slice %arg14[%add3A_25, %dma_start3A_181] : memref<12552x128xf32, #tpu.memory_space<vmem_shared>> -> memref<64x128xf32, #tpu.memory_space<vmem_shared>>
      tpu.enqueue_dma source(%arg13 : memref<64x128xf32, #tpu.memory_space<vmem>>) target(%dma_start3A_182 : memref<64x128xf32, #tpu.memory_space<vmem_shared>>) target_semaphore(%run_scoped3A : memref<!tpu.dma_semaphore, #tpu.memory_space<semaphore_mem>>)
      %dma_wait3A = arith.constant 0 : i32
      %dma_wait3A_183 = tpu.memref_slice %arg14[%add3A_25, %dma_wait3A] : memref<12552x128xf32, #tpu.memory_space<vmem_shared>> -> memref<64x128xf32, #tpu.memory_space<vmem_shared>>
      %dma_wait3A_184 = arith.constant 0 : i32
      %dma_wait3A_185 = tpu.memref_slice %arg14[%add3A_25, %dma_wait3A_184] : memref<12552x128xf32, #tpu.memory_space<vmem_shared>> -> memref<64x128xf32, #tpu.memory_space<vmem_shared>>
      tpu.wait_dma2 semaphore(%run_scoped3A : memref<!tpu.dma_semaphore, #tpu.memory_space<semaphore_mem>>) src(%arg13 : memref<64x128xf32, #tpu.memory_space<vmem>>) dst(%dma_wait3A_185 : memref<64x128xf32, #tpu.memory_space<vmem_shared>>)
      tpu.yield
    }) : () -> ()
    %mul3A_26 = arith.constant 784 : i32
    %mul3A_27 = arith.muli %arg1, %mul3A_26 : i32
    %add3A_28 = arith.constant 256 : i32
    %add3A_29 = arith.addi %mul3A_27, %add3A_28 : i32
    "tpu.region"() ({
      %run_scoped3A = tpu.sem_alloc : memref<!tpu.dma_semaphore, #tpu.memory_space<semaphore_mem>>
      %dma_start3A = arith.constant 0 : i32
      %dma_start3A_180 = tpu.memref_slice %arg14[%add3A_29, %dma_start3A] : memref<12552x128xf32, #tpu.memory_space<vmem_shared>> -> memref<64x128xf32, #tpu.memory_space<vmem_shared>>
      %dma_start3A_181 = arith.constant 0 : i32
      %dma_start3A_182 = tpu.memref_slice %arg14[%add3A_29, %dma_start3A_181] : memref<12552x128xf32, #tpu.memory_space<vmem_shared>> -> memref<64x128xf32, #tpu.memory_space<vmem_shared>>
      tpu.enqueue_dma source(%arg13 : memref<64x128xf32, #tpu.memory_space<vmem>>) target(%dma_start3A_182 : memref<64x128xf32, #tpu.memory_space<vmem_shared>>) target_semaphore(%run_scoped3A : memref<!tpu.dma_semaphore, #tpu.memory_space<semaphore_mem>>)
      %dma_wait3A = arith.constant 0 : i32
      %dma_wait3A_183 = tpu.memref_slice %arg14[%add3A_29, %dma_wait3A] : memref<12552x128xf32, #tpu.memory_space<vmem_shared>> -> memref<64x128xf32, #tpu.memory_space<vmem_shared>>
      %dma_wait3A_184 = arith.constant 0 : i32
      %dma_wait3A_185 = tpu.memref_slice %arg14[%add3A_29, %dma_wait3A_184] : memref<12552x128xf32, #tpu.memory_space<vmem_shared>> -> memref<64x128xf32, #tpu.memory_space<vmem_shared>>
      tpu.wait_dma2 semaphore(%run_scoped3A : memref<!tpu.dma_semaphore, #tpu.memory_space<semaphore_mem>>) src(%arg13 : memref<64x128xf32, #tpu.memory_space<vmem>>) dst(%dma_wait3A_185 : memref<64x128xf32, #tpu.memory_space<vmem_shared>>)
      tpu.yield
    }) : () -> ()
    %mul3A_30 = arith.constant 784 : i32
    %mul3A_31 = arith.muli %arg1, %mul3A_30 : i32
    %add3A_32 = arith.constant 320 : i32
    %add3A_33 = arith.addi %mul3A_31, %add3A_32 : i32
    "tpu.region"() ({
      %run_scoped3A = tpu.sem_alloc : memref<!tpu.dma_semaphore, #tpu.memory_space<semaphore_mem>>
      %dma_start3A = arith.constant 0 : i32
      %dma_start3A_180 = tpu.memref_slice %arg14[%add3A_33, %dma_start3A] : memref<12552x128xf32, #tpu.memory_space<vmem_shared>> -> memref<64x128xf32, #tpu.memory_space<vmem_shared>>
      %dma_start3A_181 = arith.constant 0 : i32
      %dma_start3A_182 = tpu.memref_slice %arg14[%add3A_33, %dma_start3A_181] : memref<12552x128xf32, #tpu.memory_space<vmem_shared>> -> memref<64x128xf32, #tpu.memory_space<vmem_shared>>
      tpu.enqueue_dma source(%arg13 : memref<64x128xf32, #tpu.memory_space<vmem>>) target(%dma_start3A_182 : memref<64x128xf32, #tpu.memory_space<vmem_shared>>) target_semaphore(%run_scoped3A : memref<!tpu.dma_semaphore, #tpu.memory_space<semaphore_mem>>)
      %dma_wait3A = arith.constant 0 : i32
      %dma_wait3A_183 = tpu.memref_slice %arg14[%add3A_33, %dma_wait3A] : memref<12552x128xf32, #tpu.memory_space<vmem_shared>> -> memref<64x128xf32, #tpu.memory_space<vmem_shared>>
      %dma_wait3A_184 = arith.constant 0 : i32
      %dma_wait3A_185 = tpu.memref_slice %arg14[%add3A_33, %dma_wait3A_184] : memref<12552x128xf32, #tpu.memory_space<vmem_shared>> -> memref<64x128xf32, #tpu.memory_space<vmem_shared>>
      tpu.wait_dma2 semaphore(%run_scoped3A : memref<!tpu.dma_semaphore, #tpu.memory_space<semaphore_mem>>) src(%arg13 : memref<64x128xf32, #tpu.memory_space<vmem>>) dst(%dma_wait3A_185 : memref<64x128xf32, #tpu.memory_space<vmem_shared>>)
      tpu.yield
    }) : () -> ()
    %mul3A_34 = arith.constant 784 : i32
    %mul3A_35 = arith.muli %arg1, %mul3A_34 : i32
    %add3A_36 = arith.constant 384 : i32
    %add3A_37 = arith.addi %mul3A_35, %add3A_36 : i32
    "tpu.region"() ({
      %run_scoped3A = tpu.sem_alloc : memref<!tpu.dma_semaphore, #tpu.memory_space<semaphore_mem>>
      %dma_start3A = arith.constant 0 : i32
      %dma_start3A_180 = tpu.memref_slice %arg14[%add3A_37, %dma_start3A] : memref<12552x128xf32, #tpu.memory_space<vmem_shared>> -> memref<64x128xf32, #tpu.memory_space<vmem_shared>>
      %dma_start3A_181 = arith.constant 0 : i32
      %dma_start3A_182 = tpu.memref_slice %arg14[%add3A_37, %dma_start3A_181] : memref<12552x128xf32, #tpu.memory_space<vmem_shared>> -> memref<64x128xf32, #tpu.memory_space<vmem_shared>>
      tpu.enqueue_dma source(%arg13 : memref<64x128xf32, #tpu.memory_space<vmem>>) target(%dma_start3A_182 : memref<64x128xf32, #tpu.memory_space<vmem_shared>>) target_semaphore(%run_scoped3A : memref<!tpu.dma_semaphore, #tpu.memory_space<semaphore_mem>>)
      %dma_wait3A = arith.constant 0 : i32
      %dma_wait3A_183 = tpu.memref_slice %arg14[%add3A_37, %dma_wait3A] : memref<12552x128xf32, #tpu.memory_space<vmem_shared>> -> memref<64x128xf32, #tpu.memory_space<vmem_shared>>
      %dma_wait3A_184 = arith.constant 0 : i32
      %dma_wait3A_185 = tpu.memref_slice %arg14[%add3A_37, %dma_wait3A_184] : memref<12552x128xf32, #tpu.memory_space<vmem_shared>> -> memref<64x128xf32, #tpu.memory_space<vmem_shared>>
      tpu.wait_dma2 semaphore(%run_scoped3A : memref<!tpu.dma_semaphore, #tpu.memory_space<semaphore_mem>>) src(%arg13 : memref<64x128xf32, #tpu.memory_space<vmem>>) dst(%dma_wait3A_185 : memref<64x128xf32, #tpu.memory_space<vmem_shared>>)
      tpu.yield
    }) : () -> ()
    %mul3A_38 = arith.constant 784 : i32
    %mul3A_39 = arith.muli %arg1, %mul3A_38 : i32
    %add3A_40 = arith.constant 448 : i32
    %add3A_41 = arith.addi %mul3A_39, %add3A_40 : i32
    "tpu.region"() ({
      %run_scoped3A = tpu.sem_alloc : memref<!tpu.dma_semaphore, #tpu.memory_space<semaphore_mem>>
      %dma_start3A = arith.constant 0 : i32
      %dma_start3A_180 = tpu.memref_slice %arg14[%add3A_41, %dma_start3A] : memref<12552x128xf32, #tpu.memory_space<vmem_shared>> -> memref<64x128xf32, #tpu.memory_space<vmem_shared>>
      %dma_start3A_181 = arith.constant 0 : i32
      %dma_start3A_182 = tpu.memref_slice %arg14[%add3A_41, %dma_start3A_181] : memref<12552x128xf32, #tpu.memory_space<vmem_shared>> -> memref<64x128xf32, #tpu.memory_space<vmem_shared>>
      tpu.enqueue_dma source(%arg13 : memref<64x128xf32, #tpu.memory_space<vmem>>) target(%dma_start3A_182 : memref<64x128xf32, #tpu.memory_space<vmem_shared>>) target_semaphore(%run_scoped3A : memref<!tpu.dma_semaphore, #tpu.memory_space<semaphore_mem>>)
      %dma_wait3A = arith.constant 0 : i32
      %dma_wait3A_183 = tpu.memref_slice %arg14[%add3A_41, %dma_wait3A] : memref<12552x128xf32, #tpu.memory_space<vmem_shared>> -> memref<64x128xf32, #tpu.memory_space<vmem_shared>>
      %dma_wait3A_184 = arith.constant 0 : i32
      %dma_wait3A_185 = tpu.memref_slice %arg14[%add3A_41, %dma_wait3A_184] : memref<12552x128xf32, #tpu.memory_space<vmem_shared>> -> memref<64x128xf32, #tpu.memory_space<vmem_shared>>
      tpu.wait_dma2 semaphore(%run_scoped3A : memref<!tpu.dma_semaphore, #tpu.memory_space<semaphore_mem>>) src(%arg13 : memref<64x128xf32, #tpu.memory_space<vmem>>) dst(%dma_wait3A_185 : memref<64x128xf32, #tpu.memory_space<vmem_shared>>)
      tpu.yield
    }) : () -> ()
    %mul3A_42 = arith.constant 784 : i32
    %mul3A_43 = arith.muli %arg1, %mul3A_42 : i32
    %add3A_44 = arith.constant 512 : i32
    %add3A_45 = arith.addi %mul3A_43, %add3A_44 : i32
    "tpu.region"() ({
      %run_scoped3A = tpu.sem_alloc : memref<!tpu.dma_semaphore, #tpu.memory_space<semaphore_mem>>
      %dma_start3A = arith.constant 0 : i32
      %dma_start3A_180 = tpu.memref_slice %arg14[%add3A_45, %dma_start3A] : memref<12552x128xf32, #tpu.memory_space<vmem_shared>> -> memref<64x128xf32, #tpu.memory_space<vmem_shared>>
      %dma_start3A_181 = arith.constant 0 : i32
      %dma_start3A_182 = tpu.memref_slice %arg14[%add3A_45, %dma_start3A_181] : memref<12552x128xf32, #tpu.memory_space<vmem_shared>> -> memref<64x128xf32, #tpu.memory_space<vmem_shared>>
      tpu.enqueue_dma source(%arg13 : memref<64x128xf32, #tpu.memory_space<vmem>>) target(%dma_start3A_182 : memref<64x128xf32, #tpu.memory_space<vmem_shared>>) target_semaphore(%run_scoped3A : memref<!tpu.dma_semaphore, #tpu.memory_space<semaphore_mem>>)
      %dma_wait3A = arith.constant 0 : i32
      %dma_wait3A_183 = tpu.memref_slice %arg14[%add3A_45, %dma_wait3A] : memref<12552x128xf32, #tpu.memory_space<vmem_shared>> -> memref<64x128xf32, #tpu.memory_space<vmem_shared>>
      %dma_wait3A_184 = arith.constant 0 : i32
      %dma_wait3A_185 = tpu.memref_slice %arg14[%add3A_45, %dma_wait3A_184] : memref<12552x128xf32, #tpu.memory_space<vmem_shared>> -> memref<64x128xf32, #tpu.memory_space<vmem_shared>>
      tpu.wait_dma2 semaphore(%run_scoped3A : memref<!tpu.dma_semaphore, #tpu.memory_space<semaphore_mem>>) src(%arg13 : memref<64x128xf32, #tpu.memory_space<vmem>>) dst(%dma_wait3A_185 : memref<64x128xf32, #tpu.memory_space<vmem_shared>>)
      tpu.yield
    }) : () -> ()
    %mul3A_46 = arith.constant 784 : i32
    %mul3A_47 = arith.muli %arg1, %mul3A_46 : i32
    %add3A_48 = arith.constant 576 : i32
    %add3A_49 = arith.addi %mul3A_47, %add3A_48 : i32
    "tpu.region"() ({
      %run_scoped3A = tpu.sem_alloc : memref<!tpu.dma_semaphore, #tpu.memory_space<semaphore_mem>>
      %dma_start3A = arith.constant 0 : i32
      %dma_start3A_180 = tpu.memref_slice %arg14[%add3A_49, %dma_start3A] : memref<12552x128xf32, #tpu.memory_space<vmem_shared>> -> memref<64x128xf32, #tpu.memory_space<vmem_shared>>
      %dma_start3A_181 = arith.constant 0 : i32
      %dma_start3A_182 = tpu.memref_slice %arg14[%add3A_49, %dma_start3A_181] : memref<12552x128xf32, #tpu.memory_space<vmem_shared>> -> memref<64x128xf32, #tpu.memory_space<vmem_shared>>
      tpu.enqueue_dma source(%arg13 : memref<64x128xf32, #tpu.memory_space<vmem>>) target(%dma_start3A_182 : memref<64x128xf32, #tpu.memory_space<vmem_shared>>) target_semaphore(%run_scoped3A : memref<!tpu.dma_semaphore, #tpu.memory_space<semaphore_mem>>)
      %dma_wait3A = arith.constant 0 : i32
      %dma_wait3A_183 = tpu.memref_slice %arg14[%add3A_49, %dma_wait3A] : memref<12552x128xf32, #tpu.memory_space<vmem_shared>> -> memref<64x128xf32, #tpu.memory_space<vmem_shared>>
      %dma_wait3A_184 = arith.constant 0 : i32
      %dma_wait3A_185 = tpu.memref_slice %arg14[%add3A_49, %dma_wait3A_184] : memref<12552x128xf32, #tpu.memory_space<vmem_shared>> -> memref<64x128xf32, #tpu.memory_space<vmem_shared>>
      tpu.wait_dma2 semaphore(%run_scoped3A : memref<!tpu.dma_semaphore, #tpu.memory_space<semaphore_mem>>) src(%arg13 : memref<64x128xf32, #tpu.memory_space<vmem>>) dst(%dma_wait3A_185 : memref<64x128xf32, #tpu.memory_space<vmem_shared>>)
      tpu.yield
    }) : () -> ()
    %mul3A_50 = arith.constant 784 : i32
    %mul3A_51 = arith.muli %arg1, %mul3A_50 : i32
    %add3A_52 = arith.constant 640 : i32
    %add3A_53 = arith.addi %mul3A_51, %add3A_52 : i32
    "tpu.region"() ({
      %run_scoped3A = tpu.sem_alloc : memref<!tpu.dma_semaphore, #tpu.memory_space<semaphore_mem>>
      %dma_start3A = arith.constant 0 : i32
      %dma_start3A_180 = tpu.memref_slice %arg14[%add3A_53, %dma_start3A] : memref<12552x128xf32, #tpu.memory_space<vmem_shared>> -> memref<64x128xf32, #tpu.memory_space<vmem_shared>>
      %dma_start3A_181 = arith.constant 0 : i32
      %dma_start3A_182 = tpu.memref_slice %arg14[%add3A_53, %dma_start3A_181] : memref<12552x128xf32, #tpu.memory_space<vmem_shared>> -> memref<64x128xf32, #tpu.memory_space<vmem_shared>>
      tpu.enqueue_dma source(%arg13 : memref<64x128xf32, #tpu.memory_space<vmem>>) target(%dma_start3A_182 : memref<64x128xf32, #tpu.memory_space<vmem_shared>>) target_semaphore(%run_scoped3A : memref<!tpu.dma_semaphore, #tpu.memory_space<semaphore_mem>>)
      %dma_wait3A = arith.constant 0 : i32
      %dma_wait3A_183 = tpu.memref_slice %arg14[%add3A_53, %dma_wait3A] : memref<12552x128xf32, #tpu.memory_space<vmem_shared>> -> memref<64x128xf32, #tpu.memory_space<vmem_shared>>
      %dma_wait3A_184 = arith.constant 0 : i32
      %dma_wait3A_185 = tpu.memref_slice %arg14[%add3A_53, %dma_wait3A_184] : memref<12552x128xf32, #tpu.memory_space<vmem_shared>> -> memref<64x128xf32, #tpu.memory_space<vmem_shared>>
      tpu.wait_dma2 semaphore(%run_scoped3A : memref<!tpu.dma_semaphore, #tpu.memory_space<semaphore_mem>>) src(%arg13 : memref<64x128xf32, #tpu.memory_space<vmem>>) dst(%dma_wait3A_185 : memref<64x128xf32, #tpu.memory_space<vmem_shared>>)
      tpu.yield
    }) : () -> ()
    %mul3A_54 = arith.constant 784 : i32
    %mul3A_55 = arith.muli %arg1, %mul3A_54 : i32
    %add3A_56 = arith.constant 704 : i32
    %add3A_57 = arith.addi %mul3A_55, %add3A_56 : i32
    "tpu.region"() ({
      %run_scoped3A = tpu.sem_alloc : memref<!tpu.dma_semaphore, #tpu.memory_space<semaphore_mem>>
      %dma_start3A = arith.constant 0 : i32
      %dma_start3A_180 = tpu.memref_slice %arg14[%add3A_57, %dma_start3A] : memref<12552x128xf32, #tpu.memory_space<vmem_shared>> -> memref<64x128xf32, #tpu.memory_space<vmem_shared>>
      %dma_start3A_181 = arith.constant 0 : i32
      %dma_start3A_182 = tpu.memref_slice %arg14[%add3A_57, %dma_start3A_181] : memref<12552x128xf32, #tpu.memory_space<vmem_shared>> -> memref<64x128xf32, #tpu.memory_space<vmem_shared>>
      tpu.enqueue_dma source(%arg13 : memref<64x128xf32, #tpu.memory_space<vmem>>) target(%dma_start3A_182 : memref<64x128xf32, #tpu.memory_space<vmem_shared>>) target_semaphore(%run_scoped3A : memref<!tpu.dma_semaphore, #tpu.memory_space<semaphore_mem>>)
      %dma_wait3A = arith.constant 0 : i32
      %dma_wait3A_183 = tpu.memref_slice %arg14[%add3A_57, %dma_wait3A] : memref<12552x128xf32, #tpu.memory_space<vmem_shared>> -> memref<64x128xf32, #tpu.memory_space<vmem_shared>>
      %dma_wait3A_184 = arith.constant 0 : i32
      %dma_wait3A_185 = tpu.memref_slice %arg14[%add3A_57, %dma_wait3A_184] : memref<12552x128xf32, #tpu.memory_space<vmem_shared>> -> memref<64x128xf32, #tpu.memory_space<vmem_shared>>
      tpu.wait_dma2 semaphore(%run_scoped3A : memref<!tpu.dma_semaphore, #tpu.memory_space<semaphore_mem>>) src(%arg13 : memref<64x128xf32, #tpu.memory_space<vmem>>) dst(%dma_wait3A_185 : memref<64x128xf32, #tpu.memory_space<vmem_shared>>)
      tpu.yield
    }) : () -> ()
    %mul3A_58 = arith.constant 784 : i32
    %mul3A_59 = arith.muli %arg1, %mul3A_58 : i32
    %add3A_60 = arith.constant 768 : i32
    %add3A_61 = arith.addi %mul3A_59, %add3A_60 : i32
    "tpu.region"() ({
      %run_scoped3A = tpu.sem_alloc : memref<!tpu.dma_semaphore, #tpu.memory_space<semaphore_mem>>
      %dma_start3A = arith.constant 0 : i32
      %dma_start3A_180 = arith.constant 0 : i32
      %dma_start3A_181 = tpu.memref_slice %arg13[%dma_start3A, %dma_start3A_180] : memref<64x128xf32, #tpu.memory_space<vmem>> -> memref<16x128xf32, #tpu.memory_space<vmem>>
      %dma_start3A_182 = arith.constant 0 : i32
      %dma_start3A_183 = tpu.memref_slice %arg14[%add3A_61, %dma_start3A_182] : memref<12552x128xf32, #tpu.memory_space<vmem_shared>> -> memref<16x128xf32, #tpu.memory_space<vmem_shared>>
      %dma_start3A_184 = arith.constant 0 : i32
      %dma_start3A_185 = tpu.memref_slice %arg14[%add3A_61, %dma_start3A_184] : memref<12552x128xf32, #tpu.memory_space<vmem_shared>> -> memref<16x128xf32, #tpu.memory_space<vmem_shared>>
      %dma_start3A_186 = arith.constant 0 : i32
      %dma_start3A_187 = arith.constant 0 : i32
      %dma_start3A_188 = tpu.memref_slice %arg13[%dma_start3A_186, %dma_start3A_187] : memref<64x128xf32, #tpu.memory_space<vmem>> -> memref<16x128xf32, #tpu.memory_space<vmem>>
      tpu.enqueue_dma source(%dma_start3A_188 : memref<16x128xf32, #tpu.memory_space<vmem>>) target(%dma_start3A_185 : memref<16x128xf32, #tpu.memory_space<vmem_shared>>) target_semaphore(%run_scoped3A : memref<!tpu.dma_semaphore, #tpu.memory_space<semaphore_mem>>)
      %dma_wait3A = arith.constant 0 : i32
      %dma_wait3A_189 = arith.constant 0 : i32
      %dma_wait3A_190 = tpu.memref_slice %arg13[%dma_wait3A, %dma_wait3A_189] : memref<64x128xf32, #tpu.memory_space<vmem>> -> memref<16x128xf32, #tpu.memory_space<vmem>>
      %dma_wait3A_191 = arith.constant 0 : i32
      %dma_wait3A_192 = tpu.memref_slice %arg14[%add3A_61, %dma_wait3A_191] : memref<12552x128xf32, #tpu.memory_space<vmem_shared>> -> memref<16x128xf32, #tpu.memory_space<vmem_shared>>
      %dma_wait3A_193 = arith.constant 0 : i32
      %dma_wait3A_194 = tpu.memref_slice %arg14[%add3A_61, %dma_wait3A_193] : memref<12552x128xf32, #tpu.memory_space<vmem_shared>> -> memref<16x128xf32, #tpu.memory_space<vmem_shared>>
      %dma_wait3A_195 = arith.constant 0 : i32
      %dma_wait3A_196 = arith.constant 0 : i32
      %dma_wait3A_197 = tpu.memref_slice %arg13[%dma_wait3A_195, %dma_wait3A_196] : memref<64x128xf32, #tpu.memory_space<vmem>> -> memref<16x128xf32, #tpu.memory_space<vmem>>
      tpu.wait_dma2 semaphore(%run_scoped3A : memref<!tpu.dma_semaphore, #tpu.memory_space<semaphore_mem>>) src(%dma_wait3A_197 : memref<16x128xf32, #tpu.memory_space<vmem>>) dst(%dma_wait3A_194 : memref<16x128xf32, #tpu.memory_space<vmem_shared>>)
      tpu.yield
    }) : () -> ()
    %eq3A = arith.constant 0 : i32
    %eq3A_62 = arith.cmpi eq, %arg1, %eq3A : i32
    %convert_element_type3A = arith.extui %eq3A_62 : i1 to i32
    %cond3A = arith.constant 0 : i32
    %cond3A_63 = arith.cmpi ne, %convert_element_type3A, %cond3A : i32
    scf.if %cond3A_63 {
      "tpu.region"() ({
        %run_scoped3A = tpu.sem_alloc : memref<!tpu.dma_semaphore, #tpu.memory_space<semaphore_mem>>
        %dma_start3A = arith.constant 0 : i32
        %dma_start3A_180 = arith.constant 0 : i32
        %dma_start3A_181 = tpu.memref_slice %arg13[%dma_start3A, %dma_start3A_180] : memref<64x128xf32, #tpu.memory_space<vmem>> -> memref<8x128xf32, #tpu.memory_space<vmem>>
        %dma_start3A_182 = arith.constant 12544 : i32
        %dma_start3A_183 = arith.constant 0 : i32
        %dma_start3A_184 = tpu.memref_slice %arg14[%dma_start3A_182, %dma_start3A_183] : memref<12552x128xf32, #tpu.memory_space<vmem_shared>> -> memref<8x128xf32, #tpu.memory_space<vmem_shared>>
        %dma_start3A_185 = arith.constant 12544 : i32
        %dma_start3A_186 = arith.constant 0 : i32
        %dma_start3A_187 = tpu.memref_slice %arg14[%dma_start3A_185, %dma_start3A_186] : memref<12552x128xf32, #tpu.memory_space<vmem_shared>> -> memref<8x128xf32, #tpu.memory_space<vmem_shared>>
        %dma_start3A_188 = arith.constant 0 : i32
        %dma_start3A_189 = arith.constant 0 : i32
        %dma_start3A_190 = tpu.memref_slice %arg13[%dma_start3A_188, %dma_start3A_189] : memref<64x128xf32, #tpu.memory_space<vmem>> -> memref<8x128xf32, #tpu.memory_space<vmem>>
        tpu.enqueue_dma source(%dma_start3A_190 : memref<8x128xf32, #tpu.memory_space<vmem>>) target(%dma_start3A_187 : memref<8x128xf32, #tpu.memory_space<vmem_shared>>) target_semaphore(%run_scoped3A : memref<!tpu.dma_semaphore, #tpu.memory_space<semaphore_mem>>)
        %dma_wait3A = arith.constant 0 : i32
        %dma_wait3A_191 = arith.constant 0 : i32
        %dma_wait3A_192 = tpu.memref_slice %arg13[%dma_wait3A, %dma_wait3A_191] : memref<64x128xf32, #tpu.memory_space<vmem>> -> memref<8x128xf32, #tpu.memory_space<vmem>>
        %dma_wait3A_193 = arith.constant 12544 : i32
        %dma_wait3A_194 = arith.constant 0 : i32
        %dma_wait3A_195 = tpu.memref_slice %arg14[%dma_wait3A_193, %dma_wait3A_194] : memref<12552x128xf32, #tpu.memory_space<vmem_shared>> -> memref<8x128xf32, #tpu.memory_space<vmem_shared>>
        %dma_wait3A_196 = arith.constant 12544 : i32
        %dma_wait3A_197 = arith.constant 0 : i32
        %dma_wait3A_198 = tpu.memref_slice %arg14[%dma_wait3A_196, %dma_wait3A_197] : memref<12552x128xf32, #tpu.memory_space<vmem_shared>> -> memref<8x128xf32, #tpu.memory_space<vmem_shared>>
        %dma_wait3A_199 = arith.constant 0 : i32
        %dma_wait3A_200 = arith.constant 0 : i32
        %dma_wait3A_201 = tpu.memref_slice %arg13[%dma_wait3A_199, %dma_wait3A_200] : memref<64x128xf32, #tpu.memory_space<vmem>> -> memref<8x128xf32, #tpu.memory_space<vmem>>
        tpu.wait_dma2 semaphore(%run_scoped3A : memref<!tpu.dma_semaphore, #tpu.memory_space<semaphore_mem>>) src(%dma_wait3A_201 : memref<8x128xf32, #tpu.memory_space<vmem>>) dst(%dma_wait3A_198 : memref<8x128xf32, #tpu.memory_space<vmem_shared>>)
        tpu.yield
      }) : () -> ()
    } else {
    }
    %mul3A_64 = arith.constant 24 : i32
    %mul3A_65 = arith.muli %arg1, %mul3A_64 : i32
    "tpu.region"() ({
      %run_scoped3A = tpu.sem_alloc : memref<!tpu.dma_semaphore, #tpu.memory_space<semaphore_mem>>
      %dma_start3A = arith.constant 0 : i32
      %dma_start3A_180 = arith.constant 0 : i32
      %dma_start3A_181 = tpu.memref_slice %arg13[%dma_start3A, %dma_start3A_180] : memref<64x128xf32, #tpu.memory_space<vmem>> -> memref<24x128xf32, #tpu.memory_space<vmem>>
      %dma_start3A_182 = arith.constant 0 : i32
      %dma_start3A_183 = tpu.memref_slice %arg15[%mul3A_65, %dma_start3A_182] : memref<400x128xf32, #tpu.memory_space<vmem_shared>> -> memref<24x128xf32, #tpu.memory_space<vmem_shared>>
      %dma_start3A_184 = arith.constant 0 : i32
      %dma_start3A_185 = tpu.memref_slice %arg15[%mul3A_65, %dma_start3A_184] : memref<400x128xf32, #tpu.memory_space<vmem_shared>> -> memref<24x128xf32, #tpu.memory_space<vmem_shared>>
      %dma_start3A_186 = arith.constant 0 : i32
      %dma_start3A_187 = arith.constant 0 : i32
      %dma_start3A_188 = tpu.memref_slice %arg13[%dma_start3A_186, %dma_start3A_187] : memref<64x128xf32, #tpu.memory_space<vmem>> -> memref<24x128xf32, #tpu.memory_space<vmem>>
      tpu.enqueue_dma source(%dma_start3A_188 : memref<24x128xf32, #tpu.memory_space<vmem>>) target(%dma_start3A_185 : memref<24x128xf32, #tpu.memory_space<vmem_shared>>) target_semaphore(%run_scoped3A : memref<!tpu.dma_semaphore, #tpu.memory_space<semaphore_mem>>)
      %dma_wait3A = arith.constant 0 : i32
      %dma_wait3A_189 = arith.constant 0 : i32
      %dma_wait3A_190 = tpu.memref_slice %arg13[%dma_wait3A, %dma_wait3A_189] : memref<64x128xf32, #tpu.memory_space<vmem>> -> memref<24x128xf32, #tpu.memory_space<vmem>>
      %dma_wait3A_191 = arith.constant 0 : i32
      %dma_wait3A_192 = tpu.memref_slice %arg15[%mul3A_65, %dma_wait3A_191] : memref<400x128xf32, #tpu.memory_space<vmem_shared>> -> memref<24x128xf32, #tpu.memory_space<vmem_shared>>
      %dma_wait3A_193 = arith.constant 0 : i32
      %dma_wait3A_194 = tpu.memref_slice %arg15[%mul3A_65, %dma_wait3A_193] : memref<400x128xf32, #tpu.memory_space<vmem_shared>> -> memref<24x128xf32, #tpu.memory_space<vmem_shared>>
      %dma_wait3A_195 = arith.constant 0 : i32
      %dma_wait3A_196 = arith.constant 0 : i32
      %dma_wait3A_197 = tpu.memref_slice %arg13[%dma_wait3A_195, %dma_wait3A_196] : memref<64x128xf32, #tpu.memory_space<vmem>> -> memref<24x128xf32, #tpu.memory_space<vmem>>
      tpu.wait_dma2 semaphore(%run_scoped3A : memref<!tpu.dma_semaphore, #tpu.memory_space<semaphore_mem>>) src(%dma_wait3A_197 : memref<24x128xf32, #tpu.memory_space<vmem>>) dst(%dma_wait3A_194 : memref<24x128xf32, #tpu.memory_space<vmem_shared>>)
      tpu.yield
    }) : () -> ()
    %eq3A_66 = arith.constant 0 : i32
    %eq3A_67 = arith.cmpi eq, %arg1, %eq3A_66 : i32
    %convert_element_type3A_68 = arith.extui %eq3A_67 : i1 to i32
    %cond3A_69 = arith.constant 0 : i32
    %cond3A_70 = arith.cmpi ne, %convert_element_type3A_68, %cond3A_69 : i32
    scf.if %cond3A_70 {
      "tpu.region"() ({
        %run_scoped3A = tpu.sem_alloc : memref<!tpu.dma_semaphore, #tpu.memory_space<semaphore_mem>>
        %dma_start3A = arith.constant 0 : i32
        %dma_start3A_180 = arith.constant 0 : i32
        %dma_start3A_181 = tpu.memref_slice %arg13[%dma_start3A, %dma_start3A_180] : memref<64x128xf32, #tpu.memory_space<vmem>> -> memref<8x128xf32, #tpu.memory_space<vmem>>
        %dma_start3A_182 = arith.constant 384 : i32
        %dma_start3A_183 = arith.constant 0 : i32
        %dma_start3A_184 = tpu.memref_slice %arg15[%dma_start3A_182, %dma_start3A_183] : memref<400x128xf32, #tpu.memory_space<vmem_shared>> -> memref<8x128xf32, #tpu.memory_space<vmem_shared>>
        %dma_start3A_185 = arith.constant 384 : i32
        %dma_start3A_186 = arith.constant 0 : i32
        %dma_start3A_187 = tpu.memref_slice %arg15[%dma_start3A_185, %dma_start3A_186] : memref<400x128xf32, #tpu.memory_space<vmem_shared>> -> memref<8x128xf32, #tpu.memory_space<vmem_shared>>
        %dma_start3A_188 = arith.constant 0 : i32
        %dma_start3A_189 = arith.constant 0 : i32
        %dma_start3A_190 = tpu.memref_slice %arg13[%dma_start3A_188, %dma_start3A_189] : memref<64x128xf32, #tpu.memory_space<vmem>> -> memref<8x128xf32, #tpu.memory_space<vmem>>
        tpu.enqueue_dma source(%dma_start3A_190 : memref<8x128xf32, #tpu.memory_space<vmem>>) target(%dma_start3A_187 : memref<8x128xf32, #tpu.memory_space<vmem_shared>>) target_semaphore(%run_scoped3A : memref<!tpu.dma_semaphore, #tpu.memory_space<semaphore_mem>>)
        %dma_wait3A = arith.constant 0 : i32
        %dma_wait3A_191 = arith.constant 0 : i32
        %dma_wait3A_192 = tpu.memref_slice %arg13[%dma_wait3A, %dma_wait3A_191] : memref<64x128xf32, #tpu.memory_space<vmem>> -> memref<8x128xf32, #tpu.memory_space<vmem>>
        %dma_wait3A_193 = arith.constant 384 : i32
        %dma_wait3A_194 = arith.constant 0 : i32
        %dma_wait3A_195 = tpu.memref_slice %arg15[%dma_wait3A_193, %dma_wait3A_194] : memref<400x128xf32, #tpu.memory_space<vmem_shared>> -> memref<8x128xf32, #tpu.memory_space<vmem_shared>>
        %dma_wait3A_196 = arith.constant 384 : i32
        %dma_wait3A_197 = arith.constant 0 : i32
        %dma_wait3A_198 = tpu.memref_slice %arg15[%dma_wait3A_196, %dma_wait3A_197] : memref<400x128xf32, #tpu.memory_space<vmem_shared>> -> memref<8x128xf32, #tpu.memory_space<vmem_shared>>
        %dma_wait3A_199 = arith.constant 0 : i32
        %dma_wait3A_200 = arith.constant 0 : i32
        %dma_wait3A_201 = tpu.memref_slice %arg13[%dma_wait3A_199, %dma_wait3A_200] : memref<64x128xf32, #tpu.memory_space<vmem>> -> memref<8x128xf32, #tpu.memory_space<vmem>>
        tpu.wait_dma2 semaphore(%run_scoped3A : memref<!tpu.dma_semaphore, #tpu.memory_space<semaphore_mem>>) src(%dma_wait3A_201 : memref<8x128xf32, #tpu.memory_space<vmem>>) dst(%dma_wait3A_198 : memref<8x128xf32, #tpu.memory_space<vmem_shared>>)
        tpu.yield
      }) : () -> ()
    } else {
    }
    %barrier3A_71 = arith.constant 0 : index
    tpu.barrier barrier_id(%barrier3A_71)
    %scan3A_72 = arith.constant 0 : i32
    %scan3A_73 = arith.constant 0 : i32
    %scan3A_74 = arith.constant 392 : i32
    %scan3A_75 = arith.addi %scan3A_73, %scan3A_74 : i32
    %scan3A_76 = arith.constant 1 : i32
    %scan3A_77 = scf.for %scan3A_180 = %scan3A_73 to %scan3A_75 step %scan3A_76 iter_args(%scan3A_181 = %scan3A_72) -> (i32)  : i32 {
      %mul3A_182 = arith.constant 25088 : i32
      %mul3A_183 = arith.muli %arg1, %mul3A_182 : i32
      %mul3A_184 = arith.constant 64 : i32
      %mul3A_185 = arith.muli %scan3A_180, %mul3A_184 : i32
      %add3A_186 = arith.addi %mul3A_183, %mul3A_185 : i32
      "tpu.region"() ({
        %run_scoped3A_235 = tpu.sem_alloc : memref<!tpu.dma_semaphore, #tpu.memory_space<semaphore_mem>>
        %dma_start3A_236 = tpu.memref_slice %arg4[%add3A_186] : memref<401408xi32, #tpu.memory_space<hbm>> -> memref<64xi32, #tpu.memory_space<hbm>>
        %dma_start3A_237 = tpu.memref_slice %arg4[%add3A_186] : memref<401408xi32, #tpu.memory_space<hbm>> -> memref<64xi32, #tpu.memory_space<hbm>>
        tpu.enqueue_dma source(%dma_start3A_237 : memref<64xi32, #tpu.memory_space<hbm>>) target(%arg9 : memref<64xi32, #tpu.memory_space<vmem>>) target_semaphore(%run_scoped3A_235 : memref<!tpu.dma_semaphore, #tpu.memory_space<semaphore_mem>>)
        %dma_wait3A_238 = tpu.memref_slice %arg4[%add3A_186] : memref<401408xi32, #tpu.memory_space<hbm>> -> memref<64xi32, #tpu.memory_space<hbm>>
        %dma_wait3A_239 = tpu.memref_slice %arg4[%add3A_186] : memref<401408xi32, #tpu.memory_space<hbm>> -> memref<64xi32, #tpu.memory_space<hbm>>
        tpu.wait_dma2 semaphore(%run_scoped3A_235 : memref<!tpu.dma_semaphore, #tpu.memory_space<semaphore_mem>>) src(%dma_wait3A_239 : memref<64xi32, #tpu.memory_space<hbm>>) dst(%arg9 : memref<64xi32, #tpu.memory_space<vmem>>)
        tpu.yield
      }) : () -> ()
      %dma_start3A = arith.constant 0 : i32
      %dma_start3A_187 = arith.constant 0 : i32
      %dma_start3A_188 = tpu.memref_slice %arg2[%dma_start3A, %dma_start3A_187] : memref<50176x128xf32, #tpu.memory_space<hbm>> -> memref<50176x128xf32, #tpu.memory_space<hbm>>
      tpu.enqueue_indirect_dma source(%dma_start3A_188 : memref<50176x128xf32, #tpu.memory_space<hbm>>) target(%arg13 : memref<64x128xf32, #tpu.memory_space<vmem>>) offsets(%arg9 : memref<64xi32, #tpu.memory_space<vmem>>) semaphore(%arg16 : memref<!tpu.dma_semaphore, #tpu.memory_space<semaphore_mem>>)
      "tpu.region"() ({
        %run_scoped3A_235 = tpu.sem_alloc : memref<!tpu.dma_semaphore, #tpu.memory_space<semaphore_mem>>
        %dma_start3A_236 = tpu.memref_slice %arg5[%add3A_186] : memref<401408xi32, #tpu.memory_space<hbm>> -> memref<64xi32, #tpu.memory_space<hbm>>
        %dma_start3A_237 = tpu.memref_slice %arg5[%add3A_186] : memref<401408xi32, #tpu.memory_space<hbm>> -> memref<64xi32, #tpu.memory_space<hbm>>
        tpu.enqueue_dma source(%dma_start3A_237 : memref<64xi32, #tpu.memory_space<hbm>>) target(%arg10 : memref<64xi32, #tpu.memory_space<vmem>>) target_semaphore(%run_scoped3A_235 : memref<!tpu.dma_semaphore, #tpu.memory_space<semaphore_mem>>)
        %dma_wait3A_238 = tpu.memref_slice %arg5[%add3A_186] : memref<401408xi32, #tpu.memory_space<hbm>> -> memref<64xi32, #tpu.memory_space<hbm>>
        %dma_wait3A_239 = tpu.memref_slice %arg5[%add3A_186] : memref<401408xi32, #tpu.memory_space<hbm>> -> memref<64xi32, #tpu.memory_space<hbm>>
        tpu.wait_dma2 semaphore(%run_scoped3A_235 : memref<!tpu.dma_semaphore, #tpu.memory_space<semaphore_mem>>) src(%dma_wait3A_239 : memref<64xi32, #tpu.memory_space<hbm>>) dst(%arg10 : memref<64xi32, #tpu.memory_space<vmem>>)
        tpu.yield
      }) : () -> ()
      "tpu.region"() ({
        %run_scoped3A_235 = tpu.sem_alloc : memref<!tpu.dma_semaphore, #tpu.memory_space<semaphore_mem>>
        %dma_start3A_236 = arith.constant 0 : i32
        %dma_start3A_237 = tpu.memref_slice %arg3[%add3A_186, %dma_start3A_236] : memref<401408x64xf32, #tpu.memory_space<hbm>> -> memref<64x64xf32, #tpu.memory_space<hbm>>
        %dma_start3A_238 = arith.constant 0 : i32
        %dma_start3A_239 = tpu.memref_slice %arg3[%add3A_186, %dma_start3A_238] : memref<401408x64xf32, #tpu.memory_space<hbm>> -> memref<64x64xf32, #tpu.memory_space<hbm>>
        tpu.enqueue_dma source(%dma_start3A_239 : memref<64x64xf32, #tpu.memory_space<hbm>>) target(%arg12 : memref<64x64xf32, #tpu.memory_space<vmem>>) target_semaphore(%run_scoped3A_235 : memref<!tpu.dma_semaphore, #tpu.memory_space<semaphore_mem>>)
        %dma_wait3A_240 = arith.constant 0 : i32
        %dma_wait3A_241 = tpu.memref_slice %arg3[%add3A_186, %dma_wait3A_240] : memref<401408x64xf32, #tpu.memory_space<hbm>> -> memref<64x64xf32, #tpu.memory_space<hbm>>
        %dma_wait3A_242 = arith.constant 0 : i32
        %dma_wait3A_243 = tpu.memref_slice %arg3[%add3A_186, %dma_wait3A_242] : memref<401408x64xf32, #tpu.memory_space<hbm>> -> memref<64x64xf32, #tpu.memory_space<hbm>>
        tpu.wait_dma2 semaphore(%run_scoped3A_235 : memref<!tpu.dma_semaphore, #tpu.memory_space<semaphore_mem>>) src(%dma_wait3A_243 : memref<64x64xf32, #tpu.memory_space<hbm>>) dst(%arg12 : memref<64x64xf32, #tpu.memory_space<vmem>>)
        tpu.yield
      }) : () -> ()
      %scan3A_189 = arith.constant 0 : i32
      %scan3A_190 = arith.constant 0 : i32
      %scan3A_191 = arith.constant 4 : i32
      %scan3A_192 = arith.addi %scan3A_190, %scan3A_191 : i32
      %scan3A_193 = arith.constant 1 : i32
      %scan3A_194 = scf.for %scan3A_235 = %scan3A_190 to %scan3A_192 step %scan3A_193 iter_args(%scan3A_236 = %scan3A_189) -> (i32)  : i32 {
        %mul3A_237 = arith.constant 16 : i32
        %mul3A_238 = arith.muli %scan3A_235, %mul3A_237 : i32
        %get3A = arith.index_cast %mul3A_238 : i32 to index
        %get3A_239 = tpu.vector_load %arg10[%get3A] {strides = array<i32>} : memref<64xi32, #tpu.memory_space<vmem>>, vector<16xi32>,
        %get3A_240 = vector.shape_cast %get3A_239 : vector<16xi32> to vector<16xi32>
        %sub3A = vector.broadcast %mul3A_3 : i32 to vector<16xi32>
        %sub3A_241 = arith.subi %get3A_240, %sub3A : vector<16xi32>
        %ge3A = arith.constant 0 : i32
        %ge3A_242 = vector.broadcast %ge3A : i32 to vector<16xi32>
        %ge3A_243 = arith.cmpi sge, %sub3A_241, %ge3A_242 : vector<16xi32>
        %lt3A = arith.constant 12544 : i32
        %lt3A_244 = vector.broadcast %lt3A : i32 to vector<16xi32>
        %lt3A_245 = arith.cmpi slt, %sub3A_241, %lt3A_244 : vector<16xi32>
        %and3A = arith.andi %ge3A_243, %lt3A_245 : vector<16xi1>
        %jit3A = arith.constant 12544 : i32
        %broadcast_in_dim3A = vector.broadcast %jit3A : i32 to vector<16xi32>
        %select_n3A = arith.select %and3A, %sub3A_241, %broadcast_in_dim3A : vector<16xi1>, vector<16xi32>
        %mul3A_246 = arith.constant 16 : i32
        %mul3A_247 = arith.muli %scan3A_235, %mul3A_246 : i32
        %swap3A = arith.constant 0 : i32
        %swap3A_248 = arith.index_cast %swap3A : i32 to index
        %swap3A_249 = arith.index_cast %mul3A_247 : i32 to index
        %swap3A_250 = tpu.vector_load %arg11[%swap3A_248, %swap3A_249] {strides = array<i32>} : memref<3x64xi32, #tpu.memory_space<vmem>>, vector<1x16xi32>,
        %swap3A_251 = vector.shape_cast %swap3A_250 : vector<1x16xi32> to vector<16xi32>
        %swap3A_252 = vector.shape_cast %select_n3A : vector<16xi32> to vector<1x16xi32>
        tpu.vector_store %arg11[%swap3A_248, %swap3A_249], %swap3A_252 {strides = array<i32>} : memref<3x64xi32, #tpu.memory_space<vmem>>, vector<1x16xi32>,
        %scan3A_253 = arith.constant 0 : i32
        scf.yield %scan3A_253 : i32
      }
      %scan3A_195 = arith.constant 4 : i32
      %scan3A_196 = arith.constant 0 : i32
      %scan3A_197 = arith.constant 0 : i32
      %scan3A_198 = arith.constant 4 : i32
      %scan3A_199 = arith.addi %scan3A_197, %scan3A_198 : i32
      %scan3A_200 = arith.constant 1 : i32
      %scan3A_201 = scf.for %scan3A_235 = %scan3A_197 to %scan3A_199 step %scan3A_200 iter_args(%scan3A_236 = %scan3A_196) -> (i32)  : i32 {
        %mul3A_237 = arith.constant 16 : i32
        %mul3A_238 = arith.muli %scan3A_235, %mul3A_237 : i32
        %get3A = arith.index_cast %mul3A_238 : i32 to index
        %get3A_239 = tpu.vector_load %arg10[%get3A] {strides = array<i32>} : memref<64xi32, #tpu.memory_space<vmem>>, vector<16xi32>,
        %get3A_240 = vector.shape_cast %get3A_239 : vector<16xi32> to vector<16xi32>
        %shift_right_arithmetic3A = arith.constant 7 : i32
        %shift_right_arithmetic3A_241 = vector.broadcast %shift_right_arithmetic3A : i32 to vector<16xi32>
        %shift_right_arithmetic3A_242 = arith.shrsi %get3A_240, %shift_right_arithmetic3A_241 : vector<16xi32>
        %mul3A_243 = arith.constant 16 : i32
        %mul3A_244 = arith.muli %scan3A_235, %mul3A_243 : i32
        %swap3A = arith.constant 1 : i32
        %swap3A_245 = arith.index_cast %swap3A : i32 to index
        %swap3A_246 = arith.index_cast %mul3A_244 : i32 to index
        %swap3A_247 = tpu.vector_load %arg11[%swap3A_245, %swap3A_246] {strides = array<i32>} : memref<3x64xi32, #tpu.memory_space<vmem>>, vector<1x16xi32>,
        %swap3A_248 = vector.shape_cast %swap3A_247 : vector<1x16xi32> to vector<16xi32>
        %swap3A_249 = vector.shape_cast %shift_right_arithmetic3A_242 : vector<16xi32> to vector<1x16xi32>
        tpu.vector_store %arg11[%swap3A_245, %swap3A_246], %swap3A_249 {strides = array<i32>} : memref<3x64xi32, #tpu.memory_space<vmem>>, vector<1x16xi32>,
        %scan3A_250 = arith.constant 0 : i32
        scf.yield %scan3A_250 : i32
      }
      %scan3A_202 = arith.constant 4 : i32
      %scan3A_203 = arith.constant 0 : i32
      %scan3A_204 = arith.constant 0 : i32
      %scan3A_205 = arith.constant 4 : i32
      %scan3A_206 = arith.addi %scan3A_204, %scan3A_205 : i32
      %scan3A_207 = arith.constant 1 : i32
      %scan3A_208 = scf.for %scan3A_235 = %scan3A_204 to %scan3A_206 step %scan3A_207 iter_args(%scan3A_236 = %scan3A_203) -> (i32)  : i32 {
        %mul3A_237 = arith.constant 16 : i32
        %mul3A_238 = arith.muli %scan3A_235, %mul3A_237 : i32
        %get3A = arith.index_cast %mul3A_238 : i32 to index
        %get3A_239 = tpu.vector_load %arg10[%get3A] {strides = array<i32>} : memref<64xi32, #tpu.memory_space<vmem>>, vector<16xi32>,
        %get3A_240 = vector.shape_cast %get3A_239 : vector<16xi32> to vector<16xi32>
        %and3A = arith.constant 127 : i32
        %and3A_241 = vector.broadcast %and3A : i32 to vector<16xi32>
        %and3A_242 = arith.andi %get3A_240, %and3A_241 : vector<16xi32>
        %mul3A_243 = arith.constant 16 : i32
        %mul3A_244 = arith.muli %scan3A_235, %mul3A_243 : i32
        %swap3A = arith.constant 2 : i32
        %swap3A_245 = arith.index_cast %swap3A : i32 to index
        %swap3A_246 = arith.index_cast %mul3A_244 : i32 to index
        %swap3A_247 = tpu.vector_load %arg11[%swap3A_245, %swap3A_246] {strides = array<i32>} : memref<3x64xi32, #tpu.memory_space<vmem>>, vector<1x16xi32>,
        %swap3A_248 = vector.shape_cast %swap3A_247 : vector<1x16xi32> to vector<16xi32>
        %swap3A_249 = vector.shape_cast %and3A_242 : vector<16xi32> to vector<1x16xi32>
        tpu.vector_store %arg11[%swap3A_245, %swap3A_246], %swap3A_249 {strides = array<i32>} : memref<3x64xi32, #tpu.memory_space<vmem>>, vector<1x16xi32>,
        %scan3A_250 = arith.constant 0 : i32
        scf.yield %scan3A_250 : i32
      }
      %scan3A_209 = arith.constant 4 : i32
      %dma_wait3A = arith.constant 0 : i32
      %dma_wait3A_210 = arith.constant 0 : i32
      %dma_wait3A_211 = tpu.memref_slice %arg2[%dma_wait3A, %dma_wait3A_210] : memref<50176x128xf32, #tpu.memory_space<hbm>> -> memref<50176x128xf32, #tpu.memory_space<hbm>>
      tpu.wait_indirect_dma semaphore(%arg16 : memref<!tpu.dma_semaphore, #tpu.memory_space<semaphore_mem>>) src(%dma_wait3A_211 : memref<50176x128xf32, #tpu.memory_space<hbm>>) dst(%arg13 : memref<64x128xf32, #tpu.memory_space<vmem>>)
      %scan3A_212 = arith.constant 0 : i32
      %scan3A_213 = arith.constant 0 : i32
      %scan3A_214 = arith.constant 64 : i32
      %scan3A_215 = arith.addi %scan3A_213, %scan3A_214 : i32
      %scan3A_216 = arith.constant 1 : i32
      %scan3A_217 = scf.for %scan3A_235 = %scan3A_213 to %scan3A_215 step %scan3A_216 iter_args(%scan3A_236 = %scan3A_212) -> (i32)  : i32 {
        %get3A = arith.index_cast %scan3A_235 : i32 to index
        %get3A_237 = arith.constant 0 : index
        %get3A_238 = tpu.vector_load %arg12[%get3A, %get3A_237] {strides = array<i32>} : memref<64x64xf32, #tpu.memory_space<vmem>>, vector<1x16xf32>,
        %get3A_239 = vector.shape_cast %get3A_238 : vector<1x16xf32> to vector<16xf32>
        %get3A_240 = arith.index_cast %scan3A_235 : i32 to index
        %get3A_241 = arith.constant 16 : index
        %get3A_242 = tpu.vector_load %arg12[%get3A_240, %get3A_241] {strides = array<i32>} : memref<64x64xf32, #tpu.memory_space<vmem>>, vector<1x16xf32>,
        %get3A_243 = vector.shape_cast %get3A_242 : vector<1x16xf32> to vector<16xf32>
        %get3A_244 = arith.index_cast %scan3A_235 : i32 to index
        %get3A_245 = arith.constant 32 : index
        %get3A_246 = tpu.vector_load %arg12[%get3A_244, %get3A_245] {strides = array<i32>} : memref<64x64xf32, #tpu.memory_space<vmem>>, vector<1x16xf32>,
        %get3A_247 = vector.shape_cast %get3A_246 : vector<1x16xf32> to vector<16xf32>
        %get3A_248 = arith.index_cast %scan3A_235 : i32 to index
        %get3A_249 = arith.constant 48 : index
        %get3A_250 = tpu.vector_load %arg12[%get3A_248, %get3A_249] {strides = array<i32>} : memref<64x64xf32, #tpu.memory_space<vmem>>, vector<1x16xf32>,
        %get3A_251 = vector.shape_cast %get3A_250 : vector<1x16xf32> to vector<16xf32>
        %get3A_252 = arith.index_cast %scan3A_235 : i32 to index
        %get3A_253 = arith.constant 0 : index
        %get3A_254 = tpu.vector_load %arg13[%get3A_252, %get3A_253] {strides = array<i32>} : memref<64x128xf32, #tpu.memory_space<vmem>>, vector<1x16xf32>,
        %get3A_255 = vector.shape_cast %get3A_254 : vector<1x16xf32> to vector<16xf32>
        %mul3A_256 = arith.mulf %get3A_255, %get3A_239 : vector<16xf32>
        %swap3A = arith.index_cast %scan3A_235 : i32 to index
        %swap3A_257 = arith.constant 0 : index
        %swap3A_258 = tpu.vector_load %arg13[%swap3A, %swap3A_257] {strides = array<i32>} : memref<64x128xf32, #tpu.memory_space<vmem>>, vector<1x16xf32>,
        %swap3A_259 = vector.shape_cast %swap3A_258 : vector<1x16xf32> to vector<16xf32>
        %swap3A_260 = vector.shape_cast %mul3A_256 : vector<16xf32> to vector<1x16xf32>
        tpu.vector_store %arg13[%swap3A, %swap3A_257], %swap3A_260 {strides = array<i32>} : memref<64x128xf32, #tpu.memory_space<vmem>>, vector<1x16xf32>,
        %get3A_261 = arith.index_cast %scan3A_235 : i32 to index
        %get3A_262 = arith.constant 16 : index
        %get3A_263 = tpu.vector_load %arg13[%get3A_261, %get3A_262] {strides = array<i32>} : memref<64x128xf32, #tpu.memory_space<vmem>>, vector<1x16xf32>,
        %get3A_264 = vector.shape_cast %get3A_263 : vector<1x16xf32> to vector<16xf32>
        %mul3A_265 = arith.mulf %get3A_264, %get3A_243 : vector<16xf32>
        %swap3A_266 = arith.index_cast %scan3A_235 : i32 to index
        %swap3A_267 = arith.constant 16 : index
        %swap3A_268 = tpu.vector_load %arg13[%swap3A_266, %swap3A_267] {strides = array<i32>} : memref<64x128xf32, #tpu.memory_space<vmem>>, vector<1x16xf32>,
        %swap3A_269 = vector.shape_cast %swap3A_268 : vector<1x16xf32> to vector<16xf32>
        %swap3A_270 = vector.shape_cast %mul3A_265 : vector<16xf32> to vector<1x16xf32>
        tpu.vector_store %arg13[%swap3A_266, %swap3A_267], %swap3A_270 {strides = array<i32>} : memref<64x128xf32, #tpu.memory_space<vmem>>, vector<1x16xf32>,
        %get3A_271 = arith.index_cast %scan3A_235 : i32 to index
        %get3A_272 = arith.constant 32 : index
        %get3A_273 = tpu.vector_load %arg13[%get3A_271, %get3A_272] {strides = array<i32>} : memref<64x128xf32, #tpu.memory_space<vmem>>, vector<1x16xf32>,
        %get3A_274 = vector.shape_cast %get3A_273 : vector<1x16xf32> to vector<16xf32>
        %mul3A_275 = arith.mulf %get3A_274, %get3A_247 : vector<16xf32>
        %swap3A_276 = arith.index_cast %scan3A_235 : i32 to index
        %swap3A_277 = arith.constant 32 : index
        %swap3A_278 = tpu.vector_load %arg13[%swap3A_276, %swap3A_277] {strides = array<i32>} : memref<64x128xf32, #tpu.memory_space<vmem>>, vector<1x16xf32>,
        %swap3A_279 = vector.shape_cast %swap3A_278 : vector<1x16xf32> to vector<16xf32>
        %swap3A_280 = vector.shape_cast %mul3A_275 : vector<16xf32> to vector<1x16xf32>
        tpu.vector_store %arg13[%swap3A_276, %swap3A_277], %swap3A_280 {strides = array<i32>} : memref<64x128xf32, #tpu.memory_space<vmem>>, vector<1x16xf32>,
        %get3A_281 = arith.index_cast %scan3A_235 : i32 to index
        %get3A_282 = arith.constant 48 : index
        %get3A_283 = tpu.vector_load %arg13[%get3A_281, %get3A_282] {strides = array<i32>} : memref<64x128xf32, #tpu.memory_space<vmem>>, vector<1x16xf32>,
        %get3A_284 = vector.shape_cast %get3A_283 : vector<1x16xf32> to vector<16xf32>
        %mul3A_285 = arith.mulf %get3A_284, %get3A_251 : vector<16xf32>
        %swap3A_286 = arith.index_cast %scan3A_235 : i32 to index
        %swap3A_287 = arith.constant 48 : index
        %swap3A_288 = tpu.vector_load %arg13[%swap3A_286, %swap3A_287] {strides = array<i32>} : memref<64x128xf32, #tpu.memory_space<vmem>>, vector<1x16xf32>,
        %swap3A_289 = vector.shape_cast %swap3A_288 : vector<1x16xf32> to vector<16xf32>
        %swap3A_290 = vector.shape_cast %mul3A_285 : vector<16xf32> to vector<1x16xf32>
        tpu.vector_store %arg13[%swap3A_286, %swap3A_287], %swap3A_290 {strides = array<i32>} : memref<64x128xf32, #tpu.memory_space<vmem>>, vector<1x16xf32>,
        %get3A_291 = arith.index_cast %scan3A_235 : i32 to index
        %get3A_292 = arith.constant 64 : index
        %get3A_293 = tpu.vector_load %arg13[%get3A_291, %get3A_292] {strides = array<i32>} : memref<64x128xf32, #tpu.memory_space<vmem>>, vector<1x16xf32>,
        %get3A_294 = vector.shape_cast %get3A_293 : vector<1x16xf32> to vector<16xf32>
        %mul3A_295 = arith.mulf %get3A_294, %get3A_239 : vector<16xf32>
        %swap3A_296 = arith.index_cast %scan3A_235 : i32 to index
        %swap3A_297 = arith.constant 64 : index
        %swap3A_298 = tpu.vector_load %arg13[%swap3A_296, %swap3A_297] {strides = array<i32>} : memref<64x128xf32, #tpu.memory_space<vmem>>, vector<1x16xf32>,
        %swap3A_299 = vector.shape_cast %swap3A_298 : vector<1x16xf32> to vector<16xf32>
        %swap3A_300 = vector.shape_cast %mul3A_295 : vector<16xf32> to vector<1x16xf32>
        tpu.vector_store %arg13[%swap3A_296, %swap3A_297], %swap3A_300 {strides = array<i32>} : memref<64x128xf32, #tpu.memory_space<vmem>>, vector<1x16xf32>,
        %get3A_301 = arith.index_cast %scan3A_235 : i32 to index
        %get3A_302 = arith.constant 80 : index
        %get3A_303 = tpu.vector_load %arg13[%get3A_301, %get3A_302] {strides = array<i32>} : memref<64x128xf32, #tpu.memory_space<vmem>>, vector<1x16xf32>,
        %get3A_304 = vector.shape_cast %get3A_303 : vector<1x16xf32> to vector<16xf32>
        %mul3A_305 = arith.mulf %get3A_304, %get3A_243 : vector<16xf32>
        %swap3A_306 = arith.index_cast %scan3A_235 : i32 to index
        %swap3A_307 = arith.constant 80 : index
        %swap3A_308 = tpu.vector_load %arg13[%swap3A_306, %swap3A_307] {strides = array<i32>} : memref<64x128xf32, #tpu.memory_space<vmem>>, vector<1x16xf32>,
        %swap3A_309 = vector.shape_cast %swap3A_308 : vector<1x16xf32> to vector<16xf32>
        %swap3A_310 = vector.shape_cast %mul3A_305 : vector<16xf32> to vector<1x16xf32>
        tpu.vector_store %arg13[%swap3A_306, %swap3A_307], %swap3A_310 {strides = array<i32>} : memref<64x128xf32, #tpu.memory_space<vmem>>, vector<1x16xf32>,
        %get3A_311 = arith.index_cast %scan3A_235 : i32 to index
        %get3A_312 = arith.constant 96 : index
        %get3A_313 = tpu.vector_load %arg13[%get3A_311, %get3A_312] {strides = array<i32>} : memref<64x128xf32, #tpu.memory_space<vmem>>, vector<1x16xf32>,
        %get3A_314 = vector.shape_cast %get3A_313 : vector<1x16xf32> to vector<16xf32>
        %mul3A_315 = arith.mulf %get3A_314, %get3A_247 : vector<16xf32>
        %swap3A_316 = arith.index_cast %scan3A_235 : i32 to index
        %swap3A_317 = arith.constant 96 : index
        %swap3A_318 = tpu.vector_load %arg13[%swap3A_316, %swap3A_317] {strides = array<i32>} : memref<64x128xf32, #tpu.memory_space<vmem>>, vector<1x16xf32>,
        %swap3A_319 = vector.shape_cast %swap3A_318 : vector<1x16xf32> to vector<16xf32>
        %swap3A_320 = vector.shape_cast %mul3A_315 : vector<16xf32> to vector<1x16xf32>
        tpu.vector_store %arg13[%swap3A_316, %swap3A_317], %swap3A_320 {strides = array<i32>} : memref<64x128xf32, #tpu.memory_space<vmem>>, vector<1x16xf32>,
        %get3A_321 = arith.index_cast %scan3A_235 : i32 to index
        %get3A_322 = arith.constant 112 : index
        %get3A_323 = tpu.vector_load %arg13[%get3A_321, %get3A_322] {strides = array<i32>} : memref<64x128xf32, #tpu.memory_space<vmem>>, vector<1x16xf32>,
        %get3A_324 = vector.shape_cast %get3A_323 : vector<1x16xf32> to vector<16xf32>
        %mul3A_325 = arith.mulf %get3A_324, %get3A_251 : vector<16xf32>
        %swap3A_326 = arith.index_cast %scan3A_235 : i32 to index
        %swap3A_327 = arith.constant 112 : index
        %swap3A_328 = tpu.vector_load %arg13[%swap3A_326, %swap3A_327] {strides = array<i32>} : memref<64x128xf32, #tpu.memory_space<vmem>>, vector<1x16xf32>,
        %swap3A_329 = vector.shape_cast %swap3A_328 : vector<1x16xf32> to vector<16xf32>
        %swap3A_330 = vector.shape_cast %mul3A_325 : vector<16xf32> to vector<1x16xf32>
        tpu.vector_store %arg13[%swap3A_326, %swap3A_327], %swap3A_330 {strides = array<i32>} : memref<64x128xf32, #tpu.memory_space<vmem>>, vector<1x16xf32>,
        %scan3A_331 = arith.constant 0 : i32
        scf.yield %scan3A_331 : i32
      }
      %scan3A_218 = arith.constant 64 : i32
      %run_scoped3A = arith.constant 0 : i32
      "tpu.region"() ({
        %run_scoped3A_235 = tpu.sem_alloc : memref<!tpu.dma_semaphore, #tpu.memory_space<semaphore_mem>>
        %dma_start3A_236 = arith.constant 0 : i32
        %dma_start3A_237 = tpu.memref_slice %arg11[%run_scoped3A, %dma_start3A_236] : memref<3x64xi32, #tpu.memory_space<vmem>> -> memref<1x64xi32, #tpu.memory_space<vmem>>
        %dma_start3A_238 = tpu.memref_squeeze %dma_start3A_237 : memref<1x64xi32, #tpu.memory_space<vmem>> -> memref<64xi32, #tpu.memory_space<vmem>>
        %dma_start3A_239 = arith.constant 0 : i32
        %dma_start3A_240 = arith.constant 0 : i32
        %dma_start3A_241 = tpu.memref_slice %arg14[%dma_start3A_239, %dma_start3A_240] : memref<12552x128xf32, #tpu.memory_space<vmem_shared>> -> memref<12552x128xf32, #tpu.memory_space<vmem_shared>>
        tpu.enqueue_indirect_dma source(%arg13 : memref<64x128xf32, #tpu.memory_space<vmem>>) target(%dma_start3A_241 : memref<12552x128xf32, #tpu.memory_space<vmem_shared>>) offsets(%dma_start3A_238 : memref<64xi32, #tpu.memory_space<vmem>>) semaphore(%run_scoped3A_235 : memref<!tpu.dma_semaphore, #tpu.memory_space<semaphore_mem>>) {add = true}
        %dma_wait3A_242 = arith.constant 0 : i32
        %dma_wait3A_243 = tpu.memref_slice %arg11[%run_scoped3A, %dma_wait3A_242] : memref<3x64xi32, #tpu.memory_space<vmem>> -> memref<1x64xi32, #tpu.memory_space<vmem>>
        %dma_wait3A_244 = tpu.memref_squeeze %dma_wait3A_243 : memref<1x64xi32, #tpu.memory_space<vmem>> -> memref<64xi32, #tpu.memory_space<vmem>>
        %dma_wait3A_245 = arith.constant 0 : i32
        %dma_wait3A_246 = arith.constant 0 : i32
        %dma_wait3A_247 = tpu.memref_slice %arg14[%dma_wait3A_245, %dma_wait3A_246] : memref<12552x128xf32, #tpu.memory_space<vmem_shared>> -> memref<12552x128xf32, #tpu.memory_space<vmem_shared>>
        tpu.wait_indirect_dma semaphore(%run_scoped3A_235 : memref<!tpu.dma_semaphore, #tpu.memory_space<semaphore_mem>>) src(%arg13 : memref<64x128xf32, #tpu.memory_space<vmem>>) dst(%dma_wait3A_247 : memref<12552x128xf32, #tpu.memory_space<vmem_shared>>)
        tpu.yield
      }) : () -> ()
      %dma_start3A_219 = arith.constant 2 : i32
      %dma_start3A_220 = arith.constant 0 : i32
      %dma_start3A_221 = tpu.memref_slice %arg11[%dma_start3A_219, %dma_start3A_220] : memref<3x64xi32, #tpu.memory_space<vmem>> -> memref<1x64xi32, #tpu.memory_space<vmem>>
      %dma_start3A_222 = tpu.memref_squeeze %dma_start3A_221 : memref<1x64xi32, #tpu.memory_space<vmem>> -> memref<64xi32, #tpu.memory_space<vmem>>
      %dma_start3A_223 = arith.constant 0 : i32
      %dma_start3A_224 = arith.constant 0 : i32
      %dma_start3A_225 = tpu.memref_slice %arg6[%dma_start3A_223, %dma_start3A_224] : memref<128x128xf32, #tpu.memory_space<hbm>> -> memref<128x128xf32, #tpu.memory_space<hbm>>
      tpu.enqueue_indirect_dma source(%dma_start3A_225 : memref<128x128xf32, #tpu.memory_space<hbm>>) target(%arg13 : memref<64x128xf32, #tpu.memory_space<vmem>>) offsets(%dma_start3A_222 : memref<64xi32, #tpu.memory_space<vmem>>) semaphore(%arg16 : memref<!tpu.dma_semaphore, #tpu.memory_space<semaphore_mem>>)
      %dma_wait3A_226 = arith.constant 2 : i32
      %dma_wait3A_227 = arith.constant 0 : i32
      %dma_wait3A_228 = tpu.memref_slice %arg11[%dma_wait3A_226, %dma_wait3A_227] : memref<3x64xi32, #tpu.memory_space<vmem>> -> memref<1x64xi32, #tpu.memory_space<vmem>>
      %dma_wait3A_229 = tpu.memref_squeeze %dma_wait3A_228 : memref<1x64xi32, #tpu.memory_space<vmem>> -> memref<64xi32, #tpu.memory_space<vmem>>
      %dma_wait3A_230 = arith.constant 0 : i32
      %dma_wait3A_231 = arith.constant 0 : i32
      %dma_wait3A_232 = tpu.memref_slice %arg6[%dma_wait3A_230, %dma_wait3A_231] : memref<128x128xf32, #tpu.memory_space<hbm>> -> memref<128x128xf32, #tpu.memory_space<hbm>>
      tpu.wait_indirect_dma semaphore(%arg16 : memref<!tpu.dma_semaphore, #tpu.memory_space<semaphore_mem>>) src(%dma_wait3A_232 : memref<128x128xf32, #tpu.memory_space<hbm>>) dst(%arg13 : memref<64x128xf32, #tpu.memory_space<vmem>>)
      %run_scoped3A_233 = arith.constant 1 : i32
      "tpu.region"() ({
        %run_scoped3A_235 = tpu.sem_alloc : memref<!tpu.dma_semaphore, #tpu.memory_space<semaphore_mem>>
        %dma_start3A_236 = arith.constant 0 : i32
        %dma_start3A_237 = tpu.memref_slice %arg11[%run_scoped3A_233, %dma_start3A_236] : memref<3x64xi32, #tpu.memory_space<vmem>> -> memref<1x64xi32, #tpu.memory_space<vmem>>
        %dma_start3A_238 = tpu.memref_squeeze %dma_start3A_237 : memref<1x64xi32, #tpu.memory_space<vmem>> -> memref<64xi32, #tpu.memory_space<vmem>>
        %dma_start3A_239 = arith.constant 0 : i32
        %dma_start3A_240 = arith.constant 0 : i32
        %dma_start3A_241 = tpu.memref_slice %arg15[%dma_start3A_239, %dma_start3A_240] : memref<400x128xf32, #tpu.memory_space<vmem_shared>> -> memref<400x128xf32, #tpu.memory_space<vmem_shared>>
        tpu.enqueue_indirect_dma source(%arg13 : memref<64x128xf32, #tpu.memory_space<vmem>>) target(%dma_start3A_241 : memref<400x128xf32, #tpu.memory_space<vmem_shared>>) offsets(%dma_start3A_238 : memref<64xi32, #tpu.memory_space<vmem>>) semaphore(%run_scoped3A_235 : memref<!tpu.dma_semaphore, #tpu.memory_space<semaphore_mem>>) {add = true}
        %dma_wait3A_242 = arith.constant 0 : i32
        %dma_wait3A_243 = tpu.memref_slice %arg11[%run_scoped3A_233, %dma_wait3A_242] : memref<3x64xi32, #tpu.memory_space<vmem>> -> memref<1x64xi32, #tpu.memory_space<vmem>>
        %dma_wait3A_244 = tpu.memref_squeeze %dma_wait3A_243 : memref<1x64xi32, #tpu.memory_space<vmem>> -> memref<64xi32, #tpu.memory_space<vmem>>
        %dma_wait3A_245 = arith.constant 0 : i32
        %dma_wait3A_246 = arith.constant 0 : i32
        %dma_wait3A_247 = tpu.memref_slice %arg15[%dma_wait3A_245, %dma_wait3A_246] : memref<400x128xf32, #tpu.memory_space<vmem_shared>> -> memref<400x128xf32, #tpu.memory_space<vmem_shared>>
        tpu.wait_indirect_dma semaphore(%run_scoped3A_235 : memref<!tpu.dma_semaphore, #tpu.memory_space<semaphore_mem>>) src(%arg13 : memref<64x128xf32, #tpu.memory_space<vmem>>) dst(%dma_wait3A_247 : memref<400x128xf32, #tpu.memory_space<vmem_shared>>)
        tpu.yield
      }) : () -> ()
      %scan3A_234 = arith.constant 0 : i32
      scf.yield %scan3A_234 : i32
    }
    %scan3A_78 = arith.constant 392 : i32
    %barrier3A_79 = arith.constant 0 : index
    tpu.barrier barrier_id(%barrier3A_79)
    %mul3A_80 = arith.constant 784 : i32
    %mul3A_81 = arith.muli %arg1, %mul3A_80 : i32
    %mul3A_82 = arith.constant 784 : i32
    %mul3A_83 = arith.muli %arg1, %mul3A_82 : i32
    %add3A_84 = arith.addi %mul3A_3, %mul3A_83 : i32
    "tpu.region"() ({
      %run_scoped3A = tpu.sem_alloc : memref<!tpu.dma_semaphore, #tpu.memory_space<semaphore_mem>>
      %dma_start3A = arith.constant 0 : i32
      %dma_start3A_180 = tpu.memref_slice %arg7[%add3A_84, %dma_start3A] : memref<50176x128xf32, #tpu.memory_space<hbm>> -> memref<784x128xf32, #tpu.memory_space<hbm>>
      %dma_start3A_181 = arith.constant 0 : i32
      %dma_start3A_182 = tpu.memref_slice %arg14[%mul3A_81, %dma_start3A_181] : memref<12552x128xf32, #tpu.memory_space<vmem_shared>> -> memref<784x128xf32, #tpu.memory_space<vmem_shared>>
      tpu.enqueue_dma source(%dma_start3A_182 : memref<784x128xf32, #tpu.memory_space<vmem_shared>>) target(%dma_start3A_180 : memref<784x128xf32, #tpu.memory_space<hbm>>) target_semaphore(%run_scoped3A : memref<!tpu.dma_semaphore, #tpu.memory_space<semaphore_mem>>)
      %dma_wait3A = arith.constant 0 : i32
      %dma_wait3A_183 = tpu.memref_slice %arg7[%add3A_84, %dma_wait3A] : memref<50176x128xf32, #tpu.memory_space<hbm>> -> memref<784x128xf32, #tpu.memory_space<hbm>>
      %dma_wait3A_184 = arith.constant 0 : i32
      %dma_wait3A_185 = tpu.memref_slice %arg14[%mul3A_81, %dma_wait3A_184] : memref<12552x128xf32, #tpu.memory_space<vmem_shared>> -> memref<784x128xf32, #tpu.memory_space<vmem_shared>>
      tpu.wait_dma2 semaphore(%run_scoped3A : memref<!tpu.dma_semaphore, #tpu.memory_space<semaphore_mem>>) src(%dma_wait3A_185 : memref<784x128xf32, #tpu.memory_space<vmem_shared>>) dst(%dma_wait3A_183 : memref<784x128xf32, #tpu.memory_space<hbm>>)
      tpu.yield
    }) : () -> ()
    %mul3A_85 = arith.constant 24 : i32
    %mul3A_86 = arith.muli %arg1, %mul3A_85 : i32
    %mul3A_87 = arith.constant 24 : i32
    %mul3A_88 = arith.muli %arg1, %mul3A_87 : i32
    "tpu.region"() ({
      %run_scoped3A = tpu.sem_alloc : memref<!tpu.dma_semaphore, #tpu.memory_space<semaphore_mem>>
      %dma_start3A = arith.constant 0 : i32
      %dma_start3A_180 = tpu.memref_slice %arg8[%arg0, %mul3A_88, %dma_start3A] : memref<2x392x128xf32, #tpu.memory_space<hbm>> -> memref<1x24x128xf32, #tpu.memory_space<hbm>>
      %dma_start3A_181 = tpu.memref_squeeze %dma_start3A_180 : memref<1x24x128xf32, #tpu.memory_space<hbm>> -> memref<24x128xf32, #tpu.memory_space<hbm>>
      %dma_start3A_182 = arith.constant 0 : i32
      %dma_start3A_183 = tpu.memref_slice %arg15[%mul3A_86, %dma_start3A_182] : memref<400x128xf32, #tpu.memory_space<vmem_shared>> -> memref<24x128xf32, #tpu.memory_space<vmem_shared>>
      tpu.enqueue_dma source(%dma_start3A_183 : memref<24x128xf32, #tpu.memory_space<vmem_shared>>) target(%dma_start3A_181 : memref<24x128xf32, #tpu.memory_space<hbm>>) target_semaphore(%run_scoped3A : memref<!tpu.dma_semaphore, #tpu.memory_space<semaphore_mem>>)
      %dma_wait3A = arith.constant 0 : i32
      %dma_wait3A_184 = tpu.memref_slice %arg8[%arg0, %mul3A_88, %dma_wait3A] : memref<2x392x128xf32, #tpu.memory_space<hbm>> -> memref<1x24x128xf32, #tpu.memory_space<hbm>>
      %dma_wait3A_185 = tpu.memref_squeeze %dma_wait3A_184 : memref<1x24x128xf32, #tpu.memory_space<hbm>> -> memref<24x128xf32, #tpu.memory_space<hbm>>
      %dma_wait3A_186 = arith.constant 0 : i32
      %dma_wait3A_187 = tpu.memref_slice %arg15[%mul3A_86, %dma_wait3A_186] : memref<400x128xf32, #tpu.memory_space<vmem_shared>> -> memref<24x128xf32, #tpu.memory_space<vmem_shared>>
      tpu.wait_dma2 semaphore(%run_scoped3A : memref<!tpu.dma_semaphore, #tpu.memory_space<semaphore_mem>>) src(%dma_wait3A_187 : memref<24x128xf32, #tpu.memory_space<vmem_shared>>) dst(%dma_wait3A_185 : memref<24x128xf32, #tpu.memory_space<hbm>>)
      tpu.yield
    }) : () -> ()
    %eq3A_89 = arith.constant 0 : i32
    %eq3A_90 = arith.cmpi eq, %arg1, %eq3A_89 : i32
    %convert_element_type3A_91 = arith.extui %eq3A_90 : i1 to i32
    %cond3A_92 = arith.constant 0 : i32
    %cond3A_93 = arith.cmpi ne, %convert_element_type3A_91, %cond3A_92 : i32
    scf.if %cond3A_93 {
      "tpu.region"() ({
        %run_scoped3A = tpu.sem_alloc : memref<!tpu.dma_semaphore, #tpu.memory_space<semaphore_mem>>
        %dma_start3A = arith.constant 384 : i32
        %dma_start3A_180 = arith.constant 0 : i32
        %dma_start3A_181 = tpu.memref_slice %arg8[%arg0, %dma_start3A, %dma_start3A_180] : memref<2x392x128xf32, #tpu.memory_space<hbm>> -> memref<1x8x128xf32, #tpu.memory_space<hbm>>
        %dma_start3A_182 = tpu.memref_squeeze %dma_start3A_181 : memref<1x8x128xf32, #tpu.memory_space<hbm>> -> memref<8x128xf32, #tpu.memory_space<hbm>>
        %dma_start3A_183 = arith.constant 384 : i32
        %dma_start3A_184 = arith.constant 0 : i32
        %dma_start3A_185 = tpu.memref_slice %arg15[%dma_start3A_183, %dma_start3A_184] : memref<400x128xf32, #tpu.memory_space<vmem_shared>> -> memref<8x128xf32, #tpu.memory_space<vmem_shared>>
        tpu.enqueue_dma source(%dma_start3A_185 : memref<8x128xf32, #tpu.memory_space<vmem_shared>>) target(%dma_start3A_182 : memref<8x128xf32, #tpu.memory_space<hbm>>) target_semaphore(%run_scoped3A : memref<!tpu.dma_semaphore, #tpu.memory_space<semaphore_mem>>)
        %dma_wait3A = arith.constant 384 : i32
        %dma_wait3A_186 = arith.constant 0 : i32
        %dma_wait3A_187 = tpu.memref_slice %arg8[%arg0, %dma_wait3A, %dma_wait3A_186] : memref<2x392x128xf32, #tpu.memory_space<hbm>> -> memref<1x8x128xf32, #tpu.memory_space<hbm>>
        %dma_wait3A_188 = tpu.memref_squeeze %dma_wait3A_187 : memref<1x8x128xf32, #tpu.memory_space<hbm>> -> memref<8x128xf32, #tpu.memory_space<hbm>>
        %dma_wait3A_189 = arith.constant 384 : i32
        %dma_wait3A_190 = arith.constant 0 : i32
        %dma_wait3A_191 = tpu.memref_slice %arg15[%dma_wait3A_189, %dma_wait3A_190] : memref<400x128xf32, #tpu.memory_space<vmem_shared>> -> memref<8x128xf32, #tpu.memory_space<vmem_shared>>
        tpu.wait_dma2 semaphore(%run_scoped3A : memref<!tpu.dma_semaphore, #tpu.memory_space<semaphore_mem>>) src(%dma_wait3A_191 : memref<8x128xf32, #tpu.memory_space<vmem_shared>>) dst(%dma_wait3A_188 : memref<8x128xf32, #tpu.memory_space<hbm>>)
        tpu.yield
      }) : () -> ()
    } else {
    }
    %mul3A_94 = arith.constant 2 : i32
    %mul3A_95 = arith.muli %arg0, %mul3A_94 : i32
    %add3A_96 = arith.constant 1 : i32
    %add3A_97 = arith.addi %mul3A_95, %add3A_96 : i32
    %mul3A_98 = arith.constant 12544 : i32
    %mul3A_99 = arith.muli %add3A_97, %mul3A_98 : i32
    %barrier3A_100 = arith.constant 0 : index
    tpu.barrier barrier_id(%barrier3A_100)
    %scan3A_101 = arith.constant 0 : i32
    %scan3A_102 = arith.constant 0 : i32
    %scan3A_103 = arith.constant 512 : i32
    %scan3A_104 = arith.addi %scan3A_102, %scan3A_103 : i32
    %scan3A_105 = arith.constant 1 : i32
    %scan3A_106 = scf.for %scan3A_180 = %scan3A_102 to %scan3A_104 step %scan3A_105 iter_args(%scan3A_181 = %scan3A_101) -> (i32)  : i32 {
      %broadcast_in_dim3A = arith.constant 0.000000e+00 : f32
      %broadcast_in_dim3A_182 = vector.broadcast %broadcast_in_dim3A : f32 to vector<16xf32>
      %jit3A = arith.constant 8 : i32
      %div3A = arith.divsi %scan3A_180, %jit3A : i32
      %sign3A = arith.constant 0 : i32
      %sign3A_183 = arith.cmpi sgt, %scan3A_180, %sign3A : i32
      %sign3A_184 = arith.extui %sign3A_183 : i1 to i32
      %sign3A_185 = arith.constant 0 : i32
      %sign3A_186 = arith.cmpi slt, %scan3A_180, %sign3A_185 : i32
      %sign3A_187 = arith.extui %sign3A_186 : i1 to i32
      %sign3A_188 = arith.subi %sign3A_184, %sign3A_187 : i32
      %sign3A_189 = arith.constant 0 : i32
      %sign3A_190 = arith.cmpi sgt, %jit3A, %sign3A_189 : i32
      %sign3A_191 = arith.extui %sign3A_190 : i1 to i32
      %sign3A_192 = arith.constant 0 : i32
      %sign3A_193 = arith.cmpi slt, %jit3A, %sign3A_192 : i32
      %sign3A_194 = arith.extui %sign3A_193 : i1 to i32
      %sign3A_195 = arith.subi %sign3A_191, %sign3A_194 : i32
      %ne3A = arith.cmpi ne, %sign3A_188, %sign3A_195 : i32
      %rem3A = arith.remsi %scan3A_180, %jit3A : i32
      %ne3A_196 = arith.constant 0 : i32
      %ne3A_197 = arith.cmpi ne, %rem3A, %ne3A_196 : i32
      %and3A = arith.andi %ne3A, %ne3A_197 : i1
      %sub3A = arith.constant 1 : i32
      %sub3A_198 = arith.subi %div3A, %sub3A : i32
      %select_n3A = arith.select %and3A, %sub3A_198, %div3A : i32
      %jit3A_199 = arith.constant 8 : i32
      %eq3A_200 = arith.constant 0 : i32
      %eq3A_201 = arith.cmpi eq, %jit3A_199, %eq3A_200 : i32
      %jit3A_202 = arith.constant 1 : i32
      %select_n3A_203 = arith.select %eq3A_201, %jit3A_202, %jit3A_199 : i32
      %rem3A_204 = arith.remsi %scan3A_180, %select_n3A_203 : i32
      %ne3A_205 = arith.constant 0 : i32
      %ne3A_206 = arith.cmpi ne, %rem3A_204, %ne3A_205 : i32
      %lt3A = arith.constant 0 : i32
      %lt3A_207 = arith.cmpi slt, %rem3A_204, %lt3A : i32
      %lt3A_208 = arith.constant 0 : i32
      %lt3A_209 = arith.cmpi slt, %select_n3A_203, %lt3A_208 : i32
      %ne3A_210 = arith.xori %lt3A_207, %lt3A_209 : i1
      %and3A_211 = arith.andi %ne3A_210, %ne3A_206 : i1
      %add3A_212 = arith.addi %rem3A_204, %select_n3A_203 : i32
      %select_n3A_213 = arith.select %and3A_211, %add3A_212, %rem3A_204 : i32
      %mul3A_214 = arith.constant 16 : i32
      %mul3A_215 = arith.muli %select_n3A_213, %mul3A_214 : i32
      %swap3A = arith.index_cast %select_n3A : i32 to index
      %swap3A_216 = arith.index_cast %mul3A_215 : i32 to index
      %swap3A_217 = tpu.vector_load %arg13[%swap3A, %swap3A_216] {strides = array<i32>} : memref<64x128xf32, #tpu.memory_space<vmem>>, vector<1x16xf32>,
      %swap3A_218 = vector.shape_cast %swap3A_217 : vector<1x16xf32> to vector<16xf32>
      %swap3A_219 = vector.shape_cast %broadcast_in_dim3A_182 : vector<16xf32> to vector<1x16xf32>
      tpu.vector_store %arg13[%swap3A, %swap3A_216], %swap3A_219 {strides = array<i32>} : memref<64x128xf32, #tpu.memory_space<vmem>>, vector<1x16xf32>,
      %scan3A_220 = arith.constant 0 : i32
      scf.yield %scan3A_220 : i32
    }
    %scan3A_107 = arith.constant 512 : i32
    %mul3A_108 = arith.constant 784 : i32
    %mul3A_109 = arith.muli %arg1, %mul3A_108 : i32
    %add3A_110 = arith.constant 0 : i32
    %add3A_111 = arith.addi %mul3A_109, %add3A_110 : i32
    "tpu.region"() ({
      %run_scoped3A = tpu.sem_alloc : memref<!tpu.dma_semaphore, #tpu.memory_space<semaphore_mem>>
      %dma_start3A = arith.constant 0 : i32
      %dma_start3A_180 = tpu.memref_slice %arg14[%add3A_111, %dma_start3A] : memref<12552x128xf32, #tpu.memory_space<vmem_shared>> -> memref<64x128xf32, #tpu.memory_space<vmem_shared>>
      %dma_start3A_181 = arith.constant 0 : i32
      %dma_start3A_182 = tpu.memref_slice %arg14[%add3A_111, %dma_start3A_181] : memref<12552x128xf32, #tpu.memory_space<vmem_shared>> -> memref<64x128xf32, #tpu.memory_space<vmem_shared>>
      tpu.enqueue_dma source(%arg13 : memref<64x128xf32, #tpu.memory_space<vmem>>) target(%dma_start3A_182 : memref<64x128xf32, #tpu.memory_space<vmem_shared>>) target_semaphore(%run_scoped3A : memref<!tpu.dma_semaphore, #tpu.memory_space<semaphore_mem>>)
      %dma_wait3A = arith.constant 0 : i32
      %dma_wait3A_183 = tpu.memref_slice %arg14[%add3A_111, %dma_wait3A] : memref<12552x128xf32, #tpu.memory_space<vmem_shared>> -> memref<64x128xf32, #tpu.memory_space<vmem_shared>>
      %dma_wait3A_184 = arith.constant 0 : i32
      %dma_wait3A_185 = tpu.memref_slice %arg14[%add3A_111, %dma_wait3A_184] : memref<12552x128xf32, #tpu.memory_space<vmem_shared>> -> memref<64x128xf32, #tpu.memory_space<vmem_shared>>
      tpu.wait_dma2 semaphore(%run_scoped3A : memref<!tpu.dma_semaphore, #tpu.memory_space<semaphore_mem>>) src(%arg13 : memref<64x128xf32, #tpu.memory_space<vmem>>) dst(%dma_wait3A_185 : memref<64x128xf32, #tpu.memory_space<vmem_shared>>)
      tpu.yield
    }) : () -> ()
    %mul3A_112 = arith.constant 784 : i32
    %mul3A_113 = arith.muli %arg1, %mul3A_112 : i32
    %add3A_114 = arith.constant 64 : i32
    %add3A_115 = arith.addi %mul3A_113, %add3A_114 : i32
    "tpu.region"() ({
      %run_scoped3A = tpu.sem_alloc : memref<!tpu.dma_semaphore, #tpu.memory_space<semaphore_mem>>
      %dma_start3A = arith.constant 0 : i32
      %dma_start3A_180 = tpu.memref_slice %arg14[%add3A_115, %dma_start3A] : memref<12552x128xf32, #tpu.memory_space<vmem_shared>> -> memref<64x128xf32, #tpu.memory_space<vmem_shared>>
      %dma_start3A_181 = arith.constant 0 : i32
      %dma_start3A_182 = tpu.memref_slice %arg14[%add3A_115, %dma_start3A_181] : memref<12552x128xf32, #tpu.memory_space<vmem_shared>> -> memref<64x128xf32, #tpu.memory_space<vmem_shared>>
      tpu.enqueue_dma source(%arg13 : memref<64x128xf32, #tpu.memory_space<vmem>>) target(%dma_start3A_182 : memref<64x128xf32, #tpu.memory_space<vmem_shared>>) target_semaphore(%run_scoped3A : memref<!tpu.dma_semaphore, #tpu.memory_space<semaphore_mem>>)
      %dma_wait3A = arith.constant 0 : i32
      %dma_wait3A_183 = tpu.memref_slice %arg14[%add3A_115, %dma_wait3A] : memref<12552x128xf32, #tpu.memory_space<vmem_shared>> -> memref<64x128xf32, #tpu.memory_space<vmem_shared>>
      %dma_wait3A_184 = arith.constant 0 : i32
      %dma_wait3A_185 = tpu.memref_slice %arg14[%add3A_115, %dma_wait3A_184] : memref<12552x128xf32, #tpu.memory_space<vmem_shared>> -> memref<64x128xf32, #tpu.memory_space<vmem_shared>>
      tpu.wait_dma2 semaphore(%run_scoped3A : memref<!tpu.dma_semaphore, #tpu.memory_space<semaphore_mem>>) src(%arg13 : memref<64x128xf32, #tpu.memory_space<vmem>>) dst(%dma_wait3A_185 : memref<64x128xf32, #tpu.memory_space<vmem_shared>>)
      tpu.yield
    }) : () -> ()
    %mul3A_116 = arith.constant 784 : i32
    %mul3A_117 = arith.muli %arg1, %mul3A_116 : i32
    %add3A_118 = arith.constant 128 : i32
    %add3A_119 = arith.addi %mul3A_117, %add3A_118 : i32
    "tpu.region"() ({
      %run_scoped3A = tpu.sem_alloc : memref<!tpu.dma_semaphore, #tpu.memory_space<semaphore_mem>>
      %dma_start3A = arith.constant 0 : i32
      %dma_start3A_180 = tpu.memref_slice %arg14[%add3A_119, %dma_start3A] : memref<12552x128xf32, #tpu.memory_space<vmem_shared>> -> memref<64x128xf32, #tpu.memory_space<vmem_shared>>
      %dma_start3A_181 = arith.constant 0 : i32
      %dma_start3A_182 = tpu.memref_slice %arg14[%add3A_119, %dma_start3A_181] : memref<12552x128xf32, #tpu.memory_space<vmem_shared>> -> memref<64x128xf32, #tpu.memory_space<vmem_shared>>
      tpu.enqueue_dma source(%arg13 : memref<64x128xf32, #tpu.memory_space<vmem>>) target(%dma_start3A_182 : memref<64x128xf32, #tpu.memory_space<vmem_shared>>) target_semaphore(%run_scoped3A : memref<!tpu.dma_semaphore, #tpu.memory_space<semaphore_mem>>)
      %dma_wait3A = arith.constant 0 : i32
      %dma_wait3A_183 = tpu.memref_slice %arg14[%add3A_119, %dma_wait3A] : memref<12552x128xf32, #tpu.memory_space<vmem_shared>> -> memref<64x128xf32, #tpu.memory_space<vmem_shared>>
      %dma_wait3A_184 = arith.constant 0 : i32
      %dma_wait3A_185 = tpu.memref_slice %arg14[%add3A_119, %dma_wait3A_184] : memref<12552x128xf32, #tpu.memory_space<vmem_shared>> -> memref<64x128xf32, #tpu.memory_space<vmem_shared>>
      tpu.wait_dma2 semaphore(%run_scoped3A : memref<!tpu.dma_semaphore, #tpu.memory_space<semaphore_mem>>) src(%arg13 : memref<64x128xf32, #tpu.memory_space<vmem>>) dst(%dma_wait3A_185 : memref<64x128xf32, #tpu.memory_space<vmem_shared>>)
      tpu.yield
    }) : () -> ()
    %mul3A_120 = arith.constant 784 : i32
    %mul3A_121 = arith.muli %arg1, %mul3A_120 : i32
    %add3A_122 = arith.constant 192 : i32
    %add3A_123 = arith.addi %mul3A_121, %add3A_122 : i32
    "tpu.region"() ({
      %run_scoped3A = tpu.sem_alloc : memref<!tpu.dma_semaphore, #tpu.memory_space<semaphore_mem>>
      %dma_start3A = arith.constant 0 : i32
      %dma_start3A_180 = tpu.memref_slice %arg14[%add3A_123, %dma_start3A] : memref<12552x128xf32, #tpu.memory_space<vmem_shared>> -> memref<64x128xf32, #tpu.memory_space<vmem_shared>>
      %dma_start3A_181 = arith.constant 0 : i32
      %dma_start3A_182 = tpu.memref_slice %arg14[%add3A_123, %dma_start3A_181] : memref<12552x128xf32, #tpu.memory_space<vmem_shared>> -> memref<64x128xf32, #tpu.memory_space<vmem_shared>>
      tpu.enqueue_dma source(%arg13 : memref<64x128xf32, #tpu.memory_space<vmem>>) target(%dma_start3A_182 : memref<64x128xf32, #tpu.memory_space<vmem_shared>>) target_semaphore(%run_scoped3A : memref<!tpu.dma_semaphore, #tpu.memory_space<semaphore_mem>>)
      %dma_wait3A = arith.constant 0 : i32
      %dma_wait3A_183 = tpu.memref_slice %arg14[%add3A_123, %dma_wait3A] : memref<12552x128xf32, #tpu.memory_space<vmem_shared>> -> memref<64x128xf32, #tpu.memory_space<vmem_shared>>
      %dma_wait3A_184 = arith.constant 0 : i32
      %dma_wait3A_185 = tpu.memref_slice %arg14[%add3A_123, %dma_wait3A_184] : memref<12552x128xf32, #tpu.memory_space<vmem_shared>> -> memref<64x128xf32, #tpu.memory_space<vmem_shared>>
      tpu.wait_dma2 semaphore(%run_scoped3A : memref<!tpu.dma_semaphore, #tpu.memory_space<semaphore_mem>>) src(%arg13 : memref<64x128xf32, #tpu.memory_space<vmem>>) dst(%dma_wait3A_185 : memref<64x128xf32, #tpu.memory_space<vmem_shared>>)
      tpu.yield
    }) : () -> ()
    %mul3A_124 = arith.constant 784 : i32
    %mul3A_125 = arith.muli %arg1, %mul3A_124 : i32
    %add3A_126 = arith.constant 256 : i32
    %add3A_127 = arith.addi %mul3A_125, %add3A_126 : i32
    "tpu.region"() ({
      %run_scoped3A = tpu.sem_alloc : memref<!tpu.dma_semaphore, #tpu.memory_space<semaphore_mem>>
      %dma_start3A = arith.constant 0 : i32
      %dma_start3A_180 = tpu.memref_slice %arg14[%add3A_127, %dma_start3A] : memref<12552x128xf32, #tpu.memory_space<vmem_shared>> -> memref<64x128xf32, #tpu.memory_space<vmem_shared>>
      %dma_start3A_181 = arith.constant 0 : i32
      %dma_start3A_182 = tpu.memref_slice %arg14[%add3A_127, %dma_start3A_181] : memref<12552x128xf32, #tpu.memory_space<vmem_shared>> -> memref<64x128xf32, #tpu.memory_space<vmem_shared>>
      tpu.enqueue_dma source(%arg13 : memref<64x128xf32, #tpu.memory_space<vmem>>) target(%dma_start3A_182 : memref<64x128xf32, #tpu.memory_space<vmem_shared>>) target_semaphore(%run_scoped3A : memref<!tpu.dma_semaphore, #tpu.memory_space<semaphore_mem>>)
      %dma_wait3A = arith.constant 0 : i32
      %dma_wait3A_183 = tpu.memref_slice %arg14[%add3A_127, %dma_wait3A] : memref<12552x128xf32, #tpu.memory_space<vmem_shared>> -> memref<64x128xf32, #tpu.memory_space<vmem_shared>>
      %dma_wait3A_184 = arith.constant 0 : i32
      %dma_wait3A_185 = tpu.memref_slice %arg14[%add3A_127, %dma_wait3A_184] : memref<12552x128xf32, #tpu.memory_space<vmem_shared>> -> memref<64x128xf32, #tpu.memory_space<vmem_shared>>
      tpu.wait_dma2 semaphore(%run_scoped3A : memref<!tpu.dma_semaphore, #tpu.memory_space<semaphore_mem>>) src(%arg13 : memref<64x128xf32, #tpu.memory_space<vmem>>) dst(%dma_wait3A_185 : memref<64x128xf32, #tpu.memory_space<vmem_shared>>)
      tpu.yield
    }) : () -> ()
    %mul3A_128 = arith.constant 784 : i32
    %mul3A_129 = arith.muli %arg1, %mul3A_128 : i32
    %add3A_130 = arith.constant 320 : i32
    %add3A_131 = arith.addi %mul3A_129, %add3A_130 : i32
    "tpu.region"() ({
      %run_scoped3A = tpu.sem_alloc : memref<!tpu.dma_semaphore, #tpu.memory_space<semaphore_mem>>
      %dma_start3A = arith.constant 0 : i32
      %dma_start3A_180 = tpu.memref_slice %arg14[%add3A_131, %dma_start3A] : memref<12552x128xf32, #tpu.memory_space<vmem_shared>> -> memref<64x128xf32, #tpu.memory_space<vmem_shared>>
      %dma_start3A_181 = arith.constant 0 : i32
      %dma_start3A_182 = tpu.memref_slice %arg14[%add3A_131, %dma_start3A_181] : memref<12552x128xf32, #tpu.memory_space<vmem_shared>> -> memref<64x128xf32, #tpu.memory_space<vmem_shared>>
      tpu.enqueue_dma source(%arg13 : memref<64x128xf32, #tpu.memory_space<vmem>>) target(%dma_start3A_182 : memref<64x128xf32, #tpu.memory_space<vmem_shared>>) target_semaphore(%run_scoped3A : memref<!tpu.dma_semaphore, #tpu.memory_space<semaphore_mem>>)
      %dma_wait3A = arith.constant 0 : i32
      %dma_wait3A_183 = tpu.memref_slice %arg14[%add3A_131, %dma_wait3A] : memref<12552x128xf32, #tpu.memory_space<vmem_shared>> -> memref<64x128xf32, #tpu.memory_space<vmem_shared>>
      %dma_wait3A_184 = arith.constant 0 : i32
      %dma_wait3A_185 = tpu.memref_slice %arg14[%add3A_131, %dma_wait3A_184] : memref<12552x128xf32, #tpu.memory_space<vmem_shared>> -> memref<64x128xf32, #tpu.memory_space<vmem_shared>>
      tpu.wait_dma2 semaphore(%run_scoped3A : memref<!tpu.dma_semaphore, #tpu.memory_space<semaphore_mem>>) src(%arg13 : memref<64x128xf32, #tpu.memory_space<vmem>>) dst(%dma_wait3A_185 : memref<64x128xf32, #tpu.memory_space<vmem_shared>>)
      tpu.yield
    }) : () -> ()
    %mul3A_132 = arith.constant 784 : i32
    %mul3A_133 = arith.muli %arg1, %mul3A_132 : i32
    %add3A_134 = arith.constant 384 : i32
    %add3A_135 = arith.addi %mul3A_133, %add3A_134 : i32
    "tpu.region"() ({
      %run_scoped3A = tpu.sem_alloc : memref<!tpu.dma_semaphore, #tpu.memory_space<semaphore_mem>>
      %dma_start3A = arith.constant 0 : i32
      %dma_start3A_180 = tpu.memref_slice %arg14[%add3A_135, %dma_start3A] : memref<12552x128xf32, #tpu.memory_space<vmem_shared>> -> memref<64x128xf32, #tpu.memory_space<vmem_shared>>
      %dma_start3A_181 = arith.constant 0 : i32
      %dma_start3A_182 = tpu.memref_slice %arg14[%add3A_135, %dma_start3A_181] : memref<12552x128xf32, #tpu.memory_space<vmem_shared>> -> memref<64x128xf32, #tpu.memory_space<vmem_shared>>
      tpu.enqueue_dma source(%arg13 : memref<64x128xf32, #tpu.memory_space<vmem>>) target(%dma_start3A_182 : memref<64x128xf32, #tpu.memory_space<vmem_shared>>) target_semaphore(%run_scoped3A : memref<!tpu.dma_semaphore, #tpu.memory_space<semaphore_mem>>)
      %dma_wait3A = arith.constant 0 : i32
      %dma_wait3A_183 = tpu.memref_slice %arg14[%add3A_135, %dma_wait3A] : memref<12552x128xf32, #tpu.memory_space<vmem_shared>> -> memref<64x128xf32, #tpu.memory_space<vmem_shared>>
      %dma_wait3A_184 = arith.constant 0 : i32
      %dma_wait3A_185 = tpu.memref_slice %arg14[%add3A_135, %dma_wait3A_184] : memref<12552x128xf32, #tpu.memory_space<vmem_shared>> -> memref<64x128xf32, #tpu.memory_space<vmem_shared>>
      tpu.wait_dma2 semaphore(%run_scoped3A : memref<!tpu.dma_semaphore, #tpu.memory_space<semaphore_mem>>) src(%arg13 : memref<64x128xf32, #tpu.memory_space<vmem>>) dst(%dma_wait3A_185 : memref<64x128xf32, #tpu.memory_space<vmem_shared>>)
      tpu.yield
    }) : () -> ()
    %mul3A_136 = arith.constant 784 : i32
    %mul3A_137 = arith.muli %arg1, %mul3A_136 : i32
    %add3A_138 = arith.constant 448 : i32
    %add3A_139 = arith.addi %mul3A_137, %add3A_138 : i32
    "tpu.region"() ({
      %run_scoped3A = tpu.sem_alloc : memref<!tpu.dma_semaphore, #tpu.memory_space<semaphore_mem>>
      %dma_start3A = arith.constant 0 : i32
      %dma_start3A_180 = tpu.memref_slice %arg14[%add3A_139, %dma_start3A] : memref<12552x128xf32, #tpu.memory_space<vmem_shared>> -> memref<64x128xf32, #tpu.memory_space<vmem_shared>>
      %dma_start3A_181 = arith.constant 0 : i32
      %dma_start3A_182 = tpu.memref_slice %arg14[%add3A_139, %dma_start3A_181] : memref<12552x128xf32, #tpu.memory_space<vmem_shared>> -> memref<64x128xf32, #tpu.memory_space<vmem_shared>>
      tpu.enqueue_dma source(%arg13 : memref<64x128xf32, #tpu.memory_space<vmem>>) target(%dma_start3A_182 : memref<64x128xf32, #tpu.memory_space<vmem_shared>>) target_semaphore(%run_scoped3A : memref<!tpu.dma_semaphore, #tpu.memory_space<semaphore_mem>>)
      %dma_wait3A = arith.constant 0 : i32
      %dma_wait3A_183 = tpu.memref_slice %arg14[%add3A_139, %dma_wait3A] : memref<12552x128xf32, #tpu.memory_space<vmem_shared>> -> memref<64x128xf32, #tpu.memory_space<vmem_shared>>
      %dma_wait3A_184 = arith.constant 0 : i32
      %dma_wait3A_185 = tpu.memref_slice %arg14[%add3A_139, %dma_wait3A_184] : memref<12552x128xf32, #tpu.memory_space<vmem_shared>> -> memref<64x128xf32, #tpu.memory_space<vmem_shared>>
      tpu.wait_dma2 semaphore(%run_scoped3A : memref<!tpu.dma_semaphore, #tpu.memory_space<semaphore_mem>>) src(%arg13 : memref<64x128xf32, #tpu.memory_space<vmem>>) dst(%dma_wait3A_185 : memref<64x128xf32, #tpu.memory_space<vmem_shared>>)
      tpu.yield
    }) : () -> ()
    %mul3A_140 = arith.constant 784 : i32
    %mul3A_141 = arith.muli %arg1, %mul3A_140 : i32
    %add3A_142 = arith.constant 512 : i32
    %add3A_143 = arith.addi %mul3A_141, %add3A_142 : i32
    "tpu.region"() ({
      %run_scoped3A = tpu.sem_alloc : memref<!tpu.dma_semaphore, #tpu.memory_space<semaphore_mem>>
      %dma_start3A = arith.constant 0 : i32
      %dma_start3A_180 = tpu.memref_slice %arg14[%add3A_143, %dma_start3A] : memref<12552x128xf32, #tpu.memory_space<vmem_shared>> -> memref<64x128xf32, #tpu.memory_space<vmem_shared>>
      %dma_start3A_181 = arith.constant 0 : i32
      %dma_start3A_182 = tpu.memref_slice %arg14[%add3A_143, %dma_start3A_181] : memref<12552x128xf32, #tpu.memory_space<vmem_shared>> -> memref<64x128xf32, #tpu.memory_space<vmem_shared>>
      tpu.enqueue_dma source(%arg13 : memref<64x128xf32, #tpu.memory_space<vmem>>) target(%dma_start3A_182 : memref<64x128xf32, #tpu.memory_space<vmem_shared>>) target_semaphore(%run_scoped3A : memref<!tpu.dma_semaphore, #tpu.memory_space<semaphore_mem>>)
      %dma_wait3A = arith.constant 0 : i32
      %dma_wait3A_183 = tpu.memref_slice %arg14[%add3A_143, %dma_wait3A] : memref<12552x128xf32, #tpu.memory_space<vmem_shared>> -> memref<64x128xf32, #tpu.memory_space<vmem_shared>>
      %dma_wait3A_184 = arith.constant 0 : i32
      %dma_wait3A_185 = tpu.memref_slice %arg14[%add3A_143, %dma_wait3A_184] : memref<12552x128xf32, #tpu.memory_space<vmem_shared>> -> memref<64x128xf32, #tpu.memory_space<vmem_shared>>
      tpu.wait_dma2 semaphore(%run_scoped3A : memref<!tpu.dma_semaphore, #tpu.memory_space<semaphore_mem>>) src(%arg13 : memref<64x128xf32, #tpu.memory_space<vmem>>) dst(%dma_wait3A_185 : memref<64x128xf32, #tpu.memory_space<vmem_shared>>)
      tpu.yield
    }) : () -> ()
    %mul3A_144 = arith.constant 784 : i32
    %mul3A_145 = arith.muli %arg1, %mul3A_144 : i32
    %add3A_146 = arith.constant 576 : i32
    %add3A_147 = arith.addi %mul3A_145, %add3A_146 : i32
    "tpu.region"() ({
      %run_scoped3A = tpu.sem_alloc : memref<!tpu.dma_semaphore, #tpu.memory_space<semaphore_mem>>
      %dma_start3A = arith.constant 0 : i32
      %dma_start3A_180 = tpu.memref_slice %arg14[%add3A_147, %dma_start3A] : memref<12552x128xf32, #tpu.memory_space<vmem_shared>> -> memref<64x128xf32, #tpu.memory_space<vmem_shared>>
      %dma_start3A_181 = arith.constant 0 : i32
      %dma_start3A_182 = tpu.memref_slice %arg14[%add3A_147, %dma_start3A_181] : memref<12552x128xf32, #tpu.memory_space<vmem_shared>> -> memref<64x128xf32, #tpu.memory_space<vmem_shared>>
      tpu.enqueue_dma source(%arg13 : memref<64x128xf32, #tpu.memory_space<vmem>>) target(%dma_start3A_182 : memref<64x128xf32, #tpu.memory_space<vmem_shared>>) target_semaphore(%run_scoped3A : memref<!tpu.dma_semaphore, #tpu.memory_space<semaphore_mem>>)
      %dma_wait3A = arith.constant 0 : i32
      %dma_wait3A_183 = tpu.memref_slice %arg14[%add3A_147, %dma_wait3A] : memref<12552x128xf32, #tpu.memory_space<vmem_shared>> -> memref<64x128xf32, #tpu.memory_space<vmem_shared>>
      %dma_wait3A_184 = arith.constant 0 : i32
      %dma_wait3A_185 = tpu.memref_slice %arg14[%add3A_147, %dma_wait3A_184] : memref<12552x128xf32, #tpu.memory_space<vmem_shared>> -> memref<64x128xf32, #tpu.memory_space<vmem_shared>>
      tpu.wait_dma2 semaphore(%run_scoped3A : memref<!tpu.dma_semaphore, #tpu.memory_space<semaphore_mem>>) src(%arg13 : memref<64x128xf32, #tpu.memory_space<vmem>>) dst(%dma_wait3A_185 : memref<64x128xf32, #tpu.memory_space<vmem_shared>>)
      tpu.yield
    }) : () -> ()
    %mul3A_148 = arith.constant 784 : i32
    %mul3A_149 = arith.muli %arg1, %mul3A_148 : i32
    %add3A_150 = arith.constant 640 : i32
    %add3A_151 = arith.addi %mul3A_149, %add3A_150 : i32
    "tpu.region"() ({
      %run_scoped3A = tpu.sem_alloc : memref<!tpu.dma_semaphore, #tpu.memory_space<semaphore_mem>>
      %dma_start3A = arith.constant 0 : i32
      %dma_start3A_180 = tpu.memref_slice %arg14[%add3A_151, %dma_start3A] : memref<12552x128xf32, #tpu.memory_space<vmem_shared>> -> memref<64x128xf32, #tpu.memory_space<vmem_shared>>
      %dma_start3A_181 = arith.constant 0 : i32
      %dma_start3A_182 = tpu.memref_slice %arg14[%add3A_151, %dma_start3A_181] : memref<12552x128xf32, #tpu.memory_space<vmem_shared>> -> memref<64x128xf32, #tpu.memory_space<vmem_shared>>
      tpu.enqueue_dma source(%arg13 : memref<64x128xf32, #tpu.memory_space<vmem>>) target(%dma_start3A_182 : memref<64x128xf32, #tpu.memory_space<vmem_shared>>) target_semaphore(%run_scoped3A : memref<!tpu.dma_semaphore, #tpu.memory_space<semaphore_mem>>)
      %dma_wait3A = arith.constant 0 : i32
      %dma_wait3A_183 = tpu.memref_slice %arg14[%add3A_151, %dma_wait3A] : memref<12552x128xf32, #tpu.memory_space<vmem_shared>> -> memref<64x128xf32, #tpu.memory_space<vmem_shared>>
      %dma_wait3A_184 = arith.constant 0 : i32
      %dma_wait3A_185 = tpu.memref_slice %arg14[%add3A_151, %dma_wait3A_184] : memref<12552x128xf32, #tpu.memory_space<vmem_shared>> -> memref<64x128xf32, #tpu.memory_space<vmem_shared>>
      tpu.wait_dma2 semaphore(%run_scoped3A : memref<!tpu.dma_semaphore, #tpu.memory_space<semaphore_mem>>) src(%arg13 : memref<64x128xf32, #tpu.memory_space<vmem>>) dst(%dma_wait3A_185 : memref<64x128xf32, #tpu.memory_space<vmem_shared>>)
      tpu.yield
    }) : () -> ()
    %mul3A_152 = arith.constant 784 : i32
    %mul3A_153 = arith.muli %arg1, %mul3A_152 : i32
    %add3A_154 = arith.constant 704 : i32
    %add3A_155 = arith.addi %mul3A_153, %add3A_154 : i32
    "tpu.region"() ({
      %run_scoped3A = tpu.sem_alloc : memref<!tpu.dma_semaphore, #tpu.memory_space<semaphore_mem>>
      %dma_start3A = arith.constant 0 : i32
      %dma_start3A_180 = tpu.memref_slice %arg14[%add3A_155, %dma_start3A] : memref<12552x128xf32, #tpu.memory_space<vmem_shared>> -> memref<64x128xf32, #tpu.memory_space<vmem_shared>>
      %dma_start3A_181 = arith.constant 0 : i32
      %dma_start3A_182 = tpu.memref_slice %arg14[%add3A_155, %dma_start3A_181] : memref<12552x128xf32, #tpu.memory_space<vmem_shared>> -> memref<64x128xf32, #tpu.memory_space<vmem_shared>>
      tpu.enqueue_dma source(%arg13 : memref<64x128xf32, #tpu.memory_space<vmem>>) target(%dma_start3A_182 : memref<64x128xf32, #tpu.memory_space<vmem_shared>>) target_semaphore(%run_scoped3A : memref<!tpu.dma_semaphore, #tpu.memory_space<semaphore_mem>>)
      %dma_wait3A = arith.constant 0 : i32
      %dma_wait3A_183 = tpu.memref_slice %arg14[%add3A_155, %dma_wait3A] : memref<12552x128xf32, #tpu.memory_space<vmem_shared>> -> memref<64x128xf32, #tpu.memory_space<vmem_shared>>
      %dma_wait3A_184 = arith.constant 0 : i32
      %dma_wait3A_185 = tpu.memref_slice %arg14[%add3A_155, %dma_wait3A_184] : memref<12552x128xf32, #tpu.memory_space<vmem_shared>> -> memref<64x128xf32, #tpu.memory_space<vmem_shared>>
      tpu.wait_dma2 semaphore(%run_scoped3A : memref<!tpu.dma_semaphore, #tpu.memory_space<semaphore_mem>>) src(%arg13 : memref<64x128xf32, #tpu.memory_space<vmem>>) dst(%dma_wait3A_185 : memref<64x128xf32, #tpu.memory_space<vmem_shared>>)
      tpu.yield
    }) : () -> ()
    %mul3A_156 = arith.constant 784 : i32
    %mul3A_157 = arith.muli %arg1, %mul3A_156 : i32
    %add3A_158 = arith.constant 768 : i32
    %add3A_159 = arith.addi %mul3A_157, %add3A_158 : i32
    "tpu.region"() ({
      %run_scoped3A = tpu.sem_alloc : memref<!tpu.dma_semaphore, #tpu.memory_space<semaphore_mem>>
      %dma_start3A = arith.constant 0 : i32
      %dma_start3A_180 = arith.constant 0 : i32
      %dma_start3A_181 = tpu.memref_slice %arg13[%dma_start3A, %dma_start3A_180] : memref<64x128xf32, #tpu.memory_space<vmem>> -> memref<16x128xf32, #tpu.memory_space<vmem>>
      %dma_start3A_182 = arith.constant 0 : i32
      %dma_start3A_183 = tpu.memref_slice %arg14[%add3A_159, %dma_start3A_182] : memref<12552x128xf32, #tpu.memory_space<vmem_shared>> -> memref<16x128xf32, #tpu.memory_space<vmem_shared>>
      %dma_start3A_184 = arith.constant 0 : i32
      %dma_start3A_185 = tpu.memref_slice %arg14[%add3A_159, %dma_start3A_184] : memref<12552x128xf32, #tpu.memory_space<vmem_shared>> -> memref<16x128xf32, #tpu.memory_space<vmem_shared>>
      %dma_start3A_186 = arith.constant 0 : i32
      %dma_start3A_187 = arith.constant 0 : i32
      %dma_start3A_188 = tpu.memref_slice %arg13[%dma_start3A_186, %dma_start3A_187] : memref<64x128xf32, #tpu.memory_space<vmem>> -> memref<16x128xf32, #tpu.memory_space<vmem>>
      tpu.enqueue_dma source(%dma_start3A_188 : memref<16x128xf32, #tpu.memory_space<vmem>>) target(%dma_start3A_185 : memref<16x128xf32, #tpu.memory_space<vmem_shared>>) target_semaphore(%run_scoped3A : memref<!tpu.dma_semaphore, #tpu.memory_space<semaphore_mem>>)
      %dma_wait3A = arith.constant 0 : i32
      %dma_wait3A_189 = arith.constant 0 : i32
      %dma_wait3A_190 = tpu.memref_slice %arg13[%dma_wait3A, %dma_wait3A_189] : memref<64x128xf32, #tpu.memory_space<vmem>> -> memref<16x128xf32, #tpu.memory_space<vmem>>
      %dma_wait3A_191 = arith.constant 0 : i32
      %dma_wait3A_192 = tpu.memref_slice %arg14[%add3A_159, %dma_wait3A_191] : memref<12552x128xf32, #tpu.memory_space<vmem_shared>> -> memref<16x128xf32, #tpu.memory_space<vmem_shared>>
      %dma_wait3A_193 = arith.constant 0 : i32
      %dma_wait3A_194 = tpu.memref_slice %arg14[%add3A_159, %dma_wait3A_193] : memref<12552x128xf32, #tpu.memory_space<vmem_shared>> -> memref<16x128xf32, #tpu.memory_space<vmem_shared>>
      %dma_wait3A_195 = arith.constant 0 : i32
      %dma_wait3A_196 = arith.constant 0 : i32
      %dma_wait3A_197 = tpu.memref_slice %arg13[%dma_wait3A_195, %dma_wait3A_196] : memref<64x128xf32, #tpu.memory_space<vmem>> -> memref<16x128xf32, #tpu.memory_space<vmem>>
      tpu.wait_dma2 semaphore(%run_scoped3A : memref<!tpu.dma_semaphore, #tpu.memory_space<semaphore_mem>>) src(%dma_wait3A_197 : memref<16x128xf32, #tpu.memory_space<vmem>>) dst(%dma_wait3A_194 : memref<16x128xf32, #tpu.memory_space<vmem_shared>>)
      tpu.yield
    }) : () -> ()
    %eq3A_160 = arith.constant 0 : i32
    %eq3A_161 = arith.cmpi eq, %arg1, %eq3A_160 : i32
    %convert_element_type3A_162 = arith.extui %eq3A_161 : i1 to i32
    %cond3A_163 = arith.constant 0 : i32
    %cond3A_164 = arith.cmpi ne, %convert_element_type3A_162, %cond3A_163 : i32
    scf.if %cond3A_164 {
      "tpu.region"() ({
        %run_scoped3A = tpu.sem_alloc : memref<!tpu.dma_semaphore, #tpu.memory_space<semaphore_mem>>
        %dma_start3A = arith.constant 0 : i32
        %dma_start3A_180 = arith.constant 0 : i32
        %dma_start3A_181 = tpu.memref_slice %arg13[%dma_start3A, %dma_start3A_180] : memref<64x128xf32, #tpu.memory_space<vmem>> -> memref<8x128xf32, #tpu.memory_space<vmem>>
        %dma_start3A_182 = arith.constant 12544 : i32
        %dma_start3A_183 = arith.constant 0 : i32
        %dma_start3A_184 = tpu.memref_slice %arg14[%dma_start3A_182, %dma_start3A_183] : memref<12552x128xf32, #tpu.memory_space<vmem_shared>> -> memref<8x128xf32, #tpu.memory_space<vmem_shared>>
        %dma_start3A_185 = arith.constant 12544 : i32
        %dma_start3A_186 = arith.constant 0 : i32
        %dma_start3A_187 = tpu.memref_slice %arg14[%dma_start3A_185, %dma_start3A_186] : memref<12552x128xf32, #tpu.memory_space<vmem_shared>> -> memref<8x128xf32, #tpu.memory_space<vmem_shared>>
        %dma_start3A_188 = arith.constant 0 : i32
        %dma_start3A_189 = arith.constant 0 : i32
        %dma_start3A_190 = tpu.memref_slice %arg13[%dma_start3A_188, %dma_start3A_189] : memref<64x128xf32, #tpu.memory_space<vmem>> -> memref<8x128xf32, #tpu.memory_space<vmem>>
        tpu.enqueue_dma source(%dma_start3A_190 : memref<8x128xf32, #tpu.memory_space<vmem>>) target(%dma_start3A_187 : memref<8x128xf32, #tpu.memory_space<vmem_shared>>) target_semaphore(%run_scoped3A : memref<!tpu.dma_semaphore, #tpu.memory_space<semaphore_mem>>)
        %dma_wait3A = arith.constant 0 : i32
        %dma_wait3A_191 = arith.constant 0 : i32
        %dma_wait3A_192 = tpu.memref_slice %arg13[%dma_wait3A, %dma_wait3A_191] : memref<64x128xf32, #tpu.memory_space<vmem>> -> memref<8x128xf32, #tpu.memory_space<vmem>>
        %dma_wait3A_193 = arith.constant 12544 : i32
        %dma_wait3A_194 = arith.constant 0 : i32
        %dma_wait3A_195 = tpu.memref_slice %arg14[%dma_wait3A_193, %dma_wait3A_194] : memref<12552x128xf32, #tpu.memory_space<vmem_shared>> -> memref<8x128xf32, #tpu.memory_space<vmem_shared>>
        %dma_wait3A_196 = arith.constant 12544 : i32
        %dma_wait3A_197 = arith.constant 0 : i32
        %dma_wait3A_198 = tpu.memref_slice %arg14[%dma_wait3A_196, %dma_wait3A_197] : memref<12552x128xf32, #tpu.memory_space<vmem_shared>> -> memref<8x128xf32, #tpu.memory_space<vmem_shared>>
        %dma_wait3A_199 = arith.constant 0 : i32
        %dma_wait3A_200 = arith.constant 0 : i32
        %dma_wait3A_201 = tpu.memref_slice %arg13[%dma_wait3A_199, %dma_wait3A_200] : memref<64x128xf32, #tpu.memory_space<vmem>> -> memref<8x128xf32, #tpu.memory_space<vmem>>
        tpu.wait_dma2 semaphore(%run_scoped3A : memref<!tpu.dma_semaphore, #tpu.memory_space<semaphore_mem>>) src(%dma_wait3A_201 : memref<8x128xf32, #tpu.memory_space<vmem>>) dst(%dma_wait3A_198 : memref<8x128xf32, #tpu.memory_space<vmem_shared>>)
        tpu.yield
      }) : () -> ()
    } else {
    }
    %barrier3A_165 = arith.constant 0 : index
    tpu.barrier barrier_id(%barrier3A_165)
    %scan3A_166 = arith.constant 0 : i32
    %scan3A_167 = arith.constant 0 : i32
    %scan3A_168 = arith.constant 392 : i32
    %scan3A_169 = arith.addi %scan3A_167, %scan3A_168 : i32
    %scan3A_170 = arith.constant 1 : i32
    %scan3A_171 = scf.for %scan3A_180 = %scan3A_167 to %scan3A_169 step %scan3A_170 iter_args(%scan3A_181 = %scan3A_166) -> (i32)  : i32 {
      %mul3A_182 = arith.constant 25088 : i32
      %mul3A_183 = arith.muli %arg1, %mul3A_182 : i32
      %mul3A_184 = arith.constant 64 : i32
      %mul3A_185 = arith.muli %scan3A_180, %mul3A_184 : i32
      %add3A_186 = arith.addi %mul3A_183, %mul3A_185 : i32
      "tpu.region"() ({
        %run_scoped3A_206 = tpu.sem_alloc : memref<!tpu.dma_semaphore, #tpu.memory_space<semaphore_mem>>
        %dma_start3A_207 = tpu.memref_slice %arg4[%add3A_186] : memref<401408xi32, #tpu.memory_space<hbm>> -> memref<64xi32, #tpu.memory_space<hbm>>
        %dma_start3A_208 = tpu.memref_slice %arg4[%add3A_186] : memref<401408xi32, #tpu.memory_space<hbm>> -> memref<64xi32, #tpu.memory_space<hbm>>
        tpu.enqueue_dma source(%dma_start3A_208 : memref<64xi32, #tpu.memory_space<hbm>>) target(%arg9 : memref<64xi32, #tpu.memory_space<vmem>>) target_semaphore(%run_scoped3A_206 : memref<!tpu.dma_semaphore, #tpu.memory_space<semaphore_mem>>)
        %dma_wait3A_209 = tpu.memref_slice %arg4[%add3A_186] : memref<401408xi32, #tpu.memory_space<hbm>> -> memref<64xi32, #tpu.memory_space<hbm>>
        %dma_wait3A_210 = tpu.memref_slice %arg4[%add3A_186] : memref<401408xi32, #tpu.memory_space<hbm>> -> memref<64xi32, #tpu.memory_space<hbm>>
        tpu.wait_dma2 semaphore(%run_scoped3A_206 : memref<!tpu.dma_semaphore, #tpu.memory_space<semaphore_mem>>) src(%dma_wait3A_210 : memref<64xi32, #tpu.memory_space<hbm>>) dst(%arg9 : memref<64xi32, #tpu.memory_space<vmem>>)
        tpu.yield
      }) : () -> ()
      %dma_start3A = arith.constant 0 : i32
      %dma_start3A_187 = arith.constant 0 : i32
      %dma_start3A_188 = tpu.memref_slice %arg2[%dma_start3A, %dma_start3A_187] : memref<50176x128xf32, #tpu.memory_space<hbm>> -> memref<50176x128xf32, #tpu.memory_space<hbm>>
      tpu.enqueue_indirect_dma source(%dma_start3A_188 : memref<50176x128xf32, #tpu.memory_space<hbm>>) target(%arg13 : memref<64x128xf32, #tpu.memory_space<vmem>>) offsets(%arg9 : memref<64xi32, #tpu.memory_space<vmem>>) semaphore(%arg16 : memref<!tpu.dma_semaphore, #tpu.memory_space<semaphore_mem>>)
      "tpu.region"() ({
        %run_scoped3A_206 = tpu.sem_alloc : memref<!tpu.dma_semaphore, #tpu.memory_space<semaphore_mem>>
        %dma_start3A_207 = tpu.memref_slice %arg5[%add3A_186] : memref<401408xi32, #tpu.memory_space<hbm>> -> memref<64xi32, #tpu.memory_space<hbm>>
        %dma_start3A_208 = tpu.memref_slice %arg5[%add3A_186] : memref<401408xi32, #tpu.memory_space<hbm>> -> memref<64xi32, #tpu.memory_space<hbm>>
        tpu.enqueue_dma source(%dma_start3A_208 : memref<64xi32, #tpu.memory_space<hbm>>) target(%arg10 : memref<64xi32, #tpu.memory_space<vmem>>) target_semaphore(%run_scoped3A_206 : memref<!tpu.dma_semaphore, #tpu.memory_space<semaphore_mem>>)
        %dma_wait3A_209 = tpu.memref_slice %arg5[%add3A_186] : memref<401408xi32, #tpu.memory_space<hbm>> -> memref<64xi32, #tpu.memory_space<hbm>>
        %dma_wait3A_210 = tpu.memref_slice %arg5[%add3A_186] : memref<401408xi32, #tpu.memory_space<hbm>> -> memref<64xi32, #tpu.memory_space<hbm>>
        tpu.wait_dma2 semaphore(%run_scoped3A_206 : memref<!tpu.dma_semaphore, #tpu.memory_space<semaphore_mem>>) src(%dma_wait3A_210 : memref<64xi32, #tpu.memory_space<hbm>>) dst(%arg10 : memref<64xi32, #tpu.memory_space<vmem>>)
        tpu.yield
      }) : () -> ()
      "tpu.region"() ({
        %run_scoped3A_206 = tpu.sem_alloc : memref<!tpu.dma_semaphore, #tpu.memory_space<semaphore_mem>>
        %dma_start3A_207 = arith.constant 0 : i32
        %dma_start3A_208 = tpu.memref_slice %arg3[%add3A_186, %dma_start3A_207] : memref<401408x64xf32, #tpu.memory_space<hbm>> -> memref<64x64xf32, #tpu.memory_space<hbm>>
        %dma_start3A_209 = arith.constant 0 : i32
        %dma_start3A_210 = tpu.memref_slice %arg3[%add3A_186, %dma_start3A_209] : memref<401408x64xf32, #tpu.memory_space<hbm>> -> memref<64x64xf32, #tpu.memory_space<hbm>>
        tpu.enqueue_dma source(%dma_start3A_210 : memref<64x64xf32, #tpu.memory_space<hbm>>) target(%arg12 : memref<64x64xf32, #tpu.memory_space<vmem>>) target_semaphore(%run_scoped3A_206 : memref<!tpu.dma_semaphore, #tpu.memory_space<semaphore_mem>>)
        %dma_wait3A_211 = arith.constant 0 : i32
        %dma_wait3A_212 = tpu.memref_slice %arg3[%add3A_186, %dma_wait3A_211] : memref<401408x64xf32, #tpu.memory_space<hbm>> -> memref<64x64xf32, #tpu.memory_space<hbm>>
        %dma_wait3A_213 = arith.constant 0 : i32
        %dma_wait3A_214 = tpu.memref_slice %arg3[%add3A_186, %dma_wait3A_213] : memref<401408x64xf32, #tpu.memory_space<hbm>> -> memref<64x64xf32, #tpu.memory_space<hbm>>
        tpu.wait_dma2 semaphore(%run_scoped3A_206 : memref<!tpu.dma_semaphore, #tpu.memory_space<semaphore_mem>>) src(%dma_wait3A_214 : memref<64x64xf32, #tpu.memory_space<hbm>>) dst(%arg12 : memref<64x64xf32, #tpu.memory_space<vmem>>)
        tpu.yield
      }) : () -> ()
      %scan3A_189 = arith.constant 0 : i32
      %scan3A_190 = arith.constant 0 : i32
      %scan3A_191 = arith.constant 4 : i32
      %scan3A_192 = arith.addi %scan3A_190, %scan3A_191 : i32
      %scan3A_193 = arith.constant 1 : i32
      %scan3A_194 = scf.for %scan3A_206 = %scan3A_190 to %scan3A_192 step %scan3A_193 iter_args(%scan3A_207 = %scan3A_189) -> (i32)  : i32 {
        %mul3A_208 = arith.constant 16 : i32
        %mul3A_209 = arith.muli %scan3A_206, %mul3A_208 : i32
        %get3A = arith.index_cast %mul3A_209 : i32 to index
        %get3A_210 = tpu.vector_load %arg10[%get3A] {strides = array<i32>} : memref<64xi32, #tpu.memory_space<vmem>>, vector<16xi32>,
        %get3A_211 = vector.shape_cast %get3A_210 : vector<16xi32> to vector<16xi32>
        %sub3A = vector.broadcast %mul3A_99 : i32 to vector<16xi32>
        %sub3A_212 = arith.subi %get3A_211, %sub3A : vector<16xi32>
        %ge3A = arith.constant 0 : i32
        %ge3A_213 = vector.broadcast %ge3A : i32 to vector<16xi32>
        %ge3A_214 = arith.cmpi sge, %sub3A_212, %ge3A_213 : vector<16xi32>
        %lt3A = arith.constant 12544 : i32
        %lt3A_215 = vector.broadcast %lt3A : i32 to vector<16xi32>
        %lt3A_216 = arith.cmpi slt, %sub3A_212, %lt3A_215 : vector<16xi32>
        %and3A = arith.andi %ge3A_214, %lt3A_216 : vector<16xi1>
        %jit3A = arith.constant 12544 : i32
        %broadcast_in_dim3A = vector.broadcast %jit3A : i32 to vector<16xi32>
        %select_n3A = arith.select %and3A, %sub3A_212, %broadcast_in_dim3A : vector<16xi1>, vector<16xi32>
        %mul3A_217 = arith.constant 16 : i32
        %mul3A_218 = arith.muli %scan3A_206, %mul3A_217 : i32
        %swap3A = arith.constant 0 : i32
        %swap3A_219 = arith.index_cast %swap3A : i32 to index
        %swap3A_220 = arith.index_cast %mul3A_218 : i32 to index
        %swap3A_221 = tpu.vector_load %arg11[%swap3A_219, %swap3A_220] {strides = array<i32>} : memref<3x64xi32, #tpu.memory_space<vmem>>, vector<1x16xi32>,
        %swap3A_222 = vector.shape_cast %swap3A_221 : vector<1x16xi32> to vector<16xi32>
        %swap3A_223 = vector.shape_cast %select_n3A : vector<16xi32> to vector<1x16xi32>
        tpu.vector_store %arg11[%swap3A_219, %swap3A_220], %swap3A_223 {strides = array<i32>} : memref<3x64xi32, #tpu.memory_space<vmem>>, vector<1x16xi32>,
        %scan3A_224 = arith.constant 0 : i32
        scf.yield %scan3A_224 : i32
      }
      %scan3A_195 = arith.constant 4 : i32
      %dma_wait3A = arith.constant 0 : i32
      %dma_wait3A_196 = arith.constant 0 : i32
      %dma_wait3A_197 = tpu.memref_slice %arg2[%dma_wait3A, %dma_wait3A_196] : memref<50176x128xf32, #tpu.memory_space<hbm>> -> memref<50176x128xf32, #tpu.memory_space<hbm>>
      tpu.wait_indirect_dma semaphore(%arg16 : memref<!tpu.dma_semaphore, #tpu.memory_space<semaphore_mem>>) src(%dma_wait3A_197 : memref<50176x128xf32, #tpu.memory_space<hbm>>) dst(%arg13 : memref<64x128xf32, #tpu.memory_space<vmem>>)
      %scan3A_198 = arith.constant 0 : i32
      %scan3A_199 = arith.constant 0 : i32
      %scan3A_200 = arith.constant 64 : i32
      %scan3A_201 = arith.addi %scan3A_199, %scan3A_200 : i32
      %scan3A_202 = arith.constant 1 : i32
      %scan3A_203 = scf.for %scan3A_206 = %scan3A_199 to %scan3A_201 step %scan3A_202 iter_args(%scan3A_207 = %scan3A_198) -> (i32)  : i32 {
        %get3A = arith.index_cast %scan3A_206 : i32 to index
        %get3A_208 = arith.constant 0 : index
        %get3A_209 = tpu.vector_load %arg12[%get3A, %get3A_208] {strides = array<i32>} : memref<64x64xf32, #tpu.memory_space<vmem>>, vector<1x16xf32>,
        %get3A_210 = vector.shape_cast %get3A_209 : vector<1x16xf32> to vector<16xf32>
        %get3A_211 = arith.index_cast %scan3A_206 : i32 to index
        %get3A_212 = arith.constant 16 : index
        %get3A_213 = tpu.vector_load %arg12[%get3A_211, %get3A_212] {strides = array<i32>} : memref<64x64xf32, #tpu.memory_space<vmem>>, vector<1x16xf32>,
        %get3A_214 = vector.shape_cast %get3A_213 : vector<1x16xf32> to vector<16xf32>
        %get3A_215 = arith.index_cast %scan3A_206 : i32 to index
        %get3A_216 = arith.constant 32 : index
        %get3A_217 = tpu.vector_load %arg12[%get3A_215, %get3A_216] {strides = array<i32>} : memref<64x64xf32, #tpu.memory_space<vmem>>, vector<1x16xf32>,
        %get3A_218 = vector.shape_cast %get3A_217 : vector<1x16xf32> to vector<16xf32>
        %get3A_219 = arith.index_cast %scan3A_206 : i32 to index
        %get3A_220 = arith.constant 48 : index
        %get3A_221 = tpu.vector_load %arg12[%get3A_219, %get3A_220] {strides = array<i32>} : memref<64x64xf32, #tpu.memory_space<vmem>>, vector<1x16xf32>,
        %get3A_222 = vector.shape_cast %get3A_221 : vector<1x16xf32> to vector<16xf32>
        %get3A_223 = arith.index_cast %scan3A_206 : i32 to index
        %get3A_224 = arith.constant 0 : index
        %get3A_225 = tpu.vector_load %arg13[%get3A_223, %get3A_224] {strides = array<i32>} : memref<64x128xf32, #tpu.memory_space<vmem>>, vector<1x16xf32>,
        %get3A_226 = vector.shape_cast %get3A_225 : vector<1x16xf32> to vector<16xf32>
        %mul3A_227 = arith.mulf %get3A_226, %get3A_210 : vector<16xf32>
        %swap3A = arith.index_cast %scan3A_206 : i32 to index
        %swap3A_228 = arith.constant 0 : index
        %swap3A_229 = tpu.vector_load %arg13[%swap3A, %swap3A_228] {strides = array<i32>} : memref<64x128xf32, #tpu.memory_space<vmem>>, vector<1x16xf32>,
        %swap3A_230 = vector.shape_cast %swap3A_229 : vector<1x16xf32> to vector<16xf32>
        %swap3A_231 = vector.shape_cast %mul3A_227 : vector<16xf32> to vector<1x16xf32>
        tpu.vector_store %arg13[%swap3A, %swap3A_228], %swap3A_231 {strides = array<i32>} : memref<64x128xf32, #tpu.memory_space<vmem>>, vector<1x16xf32>,
        %get3A_232 = arith.index_cast %scan3A_206 : i32 to index
        %get3A_233 = arith.constant 16 : index
        %get3A_234 = tpu.vector_load %arg13[%get3A_232, %get3A_233] {strides = array<i32>} : memref<64x128xf32, #tpu.memory_space<vmem>>, vector<1x16xf32>,
        %get3A_235 = vector.shape_cast %get3A_234 : vector<1x16xf32> to vector<16xf32>
        %mul3A_236 = arith.mulf %get3A_235, %get3A_214 : vector<16xf32>
        %swap3A_237 = arith.index_cast %scan3A_206 : i32 to index
        %swap3A_238 = arith.constant 16 : index
        %swap3A_239 = tpu.vector_load %arg13[%swap3A_237, %swap3A_238] {strides = array<i32>} : memref<64x128xf32, #tpu.memory_space<vmem>>, vector<1x16xf32>,
        %swap3A_240 = vector.shape_cast %swap3A_239 : vector<1x16xf32> to vector<16xf32>
        %swap3A_241 = vector.shape_cast %mul3A_236 : vector<16xf32> to vector<1x16xf32>
        tpu.vector_store %arg13[%swap3A_237, %swap3A_238], %swap3A_241 {strides = array<i32>} : memref<64x128xf32, #tpu.memory_space<vmem>>, vector<1x16xf32>,
        %get3A_242 = arith.index_cast %scan3A_206 : i32 to index
        %get3A_243 = arith.constant 32 : index
        %get3A_244 = tpu.vector_load %arg13[%get3A_242, %get3A_243] {strides = array<i32>} : memref<64x128xf32, #tpu.memory_space<vmem>>, vector<1x16xf32>,
        %get3A_245 = vector.shape_cast %get3A_244 : vector<1x16xf32> to vector<16xf32>
        %mul3A_246 = arith.mulf %get3A_245, %get3A_218 : vector<16xf32>
        %swap3A_247 = arith.index_cast %scan3A_206 : i32 to index
        %swap3A_248 = arith.constant 32 : index
        %swap3A_249 = tpu.vector_load %arg13[%swap3A_247, %swap3A_248] {strides = array<i32>} : memref<64x128xf32, #tpu.memory_space<vmem>>, vector<1x16xf32>,
        %swap3A_250 = vector.shape_cast %swap3A_249 : vector<1x16xf32> to vector<16xf32>
        %swap3A_251 = vector.shape_cast %mul3A_246 : vector<16xf32> to vector<1x16xf32>
        tpu.vector_store %arg13[%swap3A_247, %swap3A_248], %swap3A_251 {strides = array<i32>} : memref<64x128xf32, #tpu.memory_space<vmem>>, vector<1x16xf32>,
        %get3A_252 = arith.index_cast %scan3A_206 : i32 to index
        %get3A_253 = arith.constant 48 : index
        %get3A_254 = tpu.vector_load %arg13[%get3A_252, %get3A_253] {strides = array<i32>} : memref<64x128xf32, #tpu.memory_space<vmem>>, vector<1x16xf32>,
        %get3A_255 = vector.shape_cast %get3A_254 : vector<1x16xf32> to vector<16xf32>
        %mul3A_256 = arith.mulf %get3A_255, %get3A_222 : vector<16xf32>
        %swap3A_257 = arith.index_cast %scan3A_206 : i32 to index
        %swap3A_258 = arith.constant 48 : index
        %swap3A_259 = tpu.vector_load %arg13[%swap3A_257, %swap3A_258] {strides = array<i32>} : memref<64x128xf32, #tpu.memory_space<vmem>>, vector<1x16xf32>,
        %swap3A_260 = vector.shape_cast %swap3A_259 : vector<1x16xf32> to vector<16xf32>
        %swap3A_261 = vector.shape_cast %mul3A_256 : vector<16xf32> to vector<1x16xf32>
        tpu.vector_store %arg13[%swap3A_257, %swap3A_258], %swap3A_261 {strides = array<i32>} : memref<64x128xf32, #tpu.memory_space<vmem>>, vector<1x16xf32>,
        %get3A_262 = arith.index_cast %scan3A_206 : i32 to index
        %get3A_263 = arith.constant 64 : index
        %get3A_264 = tpu.vector_load %arg13[%get3A_262, %get3A_263] {strides = array<i32>} : memref<64x128xf32, #tpu.memory_space<vmem>>, vector<1x16xf32>,
        %get3A_265 = vector.shape_cast %get3A_264 : vector<1x16xf32> to vector<16xf32>
        %mul3A_266 = arith.mulf %get3A_265, %get3A_210 : vector<16xf32>
        %swap3A_267 = arith.index_cast %scan3A_206 : i32 to index
        %swap3A_268 = arith.constant 64 : index
        %swap3A_269 = tpu.vector_load %arg13[%swap3A_267, %swap3A_268] {strides = array<i32>} : memref<64x128xf32, #tpu.memory_space<vmem>>, vector<1x16xf32>,
        %swap3A_270 = vector.shape_cast %swap3A_269 : vector<1x16xf32> to vector<16xf32>
        %swap3A_271 = vector.shape_cast %mul3A_266 : vector<16xf32> to vector<1x16xf32>
        tpu.vector_store %arg13[%swap3A_267, %swap3A_268], %swap3A_271 {strides = array<i32>} : memref<64x128xf32, #tpu.memory_space<vmem>>, vector<1x16xf32>,
        %get3A_272 = arith.index_cast %scan3A_206 : i32 to index
        %get3A_273 = arith.constant 80 : index
        %get3A_274 = tpu.vector_load %arg13[%get3A_272, %get3A_273] {strides = array<i32>} : memref<64x128xf32, #tpu.memory_space<vmem>>, vector<1x16xf32>,
        %get3A_275 = vector.shape_cast %get3A_274 : vector<1x16xf32> to vector<16xf32>
        %mul3A_276 = arith.mulf %get3A_275, %get3A_214 : vector<16xf32>
        %swap3A_277 = arith.index_cast %scan3A_206 : i32 to index
        %swap3A_278 = arith.constant 80 : index
        %swap3A_279 = tpu.vector_load %arg13[%swap3A_277, %swap3A_278] {strides = array<i32>} : memref<64x128xf32, #tpu.memory_space<vmem>>, vector<1x16xf32>,
        %swap3A_280 = vector.shape_cast %swap3A_279 : vector<1x16xf32> to vector<16xf32>
        %swap3A_281 = vector.shape_cast %mul3A_276 : vector<16xf32> to vector<1x16xf32>
        tpu.vector_store %arg13[%swap3A_277, %swap3A_278], %swap3A_281 {strides = array<i32>} : memref<64x128xf32, #tpu.memory_space<vmem>>, vector<1x16xf32>,
        %get3A_282 = arith.index_cast %scan3A_206 : i32 to index
        %get3A_283 = arith.constant 96 : index
        %get3A_284 = tpu.vector_load %arg13[%get3A_282, %get3A_283] {strides = array<i32>} : memref<64x128xf32, #tpu.memory_space<vmem>>, vector<1x16xf32>,
        %get3A_285 = vector.shape_cast %get3A_284 : vector<1x16xf32> to vector<16xf32>
        %mul3A_286 = arith.mulf %get3A_285, %get3A_218 : vector<16xf32>
        %swap3A_287 = arith.index_cast %scan3A_206 : i32 to index
        %swap3A_288 = arith.constant 96 : index
        %swap3A_289 = tpu.vector_load %arg13[%swap3A_287, %swap3A_288] {strides = array<i32>} : memref<64x128xf32, #tpu.memory_space<vmem>>, vector<1x16xf32>,
        %swap3A_290 = vector.shape_cast %swap3A_289 : vector<1x16xf32> to vector<16xf32>
        %swap3A_291 = vector.shape_cast %mul3A_286 : vector<16xf32> to vector<1x16xf32>
        tpu.vector_store %arg13[%swap3A_287, %swap3A_288], %swap3A_291 {strides = array<i32>} : memref<64x128xf32, #tpu.memory_space<vmem>>, vector<1x16xf32>,
        %get3A_292 = arith.index_cast %scan3A_206 : i32 to index
        %get3A_293 = arith.constant 112 : index
        %get3A_294 = tpu.vector_load %arg13[%get3A_292, %get3A_293] {strides = array<i32>} : memref<64x128xf32, #tpu.memory_space<vmem>>, vector<1x16xf32>,
        %get3A_295 = vector.shape_cast %get3A_294 : vector<1x16xf32> to vector<16xf32>
        %mul3A_296 = arith.mulf %get3A_295, %get3A_222 : vector<16xf32>
        %swap3A_297 = arith.index_cast %scan3A_206 : i32 to index
        %swap3A_298 = arith.constant 112 : index
        %swap3A_299 = tpu.vector_load %arg13[%swap3A_297, %swap3A_298] {strides = array<i32>} : memref<64x128xf32, #tpu.memory_space<vmem>>, vector<1x16xf32>,
        %swap3A_300 = vector.shape_cast %swap3A_299 : vector<1x16xf32> to vector<16xf32>
        %swap3A_301 = vector.shape_cast %mul3A_296 : vector<16xf32> to vector<1x16xf32>
        tpu.vector_store %arg13[%swap3A_297, %swap3A_298], %swap3A_301 {strides = array<i32>} : memref<64x128xf32, #tpu.memory_space<vmem>>, vector<1x16xf32>,
        %scan3A_302 = arith.constant 0 : i32
        scf.yield %scan3A_302 : i32
      }
      %scan3A_204 = arith.constant 64 : i32
      %run_scoped3A = arith.constant 0 : i32
      "tpu.region"() ({
        %run_scoped3A_206 = tpu.sem_alloc : memref<!tpu.dma_semaphore, #tpu.memory_space<semaphore_mem>>
        %dma_start3A_207 = arith.constant 0 : i32
        %dma_start3A_208 = tpu.memref_slice %arg11[%run_scoped3A, %dma_start3A_207] : memref<3x64xi32, #tpu.memory_space<vmem>> -> memref<1x64xi32, #tpu.memory_space<vmem>>
        %dma_start3A_209 = tpu.memref_squeeze %dma_start3A_208 : memref<1x64xi32, #tpu.memory_space<vmem>> -> memref<64xi32, #tpu.memory_space<vmem>>
        %dma_start3A_210 = arith.constant 0 : i32
        %dma_start3A_211 = arith.constant 0 : i32
        %dma_start3A_212 = tpu.memref_slice %arg14[%dma_start3A_210, %dma_start3A_211] : memref<12552x128xf32, #tpu.memory_space<vmem_shared>> -> memref<12552x128xf32, #tpu.memory_space<vmem_shared>>
        tpu.enqueue_indirect_dma source(%arg13 : memref<64x128xf32, #tpu.memory_space<vmem>>) target(%dma_start3A_212 : memref<12552x128xf32, #tpu.memory_space<vmem_shared>>) offsets(%dma_start3A_209 : memref<64xi32, #tpu.memory_space<vmem>>) semaphore(%run_scoped3A_206 : memref<!tpu.dma_semaphore, #tpu.memory_space<semaphore_mem>>) {add = true}
        %dma_wait3A_213 = arith.constant 0 : i32
        %dma_wait3A_214 = tpu.memref_slice %arg11[%run_scoped3A, %dma_wait3A_213] : memref<3x64xi32, #tpu.memory_space<vmem>> -> memref<1x64xi32, #tpu.memory_space<vmem>>
        %dma_wait3A_215 = tpu.memref_squeeze %dma_wait3A_214 : memref<1x64xi32, #tpu.memory_space<vmem>> -> memref<64xi32, #tpu.memory_space<vmem>>
        %dma_wait3A_216 = arith.constant 0 : i32
        %dma_wait3A_217 = arith.constant 0 : i32
        %dma_wait3A_218 = tpu.memref_slice %arg14[%dma_wait3A_216, %dma_wait3A_217] : memref<12552x128xf32, #tpu.memory_space<vmem_shared>> -> memref<12552x128xf32, #tpu.memory_space<vmem_shared>>
        tpu.wait_indirect_dma semaphore(%run_scoped3A_206 : memref<!tpu.dma_semaphore, #tpu.memory_space<semaphore_mem>>) src(%arg13 : memref<64x128xf32, #tpu.memory_space<vmem>>) dst(%dma_wait3A_218 : memref<12552x128xf32, #tpu.memory_space<vmem_shared>>)
        tpu.yield
      }) : () -> ()
      %scan3A_205 = arith.constant 0 : i32
      scf.yield %scan3A_205 : i32
    }
    %scan3A_172 = arith.constant 392 : i32
    %barrier3A_173 = arith.constant 0 : index
    tpu.barrier barrier_id(%barrier3A_173)
    %mul3A_174 = arith.constant 784 : i32
    %mul3A_175 = arith.muli %arg1, %mul3A_174 : i32
    %mul3A_176 = arith.constant 784 : i32
    %mul3A_177 = arith.muli %arg1, %mul3A_176 : i32
    %add3A_178 = arith.addi %mul3A_99, %mul3A_177 : i32
    "tpu.region"() ({
      %run_scoped3A = tpu.sem_alloc : memref<!tpu.dma_semaphore, #tpu.memory_space<semaphore_mem>>
      %dma_start3A = arith.constant 0 : i32
      %dma_start3A_180 = tpu.memref_slice %arg7[%add3A_178, %dma_start3A] : memref<50176x128xf32, #tpu.memory_space<hbm>> -> memref<784x128xf32, #tpu.memory_space<hbm>>
      %dma_start3A_181 = arith.constant 0 : i32
      %dma_start3A_182 = tpu.memref_slice %arg14[%mul3A_175, %dma_start3A_181] : memref<12552x128xf32, #tpu.memory_space<vmem_shared>> -> memref<784x128xf32, #tpu.memory_space<vmem_shared>>
      tpu.enqueue_dma source(%dma_start3A_182 : memref<784x128xf32, #tpu.memory_space<vmem_shared>>) target(%dma_start3A_180 : memref<784x128xf32, #tpu.memory_space<hbm>>) target_semaphore(%run_scoped3A : memref<!tpu.dma_semaphore, #tpu.memory_space<semaphore_mem>>)
      %dma_wait3A = arith.constant 0 : i32
      %dma_wait3A_183 = tpu.memref_slice %arg7[%add3A_178, %dma_wait3A] : memref<50176x128xf32, #tpu.memory_space<hbm>> -> memref<784x128xf32, #tpu.memory_space<hbm>>
      %dma_wait3A_184 = arith.constant 0 : i32
      %dma_wait3A_185 = tpu.memref_slice %arg14[%mul3A_175, %dma_wait3A_184] : memref<12552x128xf32, #tpu.memory_space<vmem_shared>> -> memref<784x128xf32, #tpu.memory_space<vmem_shared>>
      tpu.wait_dma2 semaphore(%run_scoped3A : memref<!tpu.dma_semaphore, #tpu.memory_space<semaphore_mem>>) src(%dma_wait3A_185 : memref<784x128xf32, #tpu.memory_space<vmem_shared>>) dst(%dma_wait3A_183 : memref<784x128xf32, #tpu.memory_space<hbm>>)
      tpu.yield
    }) : () -> ()
    %barrier3A_179 = arith.constant 0 : index
    tpu.barrier barrier_id(%barrier3A_179)
    return
  }
}

module attributes {stable_mosaic.version = 14 : i64} {
  func.func @_stage2_body(%arg0: i32, %arg1: memref<2048x5xf32, #tpu.memory_space<vmem>>, %arg2: memref<64x5xf32, #tpu.memory_space<vmem>>, %arg3: memref<1x64xf32, #tpu.memory_space<vmem>>, %arg4: memref<64x64xf32, #tpu.memory_space<vmem>>, %arg5: memref<1x64xf32, #tpu.memory_space<vmem>>, %arg6: memref<2048x64xf32, #tpu.memory_space<vmem>>) attributes {dimension_semantics = [#tpu.dimension_semantics<arbitrary>], iteration_bounds = array<i64: 196>, scalar_prefetch = 0 : i64, scratch_operands = 0 : i64, tpu.core_type = #tpu.core_type<tc>, window_params = [{transform_indices = @transform_0, window_bounds = array<i64: 2048, 5>}, {pipeline_mode = #tpu.pipeline_mode<synchronous>, transform_indices = @transform_1, window_bounds = array<i64: 64, 5>}, {pipeline_mode = #tpu.pipeline_mode<synchronous>, transform_indices = @transform_2, window_bounds = array<i64: 1, 64>}, {pipeline_mode = #tpu.pipeline_mode<synchronous>, transform_indices = @transform_3, window_bounds = array<i64: 64, 64>}, {pipeline_mode = #tpu.pipeline_mode<synchronous>, transform_indices = @transform_4, window_bounds = array<i64: 1, 64>}, {transform_indices = @transform_5, window_bounds = array<i64: 2048, 64>}]} {
    %get3A = arith.constant 0 : index
    %get3A_0 = arith.constant 0 : index
    %get3A_1 = vector.load %arg1[%get3A, %get3A_0] : memref<2048x5xf32, #tpu.memory_space<vmem>>, vector<2048x5xf32>
    %get3A_2 = arith.constant 0 : index
    %get3A_3 = arith.constant 0 : index
    %get3A_4 = vector.load %arg2[%get3A_2, %get3A_3] : memref<64x5xf32, #tpu.memory_space<vmem>>, vector<64x5xf32>
    %dot_general3A = arith.constant dense<0.000000e+00> : vector<2048x64xf32>
    %dot_general3A_5 = tpu.matmul %get3A_1, %get3A_4, %dot_general3A {dimension_numbers = #tpu.dot_dimension_numbers<[1], [1], [0], [0], [0, 0, 1, 0], [], []>, transpose_lhs_hint = false} : vector<2048x5xf32>, vector<64x5xf32>, vector<2048x64xf32> -> vector<2048x64xf32>
    %get3A_6 = arith.constant 0 : index
    %get3A_7 = arith.constant 0 : index
    %get3A_8 = vector.load %arg3[%get3A_6, %get3A_7] : memref<1x64xf32, #tpu.memory_space<vmem>>, vector<1x64xf32>
    %add3A = vector.broadcast %get3A_8 : vector<1x64xf32> to vector<2048x64xf32>
    %add3A_9 = arith.addf %dot_general3A_5, %add3A : vector<2048x64xf32>
    %mul3A = arith.constant 5.000000e-01 : f32
    %mul3A_10 = vector.broadcast %mul3A : f32 to vector<2048x64xf32>
    %mul3A_11 = arith.mulf %add3A_9, %mul3A_10 : vector<2048x64xf32>
    %mul3A_12 = arith.constant 0.707106769 : f32
    %mul3A_13 = vector.broadcast %mul3A_12 : f32 to vector<2048x64xf32>
    %mul3A_14 = arith.mulf %add3A_9, %mul3A_13 : vector<2048x64xf32>
    %erf3A = math.erf %mul3A_14 : vector<2048x64xf32>
    %add3A_15 = arith.constant 1.000000e+00 : f32
    %add3A_16 = vector.broadcast %add3A_15 : f32 to vector<2048x64xf32>
    %add3A_17 = arith.addf %add3A_16, %erf3A : vector<2048x64xf32>
    %mul3A_18 = arith.mulf %mul3A_11, %add3A_17 : vector<2048x64xf32>
    %get3A_19 = arith.constant 0 : index
    %get3A_20 = arith.constant 0 : index
    %get3A_21 = vector.load %arg4[%get3A_19, %get3A_20] : memref<64x64xf32, #tpu.memory_space<vmem>>, vector<64x64xf32>
    %dot_general3A_22 = arith.constant dense<0.000000e+00> : vector<2048x64xf32>
    %dot_general3A_23 = tpu.matmul %mul3A_18, %get3A_21, %dot_general3A_22 {dimension_numbers = #tpu.dot_dimension_numbers<[1], [1], [0], [0], [0, 0, 1, 0], [], []>, transpose_lhs_hint = false} : vector<2048x64xf32>, vector<64x64xf32>, vector<2048x64xf32> -> vector<2048x64xf32>
    %get3A_24 = arith.constant 0 : index
    %get3A_25 = arith.constant 0 : index
    %get3A_26 = vector.load %arg5[%get3A_24, %get3A_25] : memref<1x64xf32, #tpu.memory_space<vmem>>, vector<1x64xf32>
    %add3A_27 = vector.broadcast %get3A_26 : vector<1x64xf32> to vector<2048x64xf32>
    %add3A_28 = arith.addf %dot_general3A_23, %add3A_27 : vector<2048x64xf32>
    %logistic3A = arith.negf %add3A_28 : vector<2048x64xf32>
    %logistic3A_29 = math.exp %logistic3A : vector<2048x64xf32>
    %logistic3A_30 = arith.constant 1.000000e+00 : f32
    %logistic3A_31 = vector.broadcast %logistic3A_30 : f32 to vector<2048x64xf32>
    %logistic3A_32 = arith.addf %logistic3A_31, %logistic3A_29 : vector<2048x64xf32>
    %logistic3A_33 = arith.divf %logistic3A_31, %logistic3A_32 : vector<2048x64xf32>
    %swap3A = arith.constant 0 : index
    %swap3A_34 = arith.constant 0 : index
    %swap3A_35 = vector.load %arg6[%swap3A, %swap3A_34] : memref<2048x64xf32, #tpu.memory_space<vmem>>, vector<2048x64xf32>
    tpu.vector_store %arg6[%swap3A, %swap3A_34], %logistic3A_33 {strides = array<i32>} : memref<2048x64xf32, #tpu.memory_space<vmem>>, vector<2048x64xf32>,
    return
  }
  func.func @transform_0(%arg0: i32) -> (i32, i32) {
    %c0_i32 = arith.constant 0 : i32
    %c0_i32_0 = arith.constant 0 : i32
    return %arg0, %c0_i32 : i32, i32
  }
  func.func @transform_1(%arg0: i32) -> (i32, i32) {
    %c0_i32 = arith.constant 0 : i32
    %c0_i32_0 = arith.constant 0 : i32
    %c0_i32_1 = arith.constant 0 : i32
    return %c0_i32, %c0_i32_0 : i32, i32
  }
  func.func @transform_2(%arg0: i32) -> (i32, i32) {
    %c0_i32 = arith.constant 0 : i32
    %c0_i32_0 = arith.constant 0 : i32
    %c0_i32_1 = arith.constant 0 : i32
    return %c0_i32, %c0_i32_0 : i32, i32
  }
  func.func @transform_3(%arg0: i32) -> (i32, i32) {
    %c0_i32 = arith.constant 0 : i32
    %c0_i32_0 = arith.constant 0 : i32
    %c0_i32_1 = arith.constant 0 : i32
    return %c0_i32, %c0_i32_0 : i32, i32
  }
  func.func @transform_4(%arg0: i32) -> (i32, i32) {
    %c0_i32 = arith.constant 0 : i32
    %c0_i32_0 = arith.constant 0 : i32
    %c0_i32_1 = arith.constant 0 : i32
    return %c0_i32, %c0_i32_0 : i32, i32
  }
  func.func @transform_5(%arg0: i32) -> (i32, i32) {
    %c0_i32 = arith.constant 0 : i32
    %c0_i32_0 = arith.constant 0 : i32
    return %arg0, %c0_i32 : i32, i32
  }
}

module attributes {stable_mosaic.version = 14 : i64} {
  func.func @_stage1_body(%arg0: i32, %arg1: memref<1024x7xf32, #tpu.memory_space<vmem>>, %arg2: memref<1024x7xf32, #tpu.memory_space<vmem>>, %arg3: memref<64x7xf32, #tpu.memory_space<vmem>>, %arg4: memref<1x64xf32, #tpu.memory_space<vmem>>, %arg5: memref<1x64xf32, #tpu.memory_space<vmem>>, %arg6: memref<1x64xf32, #tpu.memory_space<vmem>>, %arg7: memref<64x64xf32, #tpu.memory_space<vmem>>, %arg8: memref<1x64xf32, #tpu.memory_space<vmem>>, %arg9: memref<1024x64xf32, #tpu.memory_space<vmem>>, %arg10: memref<1024x64xf32, #tpu.memory_space<vmem>>, %arg11: memref<1024x128xf32, #tpu.memory_space<vmem>>) attributes {dimension_semantics = [#tpu.dimension_semantics<arbitrary>], iteration_bounds = array<i64: 49>, scalar_prefetch = 0 : i64, scratch_operands = 0 : i64, tpu.core_type = #tpu.core_type<tc>, window_params = [{transform_indices = @transform_0, window_bounds = array<i64: 1024, 7>}, {transform_indices = @transform_1, window_bounds = array<i64: 1024, 7>}, {pipeline_mode = #tpu.pipeline_mode<synchronous>, transform_indices = @transform_2, window_bounds = array<i64: 64, 7>}, {pipeline_mode = #tpu.pipeline_mode<synchronous>, transform_indices = @transform_3, window_bounds = array<i64: 1, 64>}, {pipeline_mode = #tpu.pipeline_mode<synchronous>, transform_indices = @transform_4, window_bounds = array<i64: 1, 64>}, {pipeline_mode = #tpu.pipeline_mode<synchronous>, transform_indices = @transform_5, window_bounds = array<i64: 1, 64>}, {pipeline_mode = #tpu.pipeline_mode<synchronous>, transform_indices = @transform_6, window_bounds = array<i64: 64, 64>}, {pipeline_mode = #tpu.pipeline_mode<synchronous>, transform_indices = @transform_7, window_bounds = array<i64: 1, 64>}, {transform_indices = @transform_8, window_bounds = array<i64: 1024, 64>}, {transform_indices = @transform_9, window_bounds = array<i64: 1024, 64>}, {transform_indices = @transform_10, window_bounds = array<i64: 1024, 128>}]} {
    %get3A = arith.constant 0 : index
    %get3A_0 = arith.constant 0 : index
    %get3A_1 = vector.load %arg1[%get3A, %get3A_0] : memref<1024x7xf32, #tpu.memory_space<vmem>>, vector<1024x7xf32>
    %get3A_2 = arith.constant 0 : index
    %get3A_3 = arith.constant 0 : index
    %get3A_4 = vector.load %arg3[%get3A_2, %get3A_3] : memref<64x7xf32, #tpu.memory_space<vmem>>, vector<64x7xf32>
    %dot_general3A = arith.constant dense<0.000000e+00> : vector<1024x64xf32>
    %dot_general3A_5 = tpu.matmul %get3A_1, %get3A_4, %dot_general3A {dimension_numbers = #tpu.dot_dimension_numbers<[1], [1], [0], [0], [0, 0, 1, 0], [], []>, transpose_lhs_hint = false} : vector<1024x7xf32>, vector<64x7xf32>, vector<1024x64xf32> -> vector<1024x64xf32>
    %get3A_6 = arith.constant 0 : index
    %get3A_7 = arith.constant 0 : index
    %get3A_8 = vector.load %arg4[%get3A_6, %get3A_7] : memref<1x64xf32, #tpu.memory_space<vmem>>, vector<1x64xf32>
    %add3A = vector.broadcast %get3A_8 : vector<1x64xf32> to vector<1024x64xf32>
    %add3A_9 = arith.addf %dot_general3A_5, %add3A : vector<1024x64xf32>
    %get3A_10 = arith.constant 0 : index
    %get3A_11 = arith.constant 0 : index
    %get3A_12 = vector.load %arg5[%get3A_10, %get3A_11] : memref<1x64xf32, #tpu.memory_space<vmem>>, vector<1x64xf32>
    %get3A_13 = arith.constant 0 : index
    %get3A_14 = arith.constant 0 : index
    %get3A_15 = vector.load %arg6[%get3A_13, %get3A_14] : memref<1x64xf32, #tpu.memory_space<vmem>>, vector<1x64xf32>
    %reduce_sum3A = arith.constant dense<0.000000e+00> : vector<1024xf32>
    %reduce_sum3A_16 = vector.multi_reduction <add>, %add3A_9, %reduce_sum3A [1] : vector<1024x64xf32> to vector<1024xf32>
    %broadcast_in_dim3A = vector.shape_cast %reduce_sum3A_16 : vector<1024xf32> to vector<1024x1xf32>
    %div3A = arith.constant 6.400000e+01 : f32
    %div3A_17 = vector.broadcast %div3A : f32 to vector<1024x1xf32>
    %div3A_18 = arith.divf %broadcast_in_dim3A, %div3A_17 : vector<1024x1xf32>
    %sub3A = vector.broadcast %div3A_18 : vector<1024x1xf32> to vector<1024x64xf32>
    %sub3A_19 = arith.subf %add3A_9, %sub3A : vector<1024x64xf32>
    %integer_pow3A = arith.mulf %sub3A_19, %sub3A_19 : vector<1024x64xf32>
    %reduce_sum3A_20 = arith.constant dense<0.000000e+00> : vector<1024xf32>
    %reduce_sum3A_21 = vector.multi_reduction <add>, %integer_pow3A, %reduce_sum3A_20 [1] : vector<1024x64xf32> to vector<1024xf32>
    %broadcast_in_dim3A_22 = vector.shape_cast %reduce_sum3A_21 : vector<1024xf32> to vector<1024x1xf32>
    %div3A_23 = arith.constant 6.400000e+01 : f32
    %div3A_24 = vector.broadcast %div3A_23 : f32 to vector<1024x1xf32>
    %div3A_25 = arith.divf %broadcast_in_dim3A_22, %div3A_24 : vector<1024x1xf32>
    %sub3A_26 = vector.broadcast %div3A_18 : vector<1024x1xf32> to vector<1024x64xf32>
    %sub3A_27 = arith.subf %add3A_9, %sub3A_26 : vector<1024x64xf32>
    %add3A_28 = arith.constant 9.99999974E-6 : f32
    %add3A_29 = vector.broadcast %add3A_28 : f32 to vector<1024x1xf32>
    %add3A_30 = arith.addf %div3A_25, %add3A_29 : vector<1024x1xf32>
    %rsqrt3A = math.rsqrt %add3A_30 : vector<1024x1xf32>
    %mul3A = vector.broadcast %rsqrt3A : vector<1024x1xf32> to vector<1024x64xf32>
    %mul3A_31 = arith.mulf %sub3A_27, %mul3A : vector<1024x64xf32>
    %mul3A_32 = vector.broadcast %get3A_12 : vector<1x64xf32> to vector<1024x64xf32>
    %mul3A_33 = arith.mulf %mul3A_31, %mul3A_32 : vector<1024x64xf32>
    %add3A_34 = vector.broadcast %get3A_15 : vector<1x64xf32> to vector<1024x64xf32>
    %add3A_35 = arith.addf %mul3A_33, %add3A_34 : vector<1024x64xf32>
    %mul3A_36 = arith.constant 5.000000e-01 : f32
    %mul3A_37 = vector.broadcast %mul3A_36 : f32 to vector<1024x64xf32>
    %mul3A_38 = arith.mulf %add3A_35, %mul3A_37 : vector<1024x64xf32>
    %mul3A_39 = arith.constant 0.707106769 : f32
    %mul3A_40 = vector.broadcast %mul3A_39 : f32 to vector<1024x64xf32>
    %mul3A_41 = arith.mulf %add3A_35, %mul3A_40 : vector<1024x64xf32>
    %erf3A = math.erf %mul3A_41 : vector<1024x64xf32>
    %add3A_42 = arith.constant 1.000000e+00 : f32
    %add3A_43 = vector.broadcast %add3A_42 : f32 to vector<1024x64xf32>
    %add3A_44 = arith.addf %add3A_43, %erf3A : vector<1024x64xf32>
    %mul3A_45 = arith.mulf %mul3A_38, %add3A_44 : vector<1024x64xf32>
    %get3A_46 = arith.constant 0 : index
    %get3A_47 = arith.constant 0 : index
    %get3A_48 = vector.load %arg2[%get3A_46, %get3A_47] : memref<1024x7xf32, #tpu.memory_space<vmem>>, vector<1024x7xf32>
    %get3A_49 = arith.constant 0 : index
    %get3A_50 = arith.constant 0 : index
    %get3A_51 = vector.load %arg3[%get3A_49, %get3A_50] : memref<64x7xf32, #tpu.memory_space<vmem>>, vector<64x7xf32>
    %dot_general3A_52 = arith.constant dense<0.000000e+00> : vector<1024x64xf32>
    %dot_general3A_53 = tpu.matmul %get3A_48, %get3A_51, %dot_general3A_52 {dimension_numbers = #tpu.dot_dimension_numbers<[1], [1], [0], [0], [0, 0, 1, 0], [], []>, transpose_lhs_hint = false} : vector<1024x7xf32>, vector<64x7xf32>, vector<1024x64xf32> -> vector<1024x64xf32>
    %get3A_54 = arith.constant 0 : index
    %get3A_55 = arith.constant 0 : index
    %get3A_56 = vector.load %arg4[%get3A_54, %get3A_55] : memref<1x64xf32, #tpu.memory_space<vmem>>, vector<1x64xf32>
    %add3A_57 = vector.broadcast %get3A_56 : vector<1x64xf32> to vector<1024x64xf32>
    %add3A_58 = arith.addf %dot_general3A_53, %add3A_57 : vector<1024x64xf32>
    %get3A_59 = arith.constant 0 : index
    %get3A_60 = arith.constant 0 : index
    %get3A_61 = vector.load %arg5[%get3A_59, %get3A_60] : memref<1x64xf32, #tpu.memory_space<vmem>>, vector<1x64xf32>
    %get3A_62 = arith.constant 0 : index
    %get3A_63 = arith.constant 0 : index
    %get3A_64 = vector.load %arg6[%get3A_62, %get3A_63] : memref<1x64xf32, #tpu.memory_space<vmem>>, vector<1x64xf32>
    %reduce_sum3A_65 = arith.constant dense<0.000000e+00> : vector<1024xf32>
    %reduce_sum3A_66 = vector.multi_reduction <add>, %add3A_58, %reduce_sum3A_65 [1] : vector<1024x64xf32> to vector<1024xf32>
    %broadcast_in_dim3A_67 = vector.shape_cast %reduce_sum3A_66 : vector<1024xf32> to vector<1024x1xf32>
    %div3A_68 = arith.constant 6.400000e+01 : f32
    %div3A_69 = vector.broadcast %div3A_68 : f32 to vector<1024x1xf32>
    %div3A_70 = arith.divf %broadcast_in_dim3A_67, %div3A_69 : vector<1024x1xf32>
    %sub3A_71 = vector.broadcast %div3A_70 : vector<1024x1xf32> to vector<1024x64xf32>
    %sub3A_72 = arith.subf %add3A_58, %sub3A_71 : vector<1024x64xf32>
    %integer_pow3A_73 = arith.mulf %sub3A_72, %sub3A_72 : vector<1024x64xf32>
    %reduce_sum3A_74 = arith.constant dense<0.000000e+00> : vector<1024xf32>
    %reduce_sum3A_75 = vector.multi_reduction <add>, %integer_pow3A_73, %reduce_sum3A_74 [1] : vector<1024x64xf32> to vector<1024xf32>
    %broadcast_in_dim3A_76 = vector.shape_cast %reduce_sum3A_75 : vector<1024xf32> to vector<1024x1xf32>
    %div3A_77 = arith.constant 6.400000e+01 : f32
    %div3A_78 = vector.broadcast %div3A_77 : f32 to vector<1024x1xf32>
    %div3A_79 = arith.divf %broadcast_in_dim3A_76, %div3A_78 : vector<1024x1xf32>
    %sub3A_80 = vector.broadcast %div3A_70 : vector<1024x1xf32> to vector<1024x64xf32>
    %sub3A_81 = arith.subf %add3A_58, %sub3A_80 : vector<1024x64xf32>
    %add3A_82 = arith.constant 9.99999974E-6 : f32
    %add3A_83 = vector.broadcast %add3A_82 : f32 to vector<1024x1xf32>
    %add3A_84 = arith.addf %div3A_79, %add3A_83 : vector<1024x1xf32>
    %rsqrt3A_85 = math.rsqrt %add3A_84 : vector<1024x1xf32>
    %mul3A_86 = vector.broadcast %rsqrt3A_85 : vector<1024x1xf32> to vector<1024x64xf32>
    %mul3A_87 = arith.mulf %sub3A_81, %mul3A_86 : vector<1024x64xf32>
    %mul3A_88 = vector.broadcast %get3A_61 : vector<1x64xf32> to vector<1024x64xf32>
    %mul3A_89 = arith.mulf %mul3A_87, %mul3A_88 : vector<1024x64xf32>
    %add3A_90 = vector.broadcast %get3A_64 : vector<1x64xf32> to vector<1024x64xf32>
    %add3A_91 = arith.addf %mul3A_89, %add3A_90 : vector<1024x64xf32>
    %mul3A_92 = arith.constant 5.000000e-01 : f32
    %mul3A_93 = vector.broadcast %mul3A_92 : f32 to vector<1024x64xf32>
    %mul3A_94 = arith.mulf %add3A_91, %mul3A_93 : vector<1024x64xf32>
    %mul3A_95 = arith.constant 0.707106769 : f32
    %mul3A_96 = vector.broadcast %mul3A_95 : f32 to vector<1024x64xf32>
    %mul3A_97 = arith.mulf %add3A_91, %mul3A_96 : vector<1024x64xf32>
    %erf3A_98 = math.erf %mul3A_97 : vector<1024x64xf32>
    %add3A_99 = arith.constant 1.000000e+00 : f32
    %add3A_100 = vector.broadcast %add3A_99 : f32 to vector<1024x64xf32>
    %add3A_101 = arith.addf %add3A_100, %erf3A_98 : vector<1024x64xf32>
    %mul3A_102 = arith.mulf %mul3A_94, %add3A_101 : vector<1024x64xf32>
    %swap3A = arith.constant 0 : index
    %swap3A_103 = arith.constant 0 : index
    %swap3A_104 = vector.load %arg9[%swap3A, %swap3A_103] : memref<1024x64xf32, #tpu.memory_space<vmem>>, vector<1024x64xf32>
    tpu.vector_store %arg9[%swap3A, %swap3A_103], %mul3A_45 {strides = array<i32>} : memref<1024x64xf32, #tpu.memory_space<vmem>>, vector<1024x64xf32>,
    %swap3A_105 = arith.constant 0 : index
    %swap3A_106 = arith.constant 0 : index
    %swap3A_107 = vector.load %arg10[%swap3A_105, %swap3A_106] : memref<1024x64xf32, #tpu.memory_space<vmem>>, vector<1024x64xf32>
    tpu.vector_store %arg10[%swap3A_105, %swap3A_106], %mul3A_102 {strides = array<i32>} : memref<1024x64xf32, #tpu.memory_space<vmem>>, vector<1024x64xf32>,
    %get3A_108 = arith.constant 0 : index
    %get3A_109 = arith.constant 0 : index
    %get3A_110 = vector.load %arg7[%get3A_108, %get3A_109] : memref<64x64xf32, #tpu.memory_space<vmem>>, vector<64x64xf32>
    %dot_general3A_111 = arith.constant dense<0.000000e+00> : vector<1024x64xf32>
    %dot_general3A_112 = tpu.matmul %mul3A_45, %get3A_110, %dot_general3A_111 {dimension_numbers = #tpu.dot_dimension_numbers<[1], [1], [0], [0], [0, 0, 1, 0], [], []>, transpose_lhs_hint = false} : vector<1024x64xf32>, vector<64x64xf32>, vector<1024x64xf32> -> vector<1024x64xf32>
    %get3A_113 = arith.constant 0 : index
    %get3A_114 = arith.constant 0 : index
    %get3A_115 = vector.load %arg8[%get3A_113, %get3A_114] : memref<1x64xf32, #tpu.memory_space<vmem>>, vector<1x64xf32>
    %add3A_116 = vector.broadcast %get3A_115 : vector<1x64xf32> to vector<1024x64xf32>
    %add3A_117 = arith.addf %dot_general3A_112, %add3A_116 : vector<1024x64xf32>
    %mul3A_118 = arith.constant 5.000000e-01 : f32
    %mul3A_119 = vector.broadcast %mul3A_118 : f32 to vector<1024x64xf32>
    %mul3A_120 = arith.mulf %add3A_117, %mul3A_119 : vector<1024x64xf32>
    %mul3A_121 = arith.constant 0.707106769 : f32
    %mul3A_122 = vector.broadcast %mul3A_121 : f32 to vector<1024x64xf32>
    %mul3A_123 = arith.mulf %add3A_117, %mul3A_122 : vector<1024x64xf32>
    %erf3A_124 = math.erf %mul3A_123 : vector<1024x64xf32>
    %add3A_125 = arith.constant 1.000000e+00 : f32
    %add3A_126 = vector.broadcast %add3A_125 : f32 to vector<1024x64xf32>
    %add3A_127 = arith.addf %add3A_126, %erf3A_124 : vector<1024x64xf32>
    %mul3A_128 = arith.mulf %mul3A_120, %add3A_127 : vector<1024x64xf32>
    %get3A_129 = arith.constant 0 : index
    %get3A_130 = arith.constant 0 : index
    %get3A_131 = vector.load %arg7[%get3A_129, %get3A_130] : memref<64x64xf32, #tpu.memory_space<vmem>>, vector<64x64xf32>
    %dot_general3A_132 = arith.constant dense<0.000000e+00> : vector<1024x64xf32>
    %dot_general3A_133 = tpu.matmul %mul3A_102, %get3A_131, %dot_general3A_132 {dimension_numbers = #tpu.dot_dimension_numbers<[1], [1], [0], [0], [0, 0, 1, 0], [], []>, transpose_lhs_hint = false} : vector<1024x64xf32>, vector<64x64xf32>, vector<1024x64xf32> -> vector<1024x64xf32>
    %get3A_134 = arith.constant 0 : index
    %get3A_135 = arith.constant 0 : index
    %get3A_136 = vector.load %arg8[%get3A_134, %get3A_135] : memref<1x64xf32, #tpu.memory_space<vmem>>, vector<1x64xf32>
    %add3A_137 = vector.broadcast %get3A_136 : vector<1x64xf32> to vector<1024x64xf32>
    %add3A_138 = arith.addf %dot_general3A_133, %add3A_137 : vector<1024x64xf32>
    %mul3A_139 = arith.constant 5.000000e-01 : f32
    %mul3A_140 = vector.broadcast %mul3A_139 : f32 to vector<1024x64xf32>
    %mul3A_141 = arith.mulf %add3A_138, %mul3A_140 : vector<1024x64xf32>
    %mul3A_142 = arith.constant 0.707106769 : f32
    %mul3A_143 = vector.broadcast %mul3A_142 : f32 to vector<1024x64xf32>
    %mul3A_144 = arith.mulf %add3A_138, %mul3A_143 : vector<1024x64xf32>
    %erf3A_145 = math.erf %mul3A_144 : vector<1024x64xf32>
    %add3A_146 = arith.constant 1.000000e+00 : f32
    %add3A_147 = vector.broadcast %add3A_146 : f32 to vector<1024x64xf32>
    %add3A_148 = arith.addf %add3A_147, %erf3A_145 : vector<1024x64xf32>
    %mul3A_149 = arith.mulf %mul3A_141, %add3A_148 : vector<1024x64xf32>
    %concatenate3A = tpu.concatenate %mul3A_128, %mul3A_149 in 1 : vector<1024x64xf32>, vector<1024x64xf32> -> vector<1024x128xf32>
    %swap3A_150 = arith.constant 0 : index
    %swap3A_151 = arith.constant 0 : index
    %swap3A_152 = vector.load %arg11[%swap3A_150, %swap3A_151] : memref<1024x128xf32, #tpu.memory_space<vmem>>, vector<1024x128xf32>
    tpu.vector_store %arg11[%swap3A_150, %swap3A_151], %concatenate3A {strides = array<i32>} : memref<1024x128xf32, #tpu.memory_space<vmem>>, vector<1024x128xf32>,
    return
  }
  func.func @transform_0(%arg0: i32) -> (i32, i32) {
    %c0_i32 = arith.constant 0 : i32
    %c0_i32_0 = arith.constant 0 : i32
    return %arg0, %c0_i32 : i32, i32
  }
  func.func @transform_1(%arg0: i32) -> (i32, i32) {
    %add3A = arith.constant 49 : i32
    %add3A_0 = arith.addi %add3A, %arg0 : i32
    %c0_i32 = arith.constant 0 : i32
    %c0_i32_1 = arith.constant 0 : i32
    return %add3A_0, %c0_i32 : i32, i32
  }
  func.func @transform_2(%arg0: i32) -> (i32, i32) {
    %c0_i32 = arith.constant 0 : i32
    %c0_i32_0 = arith.constant 0 : i32
    %c0_i32_1 = arith.constant 0 : i32
    return %c0_i32, %c0_i32_0 : i32, i32
  }
  func.func @transform_3(%arg0: i32) -> (i32, i32) {
    %c0_i32 = arith.constant 0 : i32
    %c0_i32_0 = arith.constant 0 : i32
    %c0_i32_1 = arith.constant 0 : i32
    return %c0_i32, %c0_i32_0 : i32, i32
  }
  func.func @transform_4(%arg0: i32) -> (i32, i32) {
    %c0_i32 = arith.constant 0 : i32
    %c0_i32_0 = arith.constant 0 : i32
    %c0_i32_1 = arith.constant 0 : i32
    return %c0_i32, %c0_i32_0 : i32, i32
  }
  func.func @transform_5(%arg0: i32) -> (i32, i32) {
    %c0_i32 = arith.constant 0 : i32
    %c0_i32_0 = arith.constant 0 : i32
    %c0_i32_1 = arith.constant 0 : i32
    return %c0_i32, %c0_i32_0 : i32, i32
  }
  func.func @transform_6(%arg0: i32) -> (i32, i32) {
    %c0_i32 = arith.constant 0 : i32
    %c0_i32_0 = arith.constant 0 : i32
    %c0_i32_1 = arith.constant 0 : i32
    return %c0_i32, %c0_i32_0 : i32, i32
  }
  func.func @transform_7(%arg0: i32) -> (i32, i32) {
    %c0_i32 = arith.constant 0 : i32
    %c0_i32_0 = arith.constant 0 : i32
    %c0_i32_1 = arith.constant 0 : i32
    return %c0_i32, %c0_i32_0 : i32, i32
  }
  func.func @transform_8(%arg0: i32) -> (i32, i32) {
    %c0_i32 = arith.constant 0 : i32
    %c0_i32_0 = arith.constant 0 : i32
    return %arg0, %c0_i32 : i32, i32
  }
  func.func @transform_9(%arg0: i32) -> (i32, i32) {
    %c0_i32 = arith.constant 0 : i32
    %c0_i32_0 = arith.constant 0 : i32
    return %arg0, %c0_i32 : i32, i32
  }
  func.func @transform_10(%arg0: i32) -> (i32, i32) {
    %c0_i32 = arith.constant 0 : i32
    %c0_i32_0 = arith.constant 0 : i32
    return %arg0, %c0_i32 : i32, i32
  }
}

module attributes {stable_mosaic.version = 14 : i64} {
  func.func @_stage4_body(%arg0: i32, %arg1: memref<1024x64xf32, #tpu.memory_space<vmem>>, %arg2: memref<1024x64xf32, #tpu.memory_space<vmem>>, %arg3: memref<1024x128xf32, #tpu.memory_space<vmem>>, %arg4: memref<2x8x128xf32, #tpu.memory_space<vmem>>, %arg5: memref<64x64xf32, #tpu.memory_space<vmem>>, %arg6: memref<1x64xf32, #tpu.memory_space<vmem>>, %arg7: memref<1x64xf32, #tpu.memory_space<vmem>>, %arg8: memref<1x64xf32, #tpu.memory_space<vmem>>, %arg9: memref<128x64xf32, #tpu.memory_space<vmem>>, %arg10: memref<1x128xf32, #tpu.memory_space<vmem>>, %arg11: memref<64x128xf32, #tpu.memory_space<vmem>>, %arg12: memref<1x64xf32, #tpu.memory_space<vmem>>, %arg13: memref<1x64xf32, #tpu.memory_space<vmem>>, %arg14: memref<1x64xf32, #tpu.memory_space<vmem>>, %arg15: memref<64x64xf32, #tpu.memory_space<vmem>>, %arg16: memref<1x64xf32, #tpu.memory_space<vmem>>, %arg17: memref<16x64xf32, #tpu.memory_space<vmem>>, %arg18: memref<64x64xf32, #tpu.memory_space<vmem>>, %arg19: memref<1x64xf32, #tpu.memory_space<vmem>>, %arg20: memref<2x16x128xf32, #tpu.memory_space<vmem>>) attributes {dimension_semantics = [#tpu.dimension_semantics<arbitrary>], iteration_bounds = array<i64: 49>, scalar_prefetch = 0 : i64, scratch_operands = 0 : i64, tpu.core_type = #tpu.core_type<tc>, window_params = [{transform_indices = @transform_0, window_bounds = array<i64: 1024, 64>}, {transform_indices = @transform_1, window_bounds = array<i64: 1024, 64>}, {transform_indices = @transform_2, window_bounds = array<i64: 1024, 128>}, {transform_indices = @transform_3, window_bounds = array<i64: 2, 8, 128>}, {pipeline_mode = #tpu.pipeline_mode<synchronous>, transform_indices = @transform_4, window_bounds = array<i64: 64, 64>}, {pipeline_mode = #tpu.pipeline_mode<synchronous>, transform_indices = @transform_5, window_bounds = array<i64: 1, 64>}, {pipeline_mode = #tpu.pipeline_mode<synchronous>, transform_indices = @transform_6, window_bounds = array<i64: 1, 64>}, {pipeline_mode = #tpu.pipeline_mode<synchronous>, transform_indices = @transform_7, window_bounds = array<i64: 1, 64>}, {pipeline_mode = #tpu.pipeline_mode<synchronous>, transform_indices = @transform_8, window_bounds = array<i64: 128, 64>}, {pipeline_mode = #tpu.pipeline_mode<synchronous>, transform_indices = @transform_9, window_bounds = array<i64: 1, 128>}, {pipeline_mode = #tpu.pipeline_mode<synchronous>, transform_indices = @transform_10, window_bounds = array<i64: 64, 128>}, {pipeline_mode = #tpu.pipeline_mode<synchronous>, transform_indices = @transform_11, window_bounds = array<i64: 1, 64>}, {pipeline_mode = #tpu.pipeline_mode<synchronous>, transform_indices = @transform_12, window_bounds = array<i64: 1, 64>}, {pipeline_mode = #tpu.pipeline_mode<synchronous>, transform_indices = @transform_13, window_bounds = array<i64: 1, 64>}, {pipeline_mode = #tpu.pipeline_mode<synchronous>, transform_indices = @transform_14, window_bounds = array<i64: 64, 64>}, {pipeline_mode = #tpu.pipeline_mode<synchronous>, transform_indices = @transform_15, window_bounds = array<i64: 1, 64>}, {pipeline_mode = #tpu.pipeline_mode<synchronous>, transform_indices = @transform_16, window_bounds = array<i64: 16, 64>}, {pipeline_mode = #tpu.pipeline_mode<synchronous>, transform_indices = @transform_17, window_bounds = array<i64: 64, 64>}, {pipeline_mode = #tpu.pipeline_mode<synchronous>, transform_indices = @transform_18, window_bounds = array<i64: 1, 64>}, {pipeline_mode = #tpu.pipeline_mode<synchronous>, transform_indices = @transform_19, window_bounds = array<i64: 2, 16, 128>}]} {
    %get3A = arith.constant 0 : index
    %get3A_0 = arith.constant 0 : index
    %get3A_1 = vector.load %arg3[%get3A, %get3A_0] : memref<1024x128xf32, #tpu.memory_space<vmem>>, vector<1024x128xf32>
    %iota3A = tpu.iota {dimensions = array<i32: 0>} : vector<1024x1xi32>
    %jit3A = arith.constant 128 : i32
    %div3A = vector.broadcast %jit3A : i32 to vector<1024x1xi32>
    %div3A_2 = arith.divsi %iota3A, %div3A : vector<1024x1xi32>
    %sign3A = arith.constant 0 : i32
    %sign3A_3 = vector.broadcast %sign3A : i32 to vector<1024x1xi32>
    %sign3A_4 = arith.cmpi sgt, %iota3A, %sign3A_3 : vector<1024x1xi32>
    %sign3A_5 = arith.extui %sign3A_4 : vector<1024x1xi1> to vector<1024x1xi32>
    %sign3A_6 = arith.constant 0 : i32
    %sign3A_7 = vector.broadcast %sign3A_6 : i32 to vector<1024x1xi32>
    %sign3A_8 = arith.cmpi slt, %iota3A, %sign3A_7 : vector<1024x1xi32>
    %sign3A_9 = arith.extui %sign3A_8 : vector<1024x1xi1> to vector<1024x1xi32>
    %sign3A_10 = arith.subi %sign3A_5, %sign3A_9 : vector<1024x1xi32>
    %sign3A_11 = arith.constant 0 : i32
    %sign3A_12 = arith.cmpi sgt, %jit3A, %sign3A_11 : i32
    %sign3A_13 = arith.extui %sign3A_12 : i1 to i32
    %sign3A_14 = arith.constant 0 : i32
    %sign3A_15 = arith.cmpi slt, %jit3A, %sign3A_14 : i32
    %sign3A_16 = arith.extui %sign3A_15 : i1 to i32
    %sign3A_17 = arith.subi %sign3A_13, %sign3A_16 : i32
    %ne3A = vector.broadcast %sign3A_17 : i32 to vector<1024x1xi32>
    %ne3A_18 = arith.cmpi ne, %sign3A_10, %ne3A : vector<1024x1xi32>
    %rem3A = vector.broadcast %jit3A : i32 to vector<1024x1xi32>
    %rem3A_19 = arith.remsi %iota3A, %rem3A : vector<1024x1xi32>
    %ne3A_20 = arith.constant 0 : i32
    %ne3A_21 = vector.broadcast %ne3A_20 : i32 to vector<1024x1xi32>
    %ne3A_22 = arith.cmpi ne, %rem3A_19, %ne3A_21 : vector<1024x1xi32>
    %and3A = arith.andi %ne3A_18, %ne3A_22 : vector<1024x1xi1>
    %sub3A = arith.constant 1 : i32
    %sub3A_23 = vector.broadcast %sub3A : i32 to vector<1024x1xi32>
    %sub3A_24 = arith.subi %div3A_2, %sub3A_23 : vector<1024x1xi32>
    %select_n3A = arith.select %and3A, %sub3A_24, %div3A_2 : vector<1024x1xi1>, vector<1024x1xi32>
    %iota3A_25 = tpu.iota {dimensions = array<i32: 1>} : vector<1024x8xi32>
    %eq3A = vector.broadcast %select_n3A : vector<1024x1xi32> to vector<1024x8xi32>
    %eq3A_26 = arith.cmpi eq, %eq3A, %iota3A_25 : vector<1024x8xi32>
    %convert_element_type3A = arith.extui %eq3A_26 : vector<1024x8xi1> to vector<1024x8xi32>
    %convert_element_type3A_27 = arith.sitofp %convert_element_type3A : vector<1024x8xi32> to vector<1024x8xf32>
    %get3A_28 = arith.constant 0 : index
    %get3A_29 = arith.constant 0 : index
    %get3A_30 = arith.constant 0 : index
    %get3A_31 = vector.load %arg4[%get3A_28, %get3A_29, %get3A_30] : memref<2x8x128xf32, #tpu.memory_space<vmem>>, vector<2x8x128xf32>
    %reduce_sum3A = arith.constant dense<0.000000e+00> : vector<8x128xf32>
    %reduce_sum3A_32 = vector.multi_reduction <add>, %get3A_31, %reduce_sum3A [0] : vector<2x8x128xf32> to vector<8x128xf32>
    %mul3A = arith.constant 5.000000e-01 : f32
    %mul3A_33 = vector.broadcast %mul3A : f32 to vector<8x128xf32>
    %mul3A_34 = arith.mulf %mul3A_33, %reduce_sum3A_32 : vector<8x128xf32>
    %dot_general3A = arith.constant dense<0.000000e+00> : vector<1024x128xf32>
    %dot_general3A_35 = tpu.matmul %convert_element_type3A_27, %mul3A_34, %dot_general3A {dimension_numbers = #tpu.dot_dimension_numbers<[1], [0], [0], [1], [0, 0, 1, 1], [], []>, transpose_lhs_hint = false} : vector<1024x8xf32>, vector<8x128xf32>, vector<1024x128xf32> -> vector<1024x128xf32>
    %jit3A_36 = arith.constant 128 : i32
    %eq3A_37 = arith.constant 0 : i32
    %eq3A_38 = arith.cmpi eq, %jit3A_36, %eq3A_37 : i32
    %jit3A_39 = arith.constant 1 : i32
    %select_n3A_40 = arith.select %eq3A_38, %jit3A_39, %jit3A_36 : i32
    %rem3A_41 = vector.broadcast %select_n3A_40 : i32 to vector<1024x1xi32>
    %rem3A_42 = arith.remsi %iota3A, %rem3A_41 : vector<1024x1xi32>
    %ne3A_43 = arith.constant 0 : i32
    %ne3A_44 = vector.broadcast %ne3A_43 : i32 to vector<1024x1xi32>
    %ne3A_45 = arith.cmpi ne, %rem3A_42, %ne3A_44 : vector<1024x1xi32>
    %lt3A = arith.constant 0 : i32
    %lt3A_46 = vector.broadcast %lt3A : i32 to vector<1024x1xi32>
    %lt3A_47 = arith.cmpi slt, %rem3A_42, %lt3A_46 : vector<1024x1xi32>
    %lt3A_48 = arith.constant 0 : i32
    %lt3A_49 = arith.cmpi slt, %select_n3A_40, %lt3A_48 : i32
    %ne3A_50 = vector.broadcast %lt3A_49 : i1 to vector<1024x1xi1>
    %ne3A_51 = vector.broadcast %ne3A_50 : vector<1024x1xi1> to vector<1024x1xi1>
    %ne3A_52 = arith.xori %lt3A_47, %ne3A_51 : vector<1024x1xi1>
    %and3A_53 = arith.andi %ne3A_52, %ne3A_45 : vector<1024x1xi1>
    %add3A = vector.broadcast %select_n3A_40 : i32 to vector<1024x1xi32>
    %add3A_54 = arith.addi %rem3A_42, %add3A : vector<1024x1xi32>
    %select_n3A_55 = arith.select %and3A_53, %add3A_54, %rem3A_42 : vector<1024x1xi1>, vector<1024x1xi32>
    %iota3A_56 = tpu.iota {dimensions = array<i32: 1>} : vector<1024x128xi32>
    %eq3A_57 = vector.broadcast %select_n3A_55 : vector<1024x1xi32> to vector<1024x128xi32>
    %eq3A_58 = arith.cmpi eq, %eq3A_57, %iota3A_56 : vector<1024x128xi32>
    %jit3A_59 = arith.constant 0.000000e+00 : f32
    %broadcast_in_dim3A = vector.broadcast %jit3A_59 : f32 to vector<1024x128xf32>
    %select_n3A_60 = arith.select %eq3A_58, %dot_general3A_35, %broadcast_in_dim3A : vector<1024x128xi1>, vector<1024x128xf32>
    %reduce_sum3A_61 = arith.constant dense<0.000000e+00> : vector<1024xf32>
    %reduce_sum3A_62 = vector.multi_reduction <add>, %select_n3A_60, %reduce_sum3A_61 [1] : vector<1024x128xf32> to vector<1024xf32>
    %broadcast_in_dim3A_63 = vector.shape_cast %reduce_sum3A_62 : vector<1024xf32> to vector<1024x1xf32>
    %jit3A_64 = arith.constant 1.000000e+00 : f32
    %max3A = vector.broadcast %jit3A_64 : f32 to vector<1024x1xf32>
    %max3A_65 = arith.maximumf %max3A, %broadcast_in_dim3A_63 : vector<1024x1xf32>
    %div3A_66 = arith.constant 1.000000e+00 : f32
    %div3A_67 = vector.broadcast %div3A_66 : f32 to vector<1024x1xf32>
    %div3A_68 = arith.divf %div3A_67, %max3A_65 : vector<1024x1xf32>
    %mul3A_69 = arith.constant 1024 : i32
    %mul3A_70 = arith.muli %arg0, %mul3A_69 : i32
    %add3A_71 = vector.broadcast %mul3A_70 : i32 to vector<1024x1xi32>
    %add3A_72 = arith.addi %add3A_71, %iota3A : vector<1024x1xi32>
    %jit3A_73 = arith.constant 224 : i32
    %div3A_74 = vector.broadcast %jit3A_73 : i32 to vector<1024x1xi32>
    %div3A_75 = arith.divsi %add3A_72, %div3A_74 : vector<1024x1xi32>
    %sign3A_76 = arith.constant 0 : i32
    %sign3A_77 = vector.broadcast %sign3A_76 : i32 to vector<1024x1xi32>
    %sign3A_78 = arith.cmpi sgt, %add3A_72, %sign3A_77 : vector<1024x1xi32>
    %sign3A_79 = arith.extui %sign3A_78 : vector<1024x1xi1> to vector<1024x1xi32>
    %sign3A_80 = arith.constant 0 : i32
    %sign3A_81 = vector.broadcast %sign3A_80 : i32 to vector<1024x1xi32>
    %sign3A_82 = arith.cmpi slt, %add3A_72, %sign3A_81 : vector<1024x1xi32>
    %sign3A_83 = arith.extui %sign3A_82 : vector<1024x1xi1> to vector<1024x1xi32>
    %sign3A_84 = arith.subi %sign3A_79, %sign3A_83 : vector<1024x1xi32>
    %sign3A_85 = arith.constant 0 : i32
    %sign3A_86 = arith.cmpi sgt, %jit3A_73, %sign3A_85 : i32
    %sign3A_87 = arith.extui %sign3A_86 : i1 to i32
    %sign3A_88 = arith.constant 0 : i32
    %sign3A_89 = arith.cmpi slt, %jit3A_73, %sign3A_88 : i32
    %sign3A_90 = arith.extui %sign3A_89 : i1 to i32
    %sign3A_91 = arith.subi %sign3A_87, %sign3A_90 : i32
    %ne3A_92 = vector.broadcast %sign3A_91 : i32 to vector<1024x1xi32>
    %ne3A_93 = arith.cmpi ne, %sign3A_84, %ne3A_92 : vector<1024x1xi32>
    %rem3A_94 = vector.broadcast %jit3A_73 : i32 to vector<1024x1xi32>
    %rem3A_95 = arith.remsi %add3A_72, %rem3A_94 : vector<1024x1xi32>
    %ne3A_96 = arith.constant 0 : i32
    %ne3A_97 = vector.broadcast %ne3A_96 : i32 to vector<1024x1xi32>
    %ne3A_98 = arith.cmpi ne, %rem3A_95, %ne3A_97 : vector<1024x1xi32>
    %and3A_99 = arith.andi %ne3A_93, %ne3A_98 : vector<1024x1xi1>
    %sub3A_100 = arith.constant 1 : i32
    %sub3A_101 = vector.broadcast %sub3A_100 : i32 to vector<1024x1xi32>
    %sub3A_102 = arith.subi %div3A_75, %sub3A_101 : vector<1024x1xi32>
    %select_n3A_103 = arith.select %and3A_99, %sub3A_102, %div3A_75 : vector<1024x1xi1>, vector<1024x1xi32>
    %convert_element_type3A_104 = arith.sitofp %select_n3A_103 : vector<1024x1xi32> to vector<1024x1xf32>
    %mul3A_105 = arith.constant 0.00448430516 : f32
    %mul3A_106 = vector.broadcast %mul3A_105 : f32 to vector<1024x1xf32>
    %mul3A_107 = arith.mulf %convert_element_type3A_104, %mul3A_106 : vector<1024x1xf32>
    %jit3A_108 = arith.constant 224 : i32
    %eq3A_109 = arith.constant 0 : i32
    %eq3A_110 = arith.cmpi eq, %jit3A_108, %eq3A_109 : i32
    %jit3A_111 = arith.constant 1 : i32
    %select_n3A_112 = arith.select %eq3A_110, %jit3A_111, %jit3A_108 : i32
    %rem3A_113 = vector.broadcast %select_n3A_112 : i32 to vector<1024x1xi32>
    %rem3A_114 = arith.remsi %add3A_72, %rem3A_113 : vector<1024x1xi32>
    %ne3A_115 = arith.constant 0 : i32
    %ne3A_116 = vector.broadcast %ne3A_115 : i32 to vector<1024x1xi32>
    %ne3A_117 = arith.cmpi ne, %rem3A_114, %ne3A_116 : vector<1024x1xi32>
    %lt3A_118 = arith.constant 0 : i32
    %lt3A_119 = vector.broadcast %lt3A_118 : i32 to vector<1024x1xi32>
    %lt3A_120 = arith.cmpi slt, %rem3A_114, %lt3A_119 : vector<1024x1xi32>
    %lt3A_121 = arith.constant 0 : i32
    %lt3A_122 = arith.cmpi slt, %select_n3A_112, %lt3A_121 : i32
    %ne3A_123 = vector.broadcast %lt3A_122 : i1 to vector<1024x1xi1>
    %ne3A_124 = vector.broadcast %ne3A_123 : vector<1024x1xi1> to vector<1024x1xi1>
    %ne3A_125 = arith.xori %lt3A_120, %ne3A_124 : vector<1024x1xi1>
    %and3A_126 = arith.andi %ne3A_125, %ne3A_117 : vector<1024x1xi1>
    %add3A_127 = vector.broadcast %select_n3A_112 : i32 to vector<1024x1xi32>
    %add3A_128 = arith.addi %rem3A_114, %add3A_127 : vector<1024x1xi32>
    %select_n3A_129 = arith.select %and3A_126, %add3A_128, %rem3A_114 : vector<1024x1xi1>, vector<1024x1xi32>
    %convert_element_type3A_130 = arith.sitofp %select_n3A_129 : vector<1024x1xi32> to vector<1024x1xf32>
    %mul3A_131 = arith.constant 0.00448430516 : f32
    %mul3A_132 = vector.broadcast %mul3A_131 : f32 to vector<1024x1xf32>
    %mul3A_133 = arith.mulf %convert_element_type3A_130, %mul3A_132 : vector<1024x1xf32>
    %iota3A_134 = tpu.iota {dimensions = array<i32: 1>} : vector<1024x64xi32>
    %eq3A_135 = arith.constant 0 : i32
    %eq3A_136 = vector.broadcast %eq3A_135 : i32 to vector<1024x64xi32>
    %eq3A_137 = arith.cmpi eq, %iota3A_134, %eq3A_136 : vector<1024x64xi32>
    %jit3A_138 = arith.constant 0.000000e+00 : f32
    %broadcast_in_dim3A_139 = vector.shape_cast %mul3A_107 : vector<1024x1xf32> to vector<1024x1xf32>
    %broadcast_in_dim3A_140 = vector.broadcast %broadcast_in_dim3A_139 : vector<1024x1xf32> to vector<1024x64xf32>
    %broadcast_in_dim3A_141 = vector.broadcast %jit3A_138 : f32 to vector<1024x64xf32>
    %select_n3A_142 = arith.select %eq3A_137, %broadcast_in_dim3A_140, %broadcast_in_dim3A_141 : vector<1024x64xi1>, vector<1024x64xf32>
    %eq3A_143 = arith.constant 1 : i32
    %eq3A_144 = vector.broadcast %eq3A_143 : i32 to vector<1024x64xi32>
    %eq3A_145 = arith.cmpi eq, %iota3A_134, %eq3A_144 : vector<1024x64xi32>
    %jit3A_146 = arith.constant 0.000000e+00 : f32
    %broadcast_in_dim3A_147 = vector.shape_cast %mul3A_133 : vector<1024x1xf32> to vector<1024x1xf32>
    %broadcast_in_dim3A_148 = vector.broadcast %broadcast_in_dim3A_147 : vector<1024x1xf32> to vector<1024x64xf32>
    %broadcast_in_dim3A_149 = vector.broadcast %jit3A_146 : f32 to vector<1024x64xf32>
    %select_n3A_150 = arith.select %eq3A_145, %broadcast_in_dim3A_148, %broadcast_in_dim3A_149 : vector<1024x64xi1>, vector<1024x64xf32>
    %add3A_151 = arith.addf %select_n3A_142, %select_n3A_150 : vector<1024x64xf32>
    %eq3A_152 = arith.constant 2 : i32
    %eq3A_153 = vector.broadcast %eq3A_152 : i32 to vector<1024x64xi32>
    %eq3A_154 = arith.cmpi eq, %iota3A_134, %eq3A_153 : vector<1024x64xi32>
    %jit3A_155 = arith.constant 1.000000e+00 : f32
    %jit3A_156 = arith.constant 0.000000e+00 : f32
    %broadcast_in_dim3A_157 = vector.broadcast %jit3A_155 : f32 to vector<1024x64xf32>
    %broadcast_in_dim3A_158 = vector.broadcast %jit3A_156 : f32 to vector<1024x64xf32>
    %select_n3A_159 = arith.select %eq3A_154, %broadcast_in_dim3A_157, %broadcast_in_dim3A_158 : vector<1024x64xi1>, vector<1024x64xf32>
    %add3A_160 = arith.addf %add3A_151, %select_n3A_159 : vector<1024x64xf32>
    %eq3A_161 = arith.constant 0 : i32
    %eq3A_162 = arith.cmpi eq, %arg0, %eq3A_161 : i32
    %convert_element_type3A_163 = arith.extui %eq3A_162 : i1 to i32
    %cond3A = arith.constant 0 : i32
    %cond3A_164 = arith.cmpi ne, %convert_element_type3A_163, %cond3A : i32
    scf.if %cond3A_164 {
      %broadcast_in_dim3A_517 = arith.constant 0.000000e+00 : f32
      %broadcast_in_dim3A_518 = vector.broadcast %broadcast_in_dim3A_517 : f32 to vector<2x16x128xf32>
      %swap3A_519 = arith.constant 0 : index
      %swap3A_520 = arith.constant 0 : index
      %swap3A_521 = arith.constant 0 : index
      %swap3A_522 = vector.load %arg20[%swap3A_519, %swap3A_520, %swap3A_521] : memref<2x16x128xf32, #tpu.memory_space<vmem>>, vector<2x16x128xf32>
      tpu.vector_store %arg20[%swap3A_519, %swap3A_520, %swap3A_521], %broadcast_in_dim3A_518 {strides = array<i32>} : memref<2x16x128xf32, #tpu.memory_space<vmem>>, vector<2x16x128xf32>,
    } else {
    }
    %slice3A = vector.extract_strided_slice %get3A_1 {offsets = [0, 0], sizes = [1024, 64], strides = [1, 1]} : vector<1024x128xf32> to vector<1024x64xf32>
    %mul3A_165 = vector.broadcast %div3A_68 : vector<1024x1xf32> to vector<1024x64xf32>
    %mul3A_166 = arith.mulf %slice3A, %mul3A_165 : vector<1024x64xf32>
    %get3A_167 = arith.constant 0 : index
    %get3A_168 = arith.constant 0 : index
    %get3A_169 = vector.load %arg5[%get3A_167, %get3A_168] : memref<64x64xf32, #tpu.memory_space<vmem>>, vector<64x64xf32>
    %dot_general3A_170 = arith.constant dense<0.000000e+00> : vector<1024x64xf32>
    %dot_general3A_171 = tpu.matmul %mul3A_166, %get3A_169, %dot_general3A_170 {dimension_numbers = #tpu.dot_dimension_numbers<[1], [1], [0], [0], [0, 0, 1, 0], [], []>, transpose_lhs_hint = false} : vector<1024x64xf32>, vector<64x64xf32>, vector<1024x64xf32> -> vector<1024x64xf32>
    %get3A_172 = arith.constant 0 : index
    %get3A_173 = arith.constant 0 : index
    %get3A_174 = vector.load %arg6[%get3A_172, %get3A_173] : memref<1x64xf32, #tpu.memory_space<vmem>>, vector<1x64xf32>
    %add3A_175 = vector.broadcast %get3A_174 : vector<1x64xf32> to vector<1024x64xf32>
    %add3A_176 = arith.addf %dot_general3A_171, %add3A_175 : vector<1024x64xf32>
    %mul3A_177 = arith.constant 5.000000e-01 : f32
    %mul3A_178 = vector.broadcast %mul3A_177 : f32 to vector<1024x64xf32>
    %mul3A_179 = arith.mulf %add3A_176, %mul3A_178 : vector<1024x64xf32>
    %mul3A_180 = arith.constant 0.707106769 : f32
    %mul3A_181 = vector.broadcast %mul3A_180 : f32 to vector<1024x64xf32>
    %mul3A_182 = arith.mulf %add3A_176, %mul3A_181 : vector<1024x64xf32>
    %erf3A = math.erf %mul3A_182 : vector<1024x64xf32>
    %add3A_183 = arith.constant 1.000000e+00 : f32
    %add3A_184 = vector.broadcast %add3A_183 : f32 to vector<1024x64xf32>
    %add3A_185 = arith.addf %add3A_184, %erf3A : vector<1024x64xf32>
    %mul3A_186 = arith.mulf %mul3A_179, %add3A_185 : vector<1024x64xf32>
    %get3A_187 = arith.constant 0 : index
    %get3A_188 = arith.constant 0 : index
    %get3A_189 = vector.load %arg1[%get3A_187, %get3A_188] : memref<1024x64xf32, #tpu.memory_space<vmem>>, vector<1024x64xf32>
    %add3A_190 = arith.addf %get3A_189, %mul3A_186 : vector<1024x64xf32>
    %get3A_191 = arith.constant 0 : index
    %get3A_192 = arith.constant 0 : index
    %get3A_193 = vector.load %arg7[%get3A_191, %get3A_192] : memref<1x64xf32, #tpu.memory_space<vmem>>, vector<1x64xf32>
    %get3A_194 = arith.constant 0 : index
    %get3A_195 = arith.constant 0 : index
    %get3A_196 = vector.load %arg8[%get3A_194, %get3A_195] : memref<1x64xf32, #tpu.memory_space<vmem>>, vector<1x64xf32>
    %reduce_sum3A_197 = arith.constant dense<0.000000e+00> : vector<1024xf32>
    %reduce_sum3A_198 = vector.multi_reduction <add>, %add3A_190, %reduce_sum3A_197 [1] : vector<1024x64xf32> to vector<1024xf32>
    %broadcast_in_dim3A_199 = vector.shape_cast %reduce_sum3A_198 : vector<1024xf32> to vector<1024x1xf32>
    %div3A_200 = arith.constant 6.400000e+01 : f32
    %div3A_201 = vector.broadcast %div3A_200 : f32 to vector<1024x1xf32>
    %div3A_202 = arith.divf %broadcast_in_dim3A_199, %div3A_201 : vector<1024x1xf32>
    %sub3A_203 = vector.broadcast %div3A_202 : vector<1024x1xf32> to vector<1024x64xf32>
    %sub3A_204 = arith.subf %add3A_190, %sub3A_203 : vector<1024x64xf32>
    %integer_pow3A = arith.mulf %sub3A_204, %sub3A_204 : vector<1024x64xf32>
    %reduce_sum3A_205 = arith.constant dense<0.000000e+00> : vector<1024xf32>
    %reduce_sum3A_206 = vector.multi_reduction <add>, %integer_pow3A, %reduce_sum3A_205 [1] : vector<1024x64xf32> to vector<1024xf32>
    %broadcast_in_dim3A_207 = vector.shape_cast %reduce_sum3A_206 : vector<1024xf32> to vector<1024x1xf32>
    %div3A_208 = arith.constant 6.400000e+01 : f32
    %div3A_209 = vector.broadcast %div3A_208 : f32 to vector<1024x1xf32>
    %div3A_210 = arith.divf %broadcast_in_dim3A_207, %div3A_209 : vector<1024x1xf32>
    %sub3A_211 = vector.broadcast %div3A_202 : vector<1024x1xf32> to vector<1024x64xf32>
    %sub3A_212 = arith.subf %add3A_190, %sub3A_211 : vector<1024x64xf32>
    %add3A_213 = arith.constant 9.99999974E-6 : f32
    %add3A_214 = vector.broadcast %add3A_213 : f32 to vector<1024x1xf32>
    %add3A_215 = arith.addf %div3A_210, %add3A_214 : vector<1024x1xf32>
    %rsqrt3A = math.rsqrt %add3A_215 : vector<1024x1xf32>
    %mul3A_216 = vector.broadcast %rsqrt3A : vector<1024x1xf32> to vector<1024x64xf32>
    %mul3A_217 = arith.mulf %sub3A_212, %mul3A_216 : vector<1024x64xf32>
    %mul3A_218 = vector.broadcast %get3A_193 : vector<1x64xf32> to vector<1024x64xf32>
    %mul3A_219 = arith.mulf %mul3A_217, %mul3A_218 : vector<1024x64xf32>
    %add3A_220 = vector.broadcast %get3A_196 : vector<1x64xf32> to vector<1024x64xf32>
    %add3A_221 = arith.addf %mul3A_219, %add3A_220 : vector<1024x64xf32>
    %get3A_222 = arith.constant 0 : index
    %get3A_223 = arith.constant 0 : index
    %get3A_224 = vector.load %arg9[%get3A_222, %get3A_223] : memref<128x64xf32, #tpu.memory_space<vmem>>, vector<128x64xf32>
    %dot_general3A_225 = arith.constant dense<0.000000e+00> : vector<1024x128xf32>
    %dot_general3A_226 = tpu.matmul %add3A_221, %get3A_224, %dot_general3A_225 {dimension_numbers = #tpu.dot_dimension_numbers<[1], [1], [0], [0], [0, 0, 1, 0], [], []>, transpose_lhs_hint = false} : vector<1024x64xf32>, vector<128x64xf32>, vector<1024x128xf32> -> vector<1024x128xf32>
    %get3A_227 = arith.constant 0 : index
    %get3A_228 = arith.constant 0 : index
    %get3A_229 = vector.load %arg10[%get3A_227, %get3A_228] : memref<1x128xf32, #tpu.memory_space<vmem>>, vector<1x128xf32>
    %add3A_230 = vector.broadcast %get3A_229 : vector<1x128xf32> to vector<1024x128xf32>
    %add3A_231 = arith.addf %dot_general3A_226, %add3A_230 : vector<1024x128xf32>
    %mul3A_232 = arith.constant 5.000000e-01 : f32
    %mul3A_233 = vector.broadcast %mul3A_232 : f32 to vector<1024x128xf32>
    %mul3A_234 = arith.mulf %add3A_231, %mul3A_233 : vector<1024x128xf32>
    %mul3A_235 = arith.constant 0.707106769 : f32
    %mul3A_236 = vector.broadcast %mul3A_235 : f32 to vector<1024x128xf32>
    %mul3A_237 = arith.mulf %add3A_231, %mul3A_236 : vector<1024x128xf32>
    %erf3A_238 = math.erf %mul3A_237 : vector<1024x128xf32>
    %add3A_239 = arith.constant 1.000000e+00 : f32
    %add3A_240 = vector.broadcast %add3A_239 : f32 to vector<1024x128xf32>
    %add3A_241 = arith.addf %add3A_240, %erf3A_238 : vector<1024x128xf32>
    %mul3A_242 = arith.mulf %mul3A_234, %add3A_241 : vector<1024x128xf32>
    %get3A_243 = arith.constant 0 : index
    %get3A_244 = arith.constant 0 : index
    %get3A_245 = vector.load %arg11[%get3A_243, %get3A_244] : memref<64x128xf32, #tpu.memory_space<vmem>>, vector<64x128xf32>
    %dot_general3A_246 = arith.constant dense<0.000000e+00> : vector<1024x64xf32>
    %dot_general3A_247 = tpu.matmul %mul3A_242, %get3A_245, %dot_general3A_246 {dimension_numbers = #tpu.dot_dimension_numbers<[1], [1], [0], [0], [0, 0, 1, 0], [], []>, transpose_lhs_hint = false} : vector<1024x128xf32>, vector<64x128xf32>, vector<1024x64xf32> -> vector<1024x64xf32>
    %get3A_248 = arith.constant 0 : index
    %get3A_249 = arith.constant 0 : index
    %get3A_250 = vector.load %arg12[%get3A_248, %get3A_249] : memref<1x64xf32, #tpu.memory_space<vmem>>, vector<1x64xf32>
    %add3A_251 = vector.broadcast %get3A_250 : vector<1x64xf32> to vector<1024x64xf32>
    %add3A_252 = arith.addf %dot_general3A_247, %add3A_251 : vector<1024x64xf32>
    %add3A_253 = arith.addf %add3A_221, %add3A_252 : vector<1024x64xf32>
    %get3A_254 = arith.constant 0 : index
    %get3A_255 = arith.constant 0 : index
    %get3A_256 = vector.load %arg13[%get3A_254, %get3A_255] : memref<1x64xf32, #tpu.memory_space<vmem>>, vector<1x64xf32>
    %get3A_257 = arith.constant 0 : index
    %get3A_258 = arith.constant 0 : index
    %get3A_259 = vector.load %arg14[%get3A_257, %get3A_258] : memref<1x64xf32, #tpu.memory_space<vmem>>, vector<1x64xf32>
    %reduce_sum3A_260 = arith.constant dense<0.000000e+00> : vector<1024xf32>
    %reduce_sum3A_261 = vector.multi_reduction <add>, %add3A_253, %reduce_sum3A_260 [1] : vector<1024x64xf32> to vector<1024xf32>
    %broadcast_in_dim3A_262 = vector.shape_cast %reduce_sum3A_261 : vector<1024xf32> to vector<1024x1xf32>
    %div3A_263 = arith.constant 6.400000e+01 : f32
    %div3A_264 = vector.broadcast %div3A_263 : f32 to vector<1024x1xf32>
    %div3A_265 = arith.divf %broadcast_in_dim3A_262, %div3A_264 : vector<1024x1xf32>
    %sub3A_266 = vector.broadcast %div3A_265 : vector<1024x1xf32> to vector<1024x64xf32>
    %sub3A_267 = arith.subf %add3A_253, %sub3A_266 : vector<1024x64xf32>
    %integer_pow3A_268 = arith.mulf %sub3A_267, %sub3A_267 : vector<1024x64xf32>
    %reduce_sum3A_269 = arith.constant dense<0.000000e+00> : vector<1024xf32>
    %reduce_sum3A_270 = vector.multi_reduction <add>, %integer_pow3A_268, %reduce_sum3A_269 [1] : vector<1024x64xf32> to vector<1024xf32>
    %broadcast_in_dim3A_271 = vector.shape_cast %reduce_sum3A_270 : vector<1024xf32> to vector<1024x1xf32>
    %div3A_272 = arith.constant 6.400000e+01 : f32
    %div3A_273 = vector.broadcast %div3A_272 : f32 to vector<1024x1xf32>
    %div3A_274 = arith.divf %broadcast_in_dim3A_271, %div3A_273 : vector<1024x1xf32>
    %sub3A_275 = vector.broadcast %div3A_265 : vector<1024x1xf32> to vector<1024x64xf32>
    %sub3A_276 = arith.subf %add3A_253, %sub3A_275 : vector<1024x64xf32>
    %add3A_277 = arith.constant 9.99999974E-6 : f32
    %add3A_278 = vector.broadcast %add3A_277 : f32 to vector<1024x1xf32>
    %add3A_279 = arith.addf %div3A_274, %add3A_278 : vector<1024x1xf32>
    %rsqrt3A_280 = math.rsqrt %add3A_279 : vector<1024x1xf32>
    %mul3A_281 = vector.broadcast %rsqrt3A_280 : vector<1024x1xf32> to vector<1024x64xf32>
    %mul3A_282 = arith.mulf %sub3A_276, %mul3A_281 : vector<1024x64xf32>
    %mul3A_283 = vector.broadcast %get3A_256 : vector<1x64xf32> to vector<1024x64xf32>
    %mul3A_284 = arith.mulf %mul3A_282, %mul3A_283 : vector<1024x64xf32>
    %add3A_285 = vector.broadcast %get3A_259 : vector<1x64xf32> to vector<1024x64xf32>
    %add3A_286 = arith.addf %mul3A_284, %add3A_285 : vector<1024x64xf32>
    %get3A_287 = arith.constant 0 : index
    %get3A_288 = arith.constant 0 : index
    %get3A_289 = vector.load %arg15[%get3A_287, %get3A_288] : memref<64x64xf32, #tpu.memory_space<vmem>>, vector<64x64xf32>
    %dot_general3A_290 = arith.constant dense<0.000000e+00> : vector<1024x64xf32>
    %dot_general3A_291 = tpu.matmul %add3A_286, %get3A_289, %dot_general3A_290 {dimension_numbers = #tpu.dot_dimension_numbers<[1], [1], [0], [0], [0, 0, 1, 0], [], []>, transpose_lhs_hint = false} : vector<1024x64xf32>, vector<64x64xf32>, vector<1024x64xf32> -> vector<1024x64xf32>
    %get3A_292 = arith.constant 0 : index
    %get3A_293 = arith.constant 0 : index
    %get3A_294 = vector.load %arg16[%get3A_292, %get3A_293] : memref<1x64xf32, #tpu.memory_space<vmem>>, vector<1x64xf32>
    %add3A_295 = vector.broadcast %get3A_294 : vector<1x64xf32> to vector<1024x64xf32>
    %add3A_296 = arith.addf %dot_general3A_291, %add3A_295 : vector<1024x64xf32>
    %get3A_297 = arith.constant 0 : index
    %get3A_298 = arith.constant 0 : index
    %get3A_299 = vector.load %arg17[%get3A_297, %get3A_298] : memref<16x64xf32, #tpu.memory_space<vmem>>, vector<16x64xf32>
    %dot_general3A_300 = arith.constant dense<0.000000e+00> : vector<1024x16xf32>
    %dot_general3A_301 = tpu.matmul %add3A_296, %get3A_299, %dot_general3A_300 {dimension_numbers = #tpu.dot_dimension_numbers<[1], [1], [0], [0], [0, 0, 1, 0], [], []>, transpose_lhs_hint = false} : vector<1024x64xf32>, vector<16x64xf32>, vector<1024x16xf32> -> vector<1024x16xf32>
    %mul3A_302 = arith.constant 1.250000e-01 : f32
    %mul3A_303 = vector.broadcast %mul3A_302 : f32 to vector<1024x16xf32>
    %mul3A_304 = arith.mulf %dot_general3A_301, %mul3A_303 : vector<1024x16xf32>
    %reduce_max3A = arith.constant dense<0xFF800000> : vector<1024xf32>
    %reduce_max3A_305 = vector.multi_reduction <maximumf>, %mul3A_304, %reduce_max3A [1] : vector<1024x16xf32> to vector<1024xf32>
    %broadcast_in_dim3A_306 = vector.shape_cast %reduce_max3A_305 : vector<1024xf32> to vector<1024x1xf32>
    %sub3A_307 = vector.broadcast %broadcast_in_dim3A_306 : vector<1024x1xf32> to vector<1024x16xf32>
    %sub3A_308 = arith.subf %mul3A_304, %sub3A_307 : vector<1024x16xf32>
    %exp3A = math.exp %sub3A_308 : vector<1024x16xf32>
    %reduce_sum3A_309 = arith.constant dense<0.000000e+00> : vector<1024xf32>
    %reduce_sum3A_310 = vector.multi_reduction <add>, %exp3A, %reduce_sum3A_309 [1] : vector<1024x16xf32> to vector<1024xf32>
    %broadcast_in_dim3A_311 = vector.shape_cast %reduce_sum3A_310 : vector<1024xf32> to vector<1024x1xf32>
    %div3A_312 = vector.broadcast %broadcast_in_dim3A_311 : vector<1024x1xf32> to vector<1024x16xf32>
    %div3A_313 = arith.divf %exp3A, %div3A_312 : vector<1024x16xf32>
    %get3A_314 = arith.constant 0 : index
    %get3A_315 = arith.constant 0 : index
    %get3A_316 = vector.load %arg18[%get3A_314, %get3A_315] : memref<64x64xf32, #tpu.memory_space<vmem>>, vector<64x64xf32>
    %dot_general3A_317 = arith.constant dense<0.000000e+00> : vector<1024x64xf32>
    %dot_general3A_318 = tpu.matmul %add3A_286, %get3A_316, %dot_general3A_317 {dimension_numbers = #tpu.dot_dimension_numbers<[1], [1], [0], [0], [0, 0, 1, 0], [], []>, transpose_lhs_hint = false} : vector<1024x64xf32>, vector<64x64xf32>, vector<1024x64xf32> -> vector<1024x64xf32>
    %get3A_319 = arith.constant 0 : index
    %get3A_320 = arith.constant 0 : index
    %get3A_321 = vector.load %arg19[%get3A_319, %get3A_320] : memref<1x64xf32, #tpu.memory_space<vmem>>, vector<1x64xf32>
    %add3A_322 = vector.broadcast %get3A_321 : vector<1x64xf32> to vector<1024x64xf32>
    %add3A_323 = arith.addf %dot_general3A_318, %add3A_322 : vector<1024x64xf32>
    %concatenate3A = tpu.concatenate %add3A_323, %add3A_160 in 1 : vector<1024x64xf32>, vector<1024x64xf32> -> vector<1024x128xf32>
    %dot_general3A_324 = arith.constant dense<0.000000e+00> : vector<16x128xf32>
    %dot_general3A_325 = tpu.matmul %div3A_313, %concatenate3A, %dot_general3A_324 {dimension_numbers = #tpu.dot_dimension_numbers<[0], [0], [1], [1], [0, 1, 1, 1], [], []>, transpose_lhs_hint = false} : vector<1024x16xf32>, vector<1024x128xf32>, vector<16x128xf32> -> vector<16x128xf32>
    %get3A_326 = arith.constant 0 : index
    %get3A_327 = arith.constant 0 : index
    %get3A_328 = arith.constant 0 : index
    %get3A_329 = vector.load %arg20[%get3A_326, %get3A_327, %get3A_328] : memref<2x16x128xf32, #tpu.memory_space<vmem>>, vector<1x16x128xf32>
    %get3A_330 = vector.shape_cast %get3A_329 : vector<1x16x128xf32> to vector<16x128xf32>
    %add3A_331 = arith.addf %get3A_330, %dot_general3A_325 : vector<16x128xf32>
    %swap3A = arith.constant 0 : index
    %swap3A_332 = arith.constant 0 : index
    %swap3A_333 = arith.constant 0 : index
    %swap3A_334 = vector.load %arg20[%swap3A, %swap3A_332, %swap3A_333] : memref<2x16x128xf32, #tpu.memory_space<vmem>>, vector<1x16x128xf32>
    %swap3A_335 = vector.shape_cast %swap3A_334 : vector<1x16x128xf32> to vector<16x128xf32>
    %swap3A_336 = vector.shape_cast %add3A_331 : vector<16x128xf32> to vector<1x16x128xf32>
    tpu.vector_store %arg20[%swap3A, %swap3A_332, %swap3A_333], %swap3A_336 {strides = array<i32>} : memref<2x16x128xf32, #tpu.memory_space<vmem>>, vector<1x16x128xf32>,
    %slice3A_337 = vector.extract_strided_slice %get3A_1 {offsets = [0, 64], sizes = [1024, 64], strides = [1, 1]} : vector<1024x128xf32> to vector<1024x64xf32>
    %mul3A_338 = vector.broadcast %div3A_68 : vector<1024x1xf32> to vector<1024x64xf32>
    %mul3A_339 = arith.mulf %slice3A_337, %mul3A_338 : vector<1024x64xf32>
    %get3A_340 = arith.constant 0 : index
    %get3A_341 = arith.constant 0 : index
    %get3A_342 = vector.load %arg5[%get3A_340, %get3A_341] : memref<64x64xf32, #tpu.memory_space<vmem>>, vector<64x64xf32>
    %dot_general3A_343 = arith.constant dense<0.000000e+00> : vector<1024x64xf32>
    %dot_general3A_344 = tpu.matmul %mul3A_339, %get3A_342, %dot_general3A_343 {dimension_numbers = #tpu.dot_dimension_numbers<[1], [1], [0], [0], [0, 0, 1, 0], [], []>, transpose_lhs_hint = false} : vector<1024x64xf32>, vector<64x64xf32>, vector<1024x64xf32> -> vector<1024x64xf32>
    %get3A_345 = arith.constant 0 : index
    %get3A_346 = arith.constant 0 : index
    %get3A_347 = vector.load %arg6[%get3A_345, %get3A_346] : memref<1x64xf32, #tpu.memory_space<vmem>>, vector<1x64xf32>
    %add3A_348 = vector.broadcast %get3A_347 : vector<1x64xf32> to vector<1024x64xf32>
    %add3A_349 = arith.addf %dot_general3A_344, %add3A_348 : vector<1024x64xf32>
    %mul3A_350 = arith.constant 5.000000e-01 : f32
    %mul3A_351 = vector.broadcast %mul3A_350 : f32 to vector<1024x64xf32>
    %mul3A_352 = arith.mulf %add3A_349, %mul3A_351 : vector<1024x64xf32>
    %mul3A_353 = arith.constant 0.707106769 : f32
    %mul3A_354 = vector.broadcast %mul3A_353 : f32 to vector<1024x64xf32>
    %mul3A_355 = arith.mulf %add3A_349, %mul3A_354 : vector<1024x64xf32>
    %erf3A_356 = math.erf %mul3A_355 : vector<1024x64xf32>
    %add3A_357 = arith.constant 1.000000e+00 : f32
    %add3A_358 = vector.broadcast %add3A_357 : f32 to vector<1024x64xf32>
    %add3A_359 = arith.addf %add3A_358, %erf3A_356 : vector<1024x64xf32>
    %mul3A_360 = arith.mulf %mul3A_352, %add3A_359 : vector<1024x64xf32>
    %get3A_361 = arith.constant 0 : index
    %get3A_362 = arith.constant 0 : index
    %get3A_363 = vector.load %arg2[%get3A_361, %get3A_362] : memref<1024x64xf32, #tpu.memory_space<vmem>>, vector<1024x64xf32>
    %add3A_364 = arith.addf %get3A_363, %mul3A_360 : vector<1024x64xf32>
    %get3A_365 = arith.constant 0 : index
    %get3A_366 = arith.constant 0 : index
    %get3A_367 = vector.load %arg7[%get3A_365, %get3A_366] : memref<1x64xf32, #tpu.memory_space<vmem>>, vector<1x64xf32>
    %get3A_368 = arith.constant 0 : index
    %get3A_369 = arith.constant 0 : index
    %get3A_370 = vector.load %arg8[%get3A_368, %get3A_369] : memref<1x64xf32, #tpu.memory_space<vmem>>, vector<1x64xf32>
    %reduce_sum3A_371 = arith.constant dense<0.000000e+00> : vector<1024xf32>
    %reduce_sum3A_372 = vector.multi_reduction <add>, %add3A_364, %reduce_sum3A_371 [1] : vector<1024x64xf32> to vector<1024xf32>
    %broadcast_in_dim3A_373 = vector.shape_cast %reduce_sum3A_372 : vector<1024xf32> to vector<1024x1xf32>
    %div3A_374 = arith.constant 6.400000e+01 : f32
    %div3A_375 = vector.broadcast %div3A_374 : f32 to vector<1024x1xf32>
    %div3A_376 = arith.divf %broadcast_in_dim3A_373, %div3A_375 : vector<1024x1xf32>
    %sub3A_377 = vector.broadcast %div3A_376 : vector<1024x1xf32> to vector<1024x64xf32>
    %sub3A_378 = arith.subf %add3A_364, %sub3A_377 : vector<1024x64xf32>
    %integer_pow3A_379 = arith.mulf %sub3A_378, %sub3A_378 : vector<1024x64xf32>
    %reduce_sum3A_380 = arith.constant dense<0.000000e+00> : vector<1024xf32>
    %reduce_sum3A_381 = vector.multi_reduction <add>, %integer_pow3A_379, %reduce_sum3A_380 [1] : vector<1024x64xf32> to vector<1024xf32>
    %broadcast_in_dim3A_382 = vector.shape_cast %reduce_sum3A_381 : vector<1024xf32> to vector<1024x1xf32>
    %div3A_383 = arith.constant 6.400000e+01 : f32
    %div3A_384 = vector.broadcast %div3A_383 : f32 to vector<1024x1xf32>
    %div3A_385 = arith.divf %broadcast_in_dim3A_382, %div3A_384 : vector<1024x1xf32>
    %sub3A_386 = vector.broadcast %div3A_376 : vector<1024x1xf32> to vector<1024x64xf32>
    %sub3A_387 = arith.subf %add3A_364, %sub3A_386 : vector<1024x64xf32>
    %add3A_388 = arith.constant 9.99999974E-6 : f32
    %add3A_389 = vector.broadcast %add3A_388 : f32 to vector<1024x1xf32>
    %add3A_390 = arith.addf %div3A_385, %add3A_389 : vector<1024x1xf32>
    %rsqrt3A_391 = math.rsqrt %add3A_390 : vector<1024x1xf32>
    %mul3A_392 = vector.broadcast %rsqrt3A_391 : vector<1024x1xf32> to vector<1024x64xf32>
    %mul3A_393 = arith.mulf %sub3A_387, %mul3A_392 : vector<1024x64xf32>
    %mul3A_394 = vector.broadcast %get3A_367 : vector<1x64xf32> to vector<1024x64xf32>
    %mul3A_395 = arith.mulf %mul3A_393, %mul3A_394 : vector<1024x64xf32>
    %add3A_396 = vector.broadcast %get3A_370 : vector<1x64xf32> to vector<1024x64xf32>
    %add3A_397 = arith.addf %mul3A_395, %add3A_396 : vector<1024x64xf32>
    %get3A_398 = arith.constant 0 : index
    %get3A_399 = arith.constant 0 : index
    %get3A_400 = vector.load %arg9[%get3A_398, %get3A_399] : memref<128x64xf32, #tpu.memory_space<vmem>>, vector<128x64xf32>
    %dot_general3A_401 = arith.constant dense<0.000000e+00> : vector<1024x128xf32>
    %dot_general3A_402 = tpu.matmul %add3A_397, %get3A_400, %dot_general3A_401 {dimension_numbers = #tpu.dot_dimension_numbers<[1], [1], [0], [0], [0, 0, 1, 0], [], []>, transpose_lhs_hint = false} : vector<1024x64xf32>, vector<128x64xf32>, vector<1024x128xf32> -> vector<1024x128xf32>
    %get3A_403 = arith.constant 0 : index
    %get3A_404 = arith.constant 0 : index
    %get3A_405 = vector.load %arg10[%get3A_403, %get3A_404] : memref<1x128xf32, #tpu.memory_space<vmem>>, vector<1x128xf32>
    %add3A_406 = vector.broadcast %get3A_405 : vector<1x128xf32> to vector<1024x128xf32>
    %add3A_407 = arith.addf %dot_general3A_402, %add3A_406 : vector<1024x128xf32>
    %mul3A_408 = arith.constant 5.000000e-01 : f32
    %mul3A_409 = vector.broadcast %mul3A_408 : f32 to vector<1024x128xf32>
    %mul3A_410 = arith.mulf %add3A_407, %mul3A_409 : vector<1024x128xf32>
    %mul3A_411 = arith.constant 0.707106769 : f32
    %mul3A_412 = vector.broadcast %mul3A_411 : f32 to vector<1024x128xf32>
    %mul3A_413 = arith.mulf %add3A_407, %mul3A_412 : vector<1024x128xf32>
    %erf3A_414 = math.erf %mul3A_413 : vector<1024x128xf32>
    %add3A_415 = arith.constant 1.000000e+00 : f32
    %add3A_416 = vector.broadcast %add3A_415 : f32 to vector<1024x128xf32>
    %add3A_417 = arith.addf %add3A_416, %erf3A_414 : vector<1024x128xf32>
    %mul3A_418 = arith.mulf %mul3A_410, %add3A_417 : vector<1024x128xf32>
    %get3A_419 = arith.constant 0 : index
    %get3A_420 = arith.constant 0 : index
    %get3A_421 = vector.load %arg11[%get3A_419, %get3A_420] : memref<64x128xf32, #tpu.memory_space<vmem>>, vector<64x128xf32>
    %dot_general3A_422 = arith.constant dense<0.000000e+00> : vector<1024x64xf32>
    %dot_general3A_423 = tpu.matmul %mul3A_418, %get3A_421, %dot_general3A_422 {dimension_numbers = #tpu.dot_dimension_numbers<[1], [1], [0], [0], [0, 0, 1, 0], [], []>, transpose_lhs_hint = false} : vector<1024x128xf32>, vector<64x128xf32>, vector<1024x64xf32> -> vector<1024x64xf32>
    %get3A_424 = arith.constant 0 : index
    %get3A_425 = arith.constant 0 : index
    %get3A_426 = vector.load %arg12[%get3A_424, %get3A_425] : memref<1x64xf32, #tpu.memory_space<vmem>>, vector<1x64xf32>
    %add3A_427 = vector.broadcast %get3A_426 : vector<1x64xf32> to vector<1024x64xf32>
    %add3A_428 = arith.addf %dot_general3A_423, %add3A_427 : vector<1024x64xf32>
    %add3A_429 = arith.addf %add3A_397, %add3A_428 : vector<1024x64xf32>
    %get3A_430 = arith.constant 0 : index
    %get3A_431 = arith.constant 0 : index
    %get3A_432 = vector.load %arg13[%get3A_430, %get3A_431] : memref<1x64xf32, #tpu.memory_space<vmem>>, vector<1x64xf32>
    %get3A_433 = arith.constant 0 : index
    %get3A_434 = arith.constant 0 : index
    %get3A_435 = vector.load %arg14[%get3A_433, %get3A_434] : memref<1x64xf32, #tpu.memory_space<vmem>>, vector<1x64xf32>
    %reduce_sum3A_436 = arith.constant dense<0.000000e+00> : vector<1024xf32>
    %reduce_sum3A_437 = vector.multi_reduction <add>, %add3A_429, %reduce_sum3A_436 [1] : vector<1024x64xf32> to vector<1024xf32>
    %broadcast_in_dim3A_438 = vector.shape_cast %reduce_sum3A_437 : vector<1024xf32> to vector<1024x1xf32>
    %div3A_439 = arith.constant 6.400000e+01 : f32
    %div3A_440 = vector.broadcast %div3A_439 : f32 to vector<1024x1xf32>
    %div3A_441 = arith.divf %broadcast_in_dim3A_438, %div3A_440 : vector<1024x1xf32>
    %sub3A_442 = vector.broadcast %div3A_441 : vector<1024x1xf32> to vector<1024x64xf32>
    %sub3A_443 = arith.subf %add3A_429, %sub3A_442 : vector<1024x64xf32>
    %integer_pow3A_444 = arith.mulf %sub3A_443, %sub3A_443 : vector<1024x64xf32>
    %reduce_sum3A_445 = arith.constant dense<0.000000e+00> : vector<1024xf32>
    %reduce_sum3A_446 = vector.multi_reduction <add>, %integer_pow3A_444, %reduce_sum3A_445 [1] : vector<1024x64xf32> to vector<1024xf32>
    %broadcast_in_dim3A_447 = vector.shape_cast %reduce_sum3A_446 : vector<1024xf32> to vector<1024x1xf32>
    %div3A_448 = arith.constant 6.400000e+01 : f32
    %div3A_449 = vector.broadcast %div3A_448 : f32 to vector<1024x1xf32>
    %div3A_450 = arith.divf %broadcast_in_dim3A_447, %div3A_449 : vector<1024x1xf32>
    %sub3A_451 = vector.broadcast %div3A_441 : vector<1024x1xf32> to vector<1024x64xf32>
    %sub3A_452 = arith.subf %add3A_429, %sub3A_451 : vector<1024x64xf32>
    %add3A_453 = arith.constant 9.99999974E-6 : f32
    %add3A_454 = vector.broadcast %add3A_453 : f32 to vector<1024x1xf32>
    %add3A_455 = arith.addf %div3A_450, %add3A_454 : vector<1024x1xf32>
    %rsqrt3A_456 = math.rsqrt %add3A_455 : vector<1024x1xf32>
    %mul3A_457 = vector.broadcast %rsqrt3A_456 : vector<1024x1xf32> to vector<1024x64xf32>
    %mul3A_458 = arith.mulf %sub3A_452, %mul3A_457 : vector<1024x64xf32>
    %mul3A_459 = vector.broadcast %get3A_432 : vector<1x64xf32> to vector<1024x64xf32>
    %mul3A_460 = arith.mulf %mul3A_458, %mul3A_459 : vector<1024x64xf32>
    %add3A_461 = vector.broadcast %get3A_435 : vector<1x64xf32> to vector<1024x64xf32>
    %add3A_462 = arith.addf %mul3A_460, %add3A_461 : vector<1024x64xf32>
    %get3A_463 = arith.constant 0 : index
    %get3A_464 = arith.constant 0 : index
    %get3A_465 = vector.load %arg15[%get3A_463, %get3A_464] : memref<64x64xf32, #tpu.memory_space<vmem>>, vector<64x64xf32>
    %dot_general3A_466 = arith.constant dense<0.000000e+00> : vector<1024x64xf32>
    %dot_general3A_467 = tpu.matmul %add3A_462, %get3A_465, %dot_general3A_466 {dimension_numbers = #tpu.dot_dimension_numbers<[1], [1], [0], [0], [0, 0, 1, 0], [], []>, transpose_lhs_hint = false} : vector<1024x64xf32>, vector<64x64xf32>, vector<1024x64xf32> -> vector<1024x64xf32>
    %get3A_468 = arith.constant 0 : index
    %get3A_469 = arith.constant 0 : index
    %get3A_470 = vector.load %arg16[%get3A_468, %get3A_469] : memref<1x64xf32, #tpu.memory_space<vmem>>, vector<1x64xf32>
    %add3A_471 = vector.broadcast %get3A_470 : vector<1x64xf32> to vector<1024x64xf32>
    %add3A_472 = arith.addf %dot_general3A_467, %add3A_471 : vector<1024x64xf32>
    %get3A_473 = arith.constant 0 : index
    %get3A_474 = arith.constant 0 : index
    %get3A_475 = vector.load %arg17[%get3A_473, %get3A_474] : memref<16x64xf32, #tpu.memory_space<vmem>>, vector<16x64xf32>
    %dot_general3A_476 = arith.constant dense<0.000000e+00> : vector<1024x16xf32>
    %dot_general3A_477 = tpu.matmul %add3A_472, %get3A_475, %dot_general3A_476 {dimension_numbers = #tpu.dot_dimension_numbers<[1], [1], [0], [0], [0, 0, 1, 0], [], []>, transpose_lhs_hint = false} : vector<1024x64xf32>, vector<16x64xf32>, vector<1024x16xf32> -> vector<1024x16xf32>
    %mul3A_478 = arith.constant 1.250000e-01 : f32
    %mul3A_479 = vector.broadcast %mul3A_478 : f32 to vector<1024x16xf32>
    %mul3A_480 = arith.mulf %dot_general3A_477, %mul3A_479 : vector<1024x16xf32>
    %reduce_max3A_481 = arith.constant dense<0xFF800000> : vector<1024xf32>
    %reduce_max3A_482 = vector.multi_reduction <maximumf>, %mul3A_480, %reduce_max3A_481 [1] : vector<1024x16xf32> to vector<1024xf32>
    %broadcast_in_dim3A_483 = vector.shape_cast %reduce_max3A_482 : vector<1024xf32> to vector<1024x1xf32>
    %sub3A_484 = vector.broadcast %broadcast_in_dim3A_483 : vector<1024x1xf32> to vector<1024x16xf32>
    %sub3A_485 = arith.subf %mul3A_480, %sub3A_484 : vector<1024x16xf32>
    %exp3A_486 = math.exp %sub3A_485 : vector<1024x16xf32>
    %reduce_sum3A_487 = arith.constant dense<0.000000e+00> : vector<1024xf32>
    %reduce_sum3A_488 = vector.multi_reduction <add>, %exp3A_486, %reduce_sum3A_487 [1] : vector<1024x16xf32> to vector<1024xf32>
    %broadcast_in_dim3A_489 = vector.shape_cast %reduce_sum3A_488 : vector<1024xf32> to vector<1024x1xf32>
    %div3A_490 = vector.broadcast %broadcast_in_dim3A_489 : vector<1024x1xf32> to vector<1024x16xf32>
    %div3A_491 = arith.divf %exp3A_486, %div3A_490 : vector<1024x16xf32>
    %get3A_492 = arith.constant 0 : index
    %get3A_493 = arith.constant 0 : index
    %get3A_494 = vector.load %arg18[%get3A_492, %get3A_493] : memref<64x64xf32, #tpu.memory_space<vmem>>, vector<64x64xf32>
    %dot_general3A_495 = arith.constant dense<0.000000e+00> : vector<1024x64xf32>
    %dot_general3A_496 = tpu.matmul %add3A_462, %get3A_494, %dot_general3A_495 {dimension_numbers = #tpu.dot_dimension_numbers<[1], [1], [0], [0], [0, 0, 1, 0], [], []>, transpose_lhs_hint = false} : vector<1024x64xf32>, vector<64x64xf32>, vector<1024x64xf32> -> vector<1024x64xf32>
    %get3A_497 = arith.constant 0 : index
    %get3A_498 = arith.constant 0 : index
    %get3A_499 = vector.load %arg19[%get3A_497, %get3A_498] : memref<1x64xf32, #tpu.memory_space<vmem>>, vector<1x64xf32>
    %add3A_500 = vector.broadcast %get3A_499 : vector<1x64xf32> to vector<1024x64xf32>
    %add3A_501 = arith.addf %dot_general3A_496, %add3A_500 : vector<1024x64xf32>
    %concatenate3A_502 = tpu.concatenate %add3A_501, %add3A_160 in 1 : vector<1024x64xf32>, vector<1024x64xf32> -> vector<1024x128xf32>
    %dot_general3A_503 = arith.constant dense<0.000000e+00> : vector<16x128xf32>
    %dot_general3A_504 = tpu.matmul %div3A_491, %concatenate3A_502, %dot_general3A_503 {dimension_numbers = #tpu.dot_dimension_numbers<[0], [0], [1], [1], [0, 1, 1, 1], [], []>, transpose_lhs_hint = false} : vector<1024x16xf32>, vector<1024x128xf32>, vector<16x128xf32> -> vector<16x128xf32>
    %get3A_505 = arith.constant 1 : index
    %get3A_506 = arith.constant 0 : index
    %get3A_507 = arith.constant 0 : index
    %get3A_508 = vector.load %arg20[%get3A_505, %get3A_506, %get3A_507] : memref<2x16x128xf32, #tpu.memory_space<vmem>>, vector<1x16x128xf32>
    %get3A_509 = vector.shape_cast %get3A_508 : vector<1x16x128xf32> to vector<16x128xf32>
    %add3A_510 = arith.addf %get3A_509, %dot_general3A_504 : vector<16x128xf32>
    %swap3A_511 = arith.constant 1 : index
    %swap3A_512 = arith.constant 0 : index
    %swap3A_513 = arith.constant 0 : index
    %swap3A_514 = vector.load %arg20[%swap3A_511, %swap3A_512, %swap3A_513] : memref<2x16x128xf32, #tpu.memory_space<vmem>>, vector<1x16x128xf32>
    %swap3A_515 = vector.shape_cast %swap3A_514 : vector<1x16x128xf32> to vector<16x128xf32>
    %swap3A_516 = vector.shape_cast %add3A_510 : vector<16x128xf32> to vector<1x16x128xf32>
    tpu.vector_store %arg20[%swap3A_511, %swap3A_512, %swap3A_513], %swap3A_516 {strides = array<i32>} : memref<2x16x128xf32, #tpu.memory_space<vmem>>, vector<1x16x128xf32>,
    return
  }
  func.func @transform_0(%arg0: i32) -> (i32, i32) {
    %c0_i32 = arith.constant 0 : i32
    %c0_i32_0 = arith.constant 0 : i32
    return %arg0, %c0_i32 : i32, i32
  }
  func.func @transform_1(%arg0: i32) -> (i32, i32) {
    %c0_i32 = arith.constant 0 : i32
    %c0_i32_0 = arith.constant 0 : i32
    return %arg0, %c0_i32 : i32, i32
  }
  func.func @transform_2(%arg0: i32) -> (i32, i32) {
    %c0_i32 = arith.constant 0 : i32
    %c0_i32_0 = arith.constant 0 : i32
    return %arg0, %c0_i32 : i32, i32
  }
  func.func @transform_3(%arg0: i32) -> (i32, i32, i32) {
    %c0_i32 = arith.constant 0 : i32
    %c0_i32_0 = arith.constant 0 : i32
    %c0_i32_1 = arith.constant 0 : i32
    return %c0_i32, %arg0, %c0_i32_0 : i32, i32, i32
  }
  func.func @transform_4(%arg0: i32) -> (i32, i32) {
    %c0_i32 = arith.constant 0 : i32
    %c0_i32_0 = arith.constant 0 : i32
    %c0_i32_1 = arith.constant 0 : i32
    return %c0_i32, %c0_i32_0 : i32, i32
  }
  func.func @transform_5(%arg0: i32) -> (i32, i32) {
    %c0_i32 = arith.constant 0 : i32
    %c0_i32_0 = arith.constant 0 : i32
    %c0_i32_1 = arith.constant 0 : i32
    return %c0_i32, %c0_i32_0 : i32, i32
  }
  func.func @transform_6(%arg0: i32) -> (i32, i32) {
    %c0_i32 = arith.constant 0 : i32
    %c0_i32_0 = arith.constant 0 : i32
    %c0_i32_1 = arith.constant 0 : i32
    return %c0_i32, %c0_i32_0 : i32, i32
  }
  func.func @transform_7(%arg0: i32) -> (i32, i32) {
    %c0_i32 = arith.constant 0 : i32
    %c0_i32_0 = arith.constant 0 : i32
    %c0_i32_1 = arith.constant 0 : i32
    return %c0_i32, %c0_i32_0 : i32, i32
  }
  func.func @transform_8(%arg0: i32) -> (i32, i32) {
    %c0_i32 = arith.constant 0 : i32
    %c0_i32_0 = arith.constant 0 : i32
    %c0_i32_1 = arith.constant 0 : i32
    return %c0_i32, %c0_i32_0 : i32, i32
  }
  func.func @transform_9(%arg0: i32) -> (i32, i32) {
    %c0_i32 = arith.constant 0 : i32
    %c0_i32_0 = arith.constant 0 : i32
    %c0_i32_1 = arith.constant 0 : i32
    return %c0_i32, %c0_i32_0 : i32, i32
  }
  func.func @transform_10(%arg0: i32) -> (i32, i32) {
    %c0_i32 = arith.constant 0 : i32
    %c0_i32_0 = arith.constant 0 : i32
    %c0_i32_1 = arith.constant 0 : i32
    return %c0_i32, %c0_i32_0 : i32, i32
  }
  func.func @transform_11(%arg0: i32) -> (i32, i32) {
    %c0_i32 = arith.constant 0 : i32
    %c0_i32_0 = arith.constant 0 : i32
    %c0_i32_1 = arith.constant 0 : i32
    return %c0_i32, %c0_i32_0 : i32, i32
  }
  func.func @transform_12(%arg0: i32) -> (i32, i32) {
    %c0_i32 = arith.constant 0 : i32
    %c0_i32_0 = arith.constant 0 : i32
    %c0_i32_1 = arith.constant 0 : i32
    return %c0_i32, %c0_i32_0 : i32, i32
  }
  func.func @transform_13(%arg0: i32) -> (i32, i32) {
    %c0_i32 = arith.constant 0 : i32
    %c0_i32_0 = arith.constant 0 : i32
    %c0_i32_1 = arith.constant 0 : i32
    return %c0_i32, %c0_i32_0 : i32, i32
  }
  func.func @transform_14(%arg0: i32) -> (i32, i32) {
    %c0_i32 = arith.constant 0 : i32
    %c0_i32_0 = arith.constant 0 : i32
    %c0_i32_1 = arith.constant 0 : i32
    return %c0_i32, %c0_i32_0 : i32, i32
  }
  func.func @transform_15(%arg0: i32) -> (i32, i32) {
    %c0_i32 = arith.constant 0 : i32
    %c0_i32_0 = arith.constant 0 : i32
    %c0_i32_1 = arith.constant 0 : i32
    return %c0_i32, %c0_i32_0 : i32, i32
  }
  func.func @transform_16(%arg0: i32) -> (i32, i32) {
    %c0_i32 = arith.constant 0 : i32
    %c0_i32_0 = arith.constant 0 : i32
    %c0_i32_1 = arith.constant 0 : i32
    return %c0_i32, %c0_i32_0 : i32, i32
  }
  func.func @transform_17(%arg0: i32) -> (i32, i32) {
    %c0_i32 = arith.constant 0 : i32
    %c0_i32_0 = arith.constant 0 : i32
    %c0_i32_1 = arith.constant 0 : i32
    return %c0_i32, %c0_i32_0 : i32, i32
  }
  func.func @transform_18(%arg0: i32) -> (i32, i32) {
    %c0_i32 = arith.constant 0 : i32
    %c0_i32_0 = arith.constant 0 : i32
    %c0_i32_1 = arith.constant 0 : i32
    return %c0_i32, %c0_i32_0 : i32, i32
  }
  func.func @transform_19(%arg0: i32) -> (i32, i32, i32) {
    %c0_i32 = arith.constant 0 : i32
    %c0_i32_0 = arith.constant 0 : i32
    %c0_i32_1 = arith.constant 0 : i32
    %c0_i32_2 = arith.constant 0 : i32
    return %c0_i32, %c0_i32_0, %c0_i32_1 : i32, i32, i32
  }
}

module attributes {stable_mosaic.version = 14 : i64} {
  func.func @_stage5_body(%arg0: memref<2x16x128xf32, #tpu.memory_space<vmem>>, %arg1: memref<2x64xf32, #tpu.memory_space<vmem>>, %arg2: memref<1x64xf32, #tpu.memory_space<vmem>>, %arg3: memref<64x64xf32, #tpu.memory_space<vmem>>, %arg4: memref<1x64xf32, #tpu.memory_space<vmem>>, %arg5: memref<64x64xf32, #tpu.memory_space<vmem>>, %arg6: memref<1x64xf32, #tpu.memory_space<vmem>>, %arg7: memref<64x64xf32, #tpu.memory_space<vmem>>, %arg8: memref<1x64xf32, #tpu.memory_space<vmem>>, %arg9: memref<64x64xf32, #tpu.memory_space<vmem>>, %arg10: memref<1x64xf32, #tpu.memory_space<vmem>>, %arg11: memref<64x64xf32, #tpu.memory_space<vmem>>, %arg12: memref<1x64xf32, #tpu.memory_space<vmem>>, %arg13: memref<1x64xf32, #tpu.memory_space<vmem>>, %arg14: memref<1x64xf32, #tpu.memory_space<vmem>>, %arg15: memref<128x64xf32, #tpu.memory_space<vmem>>, %arg16: memref<1x128xf32, #tpu.memory_space<vmem>>, %arg17: memref<64x128xf32, #tpu.memory_space<vmem>>, %arg18: memref<1x64xf32, #tpu.memory_space<vmem>>, %arg19: memref<1x64xf32, #tpu.memory_space<vmem>>, %arg20: memref<1x64xf32, #tpu.memory_space<vmem>>, %arg21: memref<128x64xf32, #tpu.memory_space<vmem>>, %arg22: memref<1x128xf32, #tpu.memory_space<vmem>>, %arg23: memref<128x128xf32, #tpu.memory_space<vmem>>, %arg24: memref<1x128xf32, #tpu.memory_space<vmem>>, %arg25: memref<2x128xf32, #tpu.memory_space<vmem>>) attributes {dimension_semantics = [], scalar_prefetch = 0 : i64, scratch_operands = 0 : i64, tpu.core_type = #tpu.core_type<tc>} {
    %iota3A = tpu.iota {dimensions = array<i32: 1>} : vector<16x128xi32>
    %get3A = arith.constant 0 : index
    %get3A_0 = arith.constant 0 : index
    %get3A_1 = arith.constant 0 : index
    %get3A_2 = vector.load %arg0[%get3A, %get3A_0, %get3A_1] : memref<2x16x128xf32, #tpu.memory_space<vmem>>, vector<1x16x128xf32>
    %get3A_3 = vector.shape_cast %get3A_2 : vector<1x16x128xf32> to vector<16x128xf32>
    %eq3A = arith.constant 66 : i32
    %eq3A_4 = vector.broadcast %eq3A : i32 to vector<16x128xi32>
    %eq3A_5 = arith.cmpi eq, %iota3A, %eq3A_4 : vector<16x128xi32>
    %jit3A = arith.constant 0.000000e+00 : f32
    %broadcast_in_dim3A = vector.broadcast %jit3A : f32 to vector<16x128xf32>
    %select_n3A = arith.select %eq3A_5, %get3A_3, %broadcast_in_dim3A : vector<16x128xi1>, vector<16x128xf32>
    %reduce_sum3A = arith.constant dense<0.000000e+00> : vector<16xf32>
    %reduce_sum3A_6 = vector.multi_reduction <add>, %select_n3A, %reduce_sum3A [1] : vector<16x128xf32> to vector<16xf32>
    %broadcast_in_dim3A_7 = vector.shape_cast %reduce_sum3A_6 : vector<16xf32> to vector<16x1xf32>
    %add3A = arith.constant 9.99999993E-9 : f32
    %add3A_8 = vector.broadcast %add3A : f32 to vector<16x1xf32>
    %add3A_9 = arith.addf %broadcast_in_dim3A_7, %add3A_8 : vector<16x1xf32>
    %eq3A_10 = arith.constant 64 : i32
    %eq3A_11 = vector.broadcast %eq3A_10 : i32 to vector<16x128xi32>
    %eq3A_12 = arith.cmpi eq, %iota3A, %eq3A_11 : vector<16x128xi32>
    %jit3A_13 = arith.constant 0.000000e+00 : f32
    %broadcast_in_dim3A_14 = vector.broadcast %jit3A_13 : f32 to vector<16x128xf32>
    %select_n3A_15 = arith.select %eq3A_12, %get3A_3, %broadcast_in_dim3A_14 : vector<16x128xi1>, vector<16x128xf32>
    %reduce_sum3A_16 = arith.constant dense<0.000000e+00> : vector<16xf32>
    %reduce_sum3A_17 = vector.multi_reduction <add>, %select_n3A_15, %reduce_sum3A_16 [1] : vector<16x128xf32> to vector<16xf32>
    %broadcast_in_dim3A_18 = vector.shape_cast %reduce_sum3A_17 : vector<16xf32> to vector<16x1xf32>
    %eq3A_19 = arith.constant 65 : i32
    %eq3A_20 = vector.broadcast %eq3A_19 : i32 to vector<16x128xi32>
    %eq3A_21 = arith.cmpi eq, %iota3A, %eq3A_20 : vector<16x128xi32>
    %jit3A_22 = arith.constant 0.000000e+00 : f32
    %broadcast_in_dim3A_23 = vector.broadcast %jit3A_22 : f32 to vector<16x128xf32>
    %select_n3A_24 = arith.select %eq3A_21, %get3A_3, %broadcast_in_dim3A_23 : vector<16x128xi1>, vector<16x128xf32>
    %reduce_sum3A_25 = arith.constant dense<0.000000e+00> : vector<16xf32>
    %reduce_sum3A_26 = vector.multi_reduction <add>, %select_n3A_24, %reduce_sum3A_25 [1] : vector<16x128xf32> to vector<16xf32>
    %broadcast_in_dim3A_27 = vector.shape_cast %reduce_sum3A_26 : vector<16xf32> to vector<16x1xf32>
    %slice3A = vector.extract_strided_slice %get3A_3 {offsets = [0, 0], sizes = [16, 64], strides = [1, 1]} : vector<16x128xf32> to vector<16x64xf32>
    %div3A = vector.broadcast %add3A_9 : vector<16x1xf32> to vector<16x64xf32>
    %div3A_28 = arith.divf %slice3A, %div3A : vector<16x64xf32>
    %div3A_29 = arith.divf %broadcast_in_dim3A_18, %add3A_9 : vector<16x1xf32>
    %get3A_30 = arith.constant 0 : index
    %get3A_31 = arith.constant 0 : index
    %get3A_32 = vector.load %arg1[%get3A_30, %get3A_31] : memref<2x64xf32, #tpu.memory_space<vmem>>, vector<1x64xf32>
    %mul3A = vector.broadcast %div3A_29 : vector<16x1xf32> to vector<16x64xf32>
    %mul3A_33 = vector.broadcast %get3A_32 : vector<1x64xf32> to vector<16x64xf32>
    %mul3A_34 = arith.mulf %mul3A, %mul3A_33 : vector<16x64xf32>
    %div3A_35 = arith.divf %broadcast_in_dim3A_27, %add3A_9 : vector<16x1xf32>
    %get3A_36 = arith.constant 1 : index
    %get3A_37 = arith.constant 0 : index
    %get3A_38 = vector.load %arg1[%get3A_36, %get3A_37] : memref<2x64xf32, #tpu.memory_space<vmem>>, vector<1x64xf32>
    %mul3A_39 = vector.broadcast %div3A_35 : vector<16x1xf32> to vector<16x64xf32>
    %mul3A_40 = vector.broadcast %get3A_38 : vector<1x64xf32> to vector<16x64xf32>
    %mul3A_41 = arith.mulf %mul3A_39, %mul3A_40 : vector<16x64xf32>
    %add3A_42 = arith.addf %mul3A_34, %mul3A_41 : vector<16x64xf32>
    %get3A_43 = arith.constant 0 : index
    %get3A_44 = arith.constant 0 : index
    %get3A_45 = vector.load %arg2[%get3A_43, %get3A_44] : memref<1x64xf32, #tpu.memory_space<vmem>>, vector<1x64xf32>
    %add3A_46 = vector.broadcast %get3A_45 : vector<1x64xf32> to vector<16x64xf32>
    %add3A_47 = arith.addf %add3A_42, %add3A_46 : vector<16x64xf32>
    %mul3A_48 = arith.constant 5.000000e-01 : f32
    %mul3A_49 = vector.broadcast %mul3A_48 : f32 to vector<16x64xf32>
    %mul3A_50 = arith.mulf %add3A_47, %mul3A_49 : vector<16x64xf32>
    %mul3A_51 = arith.constant 0.707106769 : f32
    %mul3A_52 = vector.broadcast %mul3A_51 : f32 to vector<16x64xf32>
    %mul3A_53 = arith.mulf %add3A_47, %mul3A_52 : vector<16x64xf32>
    %erf3A = math.erf %mul3A_53 : vector<16x64xf32>
    %add3A_54 = arith.constant 1.000000e+00 : f32
    %add3A_55 = vector.broadcast %add3A_54 : f32 to vector<16x64xf32>
    %add3A_56 = arith.addf %add3A_55, %erf3A : vector<16x64xf32>
    %mul3A_57 = arith.mulf %mul3A_50, %add3A_56 : vector<16x64xf32>
    %get3A_58 = arith.constant 0 : index
    %get3A_59 = arith.constant 0 : index
    %get3A_60 = vector.load %arg3[%get3A_58, %get3A_59] : memref<64x64xf32, #tpu.memory_space<vmem>>, vector<64x64xf32>
    %dot_general3A = arith.constant dense<0.000000e+00> : vector<16x64xf32>
    %dot_general3A_61 = tpu.matmul %mul3A_57, %get3A_60, %dot_general3A {dimension_numbers = #tpu.dot_dimension_numbers<[1], [1], [0], [0], [0, 0, 1, 0], [], []>, transpose_lhs_hint = false} : vector<16x64xf32>, vector<64x64xf32>, vector<16x64xf32> -> vector<16x64xf32>
    %add3A_62 = arith.addf %div3A_28, %dot_general3A_61 : vector<16x64xf32>
    %get3A_63 = arith.constant 0 : index
    %get3A_64 = arith.constant 0 : index
    %get3A_65 = vector.load %arg4[%get3A_63, %get3A_64] : memref<1x64xf32, #tpu.memory_space<vmem>>, vector<1x64xf32>
    %add3A_66 = vector.broadcast %get3A_65 : vector<1x64xf32> to vector<16x64xf32>
    %add3A_67 = arith.addf %add3A_62, %add3A_66 : vector<16x64xf32>
    %get3A_68 = arith.constant 0 : index
    %get3A_69 = arith.constant 0 : index
    %get3A_70 = vector.load %arg5[%get3A_68, %get3A_69] : memref<64x64xf32, #tpu.memory_space<vmem>>, vector<64x64xf32>
    %dot_general3A_71 = arith.constant dense<0.000000e+00> : vector<16x64xf32>
    %dot_general3A_72 = tpu.matmul %add3A_67, %get3A_70, %dot_general3A_71 {dimension_numbers = #tpu.dot_dimension_numbers<[1], [1], [0], [0], [0, 0, 1, 0], [], []>, transpose_lhs_hint = false} : vector<16x64xf32>, vector<64x64xf32>, vector<16x64xf32> -> vector<16x64xf32>
    %get3A_73 = arith.constant 0 : index
    %get3A_74 = arith.constant 0 : index
    %get3A_75 = vector.load %arg6[%get3A_73, %get3A_74] : memref<1x64xf32, #tpu.memory_space<vmem>>, vector<1x64xf32>
    %add3A_76 = vector.broadcast %get3A_75 : vector<1x64xf32> to vector<16x64xf32>
    %add3A_77 = arith.addf %dot_general3A_72, %add3A_76 : vector<16x64xf32>
    %get3A_78 = arith.constant 0 : index
    %get3A_79 = arith.constant 0 : index
    %get3A_80 = vector.load %arg7[%get3A_78, %get3A_79] : memref<64x64xf32, #tpu.memory_space<vmem>>, vector<64x64xf32>
    %dot_general3A_81 = arith.constant dense<0.000000e+00> : vector<16x64xf32>
    %dot_general3A_82 = tpu.matmul %add3A_67, %get3A_80, %dot_general3A_81 {dimension_numbers = #tpu.dot_dimension_numbers<[1], [1], [0], [0], [0, 0, 1, 0], [], []>, transpose_lhs_hint = false} : vector<16x64xf32>, vector<64x64xf32>, vector<16x64xf32> -> vector<16x64xf32>
    %get3A_83 = arith.constant 0 : index
    %get3A_84 = arith.constant 0 : index
    %get3A_85 = vector.load %arg8[%get3A_83, %get3A_84] : memref<1x64xf32, #tpu.memory_space<vmem>>, vector<1x64xf32>
    %add3A_86 = vector.broadcast %get3A_85 : vector<1x64xf32> to vector<16x64xf32>
    %add3A_87 = arith.addf %dot_general3A_82, %add3A_86 : vector<16x64xf32>
    %get3A_88 = arith.constant 0 : index
    %get3A_89 = arith.constant 0 : index
    %get3A_90 = vector.load %arg9[%get3A_88, %get3A_89] : memref<64x64xf32, #tpu.memory_space<vmem>>, vector<64x64xf32>
    %dot_general3A_91 = arith.constant dense<0.000000e+00> : vector<16x64xf32>
    %dot_general3A_92 = tpu.matmul %add3A_67, %get3A_90, %dot_general3A_91 {dimension_numbers = #tpu.dot_dimension_numbers<[1], [1], [0], [0], [0, 0, 1, 0], [], []>, transpose_lhs_hint = false} : vector<16x64xf32>, vector<64x64xf32>, vector<16x64xf32> -> vector<16x64xf32>
    %get3A_93 = arith.constant 0 : index
    %get3A_94 = arith.constant 0 : index
    %get3A_95 = vector.load %arg10[%get3A_93, %get3A_94] : memref<1x64xf32, #tpu.memory_space<vmem>>, vector<1x64xf32>
    %add3A_96 = vector.broadcast %get3A_95 : vector<1x64xf32> to vector<16x64xf32>
    %add3A_97 = arith.addf %dot_general3A_92, %add3A_96 : vector<16x64xf32>
    %slice3A_98 = vector.extract_strided_slice %add3A_77 {offsets = [0, 0], sizes = [16, 16], strides = [1, 1]} : vector<16x64xf32> to vector<16x16xf32>
    %slice3A_99 = vector.extract_strided_slice %add3A_87 {offsets = [0, 0], sizes = [16, 16], strides = [1, 1]} : vector<16x64xf32> to vector<16x16xf32>
    %slice3A_100 = vector.extract_strided_slice %add3A_97 {offsets = [0, 0], sizes = [16, 16], strides = [1, 1]} : vector<16x64xf32> to vector<16x16xf32>
    %dot_general3A_101 = arith.constant dense<0.000000e+00> : vector<16x16xf32>
    %dot_general3A_102 = tpu.matmul %slice3A_98, %slice3A_99, %dot_general3A_101 {dimension_numbers = #tpu.dot_dimension_numbers<[1], [1], [0], [0], [0, 0, 1, 0], [], []>, transpose_lhs_hint = false} : vector<16x16xf32>, vector<16x16xf32>, vector<16x16xf32> -> vector<16x16xf32>
    %mul3A_103 = arith.constant 2.500000e-01 : f32
    %mul3A_104 = vector.broadcast %mul3A_103 : f32 to vector<16x16xf32>
    %mul3A_105 = arith.mulf %dot_general3A_102, %mul3A_104 : vector<16x16xf32>
    %reduce_max3A = arith.constant dense<0xFF800000> : vector<16xf32>
    %reduce_max3A_106 = vector.multi_reduction <maximumf>, %mul3A_105, %reduce_max3A [1] : vector<16x16xf32> to vector<16xf32>
    %broadcast_in_dim3A_107 = vector.shape_cast %reduce_max3A_106 : vector<16xf32> to vector<16x1xf32>
    %sub3A = vector.broadcast %broadcast_in_dim3A_107 : vector<16x1xf32> to vector<16x16xf32>
    %sub3A_108 = arith.subf %mul3A_105, %sub3A : vector<16x16xf32>
    %exp3A = math.exp %sub3A_108 : vector<16x16xf32>
    %reduce_sum3A_109 = arith.constant dense<0.000000e+00> : vector<16xf32>
    %reduce_sum3A_110 = vector.multi_reduction <add>, %exp3A, %reduce_sum3A_109 [1] : vector<16x16xf32> to vector<16xf32>
    %broadcast_in_dim3A_111 = vector.shape_cast %reduce_sum3A_110 : vector<16xf32> to vector<16x1xf32>
    %div3A_112 = vector.broadcast %broadcast_in_dim3A_111 : vector<16x1xf32> to vector<16x16xf32>
    %div3A_113 = arith.divf %exp3A, %div3A_112 : vector<16x16xf32>
    %dot_general3A_114 = arith.constant dense<0.000000e+00> : vector<16x16xf32>
    %dot_general3A_115 = tpu.matmul %div3A_113, %slice3A_100, %dot_general3A_114 {dimension_numbers = #tpu.dot_dimension_numbers<[1], [0], [0], [1], [0, 0, 1, 1], [], []>, transpose_lhs_hint = false} : vector<16x16xf32>, vector<16x16xf32>, vector<16x16xf32> -> vector<16x16xf32>
    %slice3A_116 = vector.extract_strided_slice %add3A_77 {offsets = [0, 16], sizes = [16, 16], strides = [1, 1]} : vector<16x64xf32> to vector<16x16xf32>
    %slice3A_117 = vector.extract_strided_slice %add3A_87 {offsets = [0, 16], sizes = [16, 16], strides = [1, 1]} : vector<16x64xf32> to vector<16x16xf32>
    %slice3A_118 = vector.extract_strided_slice %add3A_97 {offsets = [0, 16], sizes = [16, 16], strides = [1, 1]} : vector<16x64xf32> to vector<16x16xf32>
    %dot_general3A_119 = arith.constant dense<0.000000e+00> : vector<16x16xf32>
    %dot_general3A_120 = tpu.matmul %slice3A_116, %slice3A_117, %dot_general3A_119 {dimension_numbers = #tpu.dot_dimension_numbers<[1], [1], [0], [0], [0, 0, 1, 0], [], []>, transpose_lhs_hint = false} : vector<16x16xf32>, vector<16x16xf32>, vector<16x16xf32> -> vector<16x16xf32>
    %mul3A_121 = arith.constant 2.500000e-01 : f32
    %mul3A_122 = vector.broadcast %mul3A_121 : f32 to vector<16x16xf32>
    %mul3A_123 = arith.mulf %dot_general3A_120, %mul3A_122 : vector<16x16xf32>
    %reduce_max3A_124 = arith.constant dense<0xFF800000> : vector<16xf32>
    %reduce_max3A_125 = vector.multi_reduction <maximumf>, %mul3A_123, %reduce_max3A_124 [1] : vector<16x16xf32> to vector<16xf32>
    %broadcast_in_dim3A_126 = vector.shape_cast %reduce_max3A_125 : vector<16xf32> to vector<16x1xf32>
    %sub3A_127 = vector.broadcast %broadcast_in_dim3A_126 : vector<16x1xf32> to vector<16x16xf32>
    %sub3A_128 = arith.subf %mul3A_123, %sub3A_127 : vector<16x16xf32>
    %exp3A_129 = math.exp %sub3A_128 : vector<16x16xf32>
    %reduce_sum3A_130 = arith.constant dense<0.000000e+00> : vector<16xf32>
    %reduce_sum3A_131 = vector.multi_reduction <add>, %exp3A_129, %reduce_sum3A_130 [1] : vector<16x16xf32> to vector<16xf32>
    %broadcast_in_dim3A_132 = vector.shape_cast %reduce_sum3A_131 : vector<16xf32> to vector<16x1xf32>
    %div3A_133 = vector.broadcast %broadcast_in_dim3A_132 : vector<16x1xf32> to vector<16x16xf32>
    %div3A_134 = arith.divf %exp3A_129, %div3A_133 : vector<16x16xf32>
    %dot_general3A_135 = arith.constant dense<0.000000e+00> : vector<16x16xf32>
    %dot_general3A_136 = tpu.matmul %div3A_134, %slice3A_118, %dot_general3A_135 {dimension_numbers = #tpu.dot_dimension_numbers<[1], [0], [0], [1], [0, 0, 1, 1], [], []>, transpose_lhs_hint = false} : vector<16x16xf32>, vector<16x16xf32>, vector<16x16xf32> -> vector<16x16xf32>
    %slice3A_137 = vector.extract_strided_slice %add3A_77 {offsets = [0, 32], sizes = [16, 16], strides = [1, 1]} : vector<16x64xf32> to vector<16x16xf32>
    %slice3A_138 = vector.extract_strided_slice %add3A_87 {offsets = [0, 32], sizes = [16, 16], strides = [1, 1]} : vector<16x64xf32> to vector<16x16xf32>
    %slice3A_139 = vector.extract_strided_slice %add3A_97 {offsets = [0, 32], sizes = [16, 16], strides = [1, 1]} : vector<16x64xf32> to vector<16x16xf32>
    %dot_general3A_140 = arith.constant dense<0.000000e+00> : vector<16x16xf32>
    %dot_general3A_141 = tpu.matmul %slice3A_137, %slice3A_138, %dot_general3A_140 {dimension_numbers = #tpu.dot_dimension_numbers<[1], [1], [0], [0], [0, 0, 1, 0], [], []>, transpose_lhs_hint = false} : vector<16x16xf32>, vector<16x16xf32>, vector<16x16xf32> -> vector<16x16xf32>
    %mul3A_142 = arith.constant 2.500000e-01 : f32
    %mul3A_143 = vector.broadcast %mul3A_142 : f32 to vector<16x16xf32>
    %mul3A_144 = arith.mulf %dot_general3A_141, %mul3A_143 : vector<16x16xf32>
    %reduce_max3A_145 = arith.constant dense<0xFF800000> : vector<16xf32>
    %reduce_max3A_146 = vector.multi_reduction <maximumf>, %mul3A_144, %reduce_max3A_145 [1] : vector<16x16xf32> to vector<16xf32>
    %broadcast_in_dim3A_147 = vector.shape_cast %reduce_max3A_146 : vector<16xf32> to vector<16x1xf32>
    %sub3A_148 = vector.broadcast %broadcast_in_dim3A_147 : vector<16x1xf32> to vector<16x16xf32>
    %sub3A_149 = arith.subf %mul3A_144, %sub3A_148 : vector<16x16xf32>
    %exp3A_150 = math.exp %sub3A_149 : vector<16x16xf32>
    %reduce_sum3A_151 = arith.constant dense<0.000000e+00> : vector<16xf32>
    %reduce_sum3A_152 = vector.multi_reduction <add>, %exp3A_150, %reduce_sum3A_151 [1] : vector<16x16xf32> to vector<16xf32>
    %broadcast_in_dim3A_153 = vector.shape_cast %reduce_sum3A_152 : vector<16xf32> to vector<16x1xf32>
    %div3A_154 = vector.broadcast %broadcast_in_dim3A_153 : vector<16x1xf32> to vector<16x16xf32>
    %div3A_155 = arith.divf %exp3A_150, %div3A_154 : vector<16x16xf32>
    %dot_general3A_156 = arith.constant dense<0.000000e+00> : vector<16x16xf32>
    %dot_general3A_157 = tpu.matmul %div3A_155, %slice3A_139, %dot_general3A_156 {dimension_numbers = #tpu.dot_dimension_numbers<[1], [0], [0], [1], [0, 0, 1, 1], [], []>, transpose_lhs_hint = false} : vector<16x16xf32>, vector<16x16xf32>, vector<16x16xf32> -> vector<16x16xf32>
    %slice3A_158 = vector.extract_strided_slice %add3A_77 {offsets = [0, 48], sizes = [16, 16], strides = [1, 1]} : vector<16x64xf32> to vector<16x16xf32>
    %slice3A_159 = vector.extract_strided_slice %add3A_87 {offsets = [0, 48], sizes = [16, 16], strides = [1, 1]} : vector<16x64xf32> to vector<16x16xf32>
    %slice3A_160 = vector.extract_strided_slice %add3A_97 {offsets = [0, 48], sizes = [16, 16], strides = [1, 1]} : vector<16x64xf32> to vector<16x16xf32>
    %dot_general3A_161 = arith.constant dense<0.000000e+00> : vector<16x16xf32>
    %dot_general3A_162 = tpu.matmul %slice3A_158, %slice3A_159, %dot_general3A_161 {dimension_numbers = #tpu.dot_dimension_numbers<[1], [1], [0], [0], [0, 0, 1, 0], [], []>, transpose_lhs_hint = false} : vector<16x16xf32>, vector<16x16xf32>, vector<16x16xf32> -> vector<16x16xf32>
    %mul3A_163 = arith.constant 2.500000e-01 : f32
    %mul3A_164 = vector.broadcast %mul3A_163 : f32 to vector<16x16xf32>
    %mul3A_165 = arith.mulf %dot_general3A_162, %mul3A_164 : vector<16x16xf32>
    %reduce_max3A_166 = arith.constant dense<0xFF800000> : vector<16xf32>
    %reduce_max3A_167 = vector.multi_reduction <maximumf>, %mul3A_165, %reduce_max3A_166 [1] : vector<16x16xf32> to vector<16xf32>
    %broadcast_in_dim3A_168 = vector.shape_cast %reduce_max3A_167 : vector<16xf32> to vector<16x1xf32>
    %sub3A_169 = vector.broadcast %broadcast_in_dim3A_168 : vector<16x1xf32> to vector<16x16xf32>
    %sub3A_170 = arith.subf %mul3A_165, %sub3A_169 : vector<16x16xf32>
    %exp3A_171 = math.exp %sub3A_170 : vector<16x16xf32>
    %reduce_sum3A_172 = arith.constant dense<0.000000e+00> : vector<16xf32>
    %reduce_sum3A_173 = vector.multi_reduction <add>, %exp3A_171, %reduce_sum3A_172 [1] : vector<16x16xf32> to vector<16xf32>
    %broadcast_in_dim3A_174 = vector.shape_cast %reduce_sum3A_173 : vector<16xf32> to vector<16x1xf32>
    %div3A_175 = vector.broadcast %broadcast_in_dim3A_174 : vector<16x1xf32> to vector<16x16xf32>
    %div3A_176 = arith.divf %exp3A_171, %div3A_175 : vector<16x16xf32>
    %dot_general3A_177 = arith.constant dense<0.000000e+00> : vector<16x16xf32>
    %dot_general3A_178 = tpu.matmul %div3A_176, %slice3A_160, %dot_general3A_177 {dimension_numbers = #tpu.dot_dimension_numbers<[1], [0], [0], [1], [0, 0, 1, 1], [], []>, transpose_lhs_hint = false} : vector<16x16xf32>, vector<16x16xf32>, vector<16x16xf32> -> vector<16x16xf32>
    %concatenate3A = tpu.concatenate %dot_general3A_115, %dot_general3A_136, %dot_general3A_157, %dot_general3A_178 in 1 : vector<16x16xf32>, vector<16x16xf32>, vector<16x16xf32>, vector<16x16xf32> -> vector<16x64xf32>
    %get3A_179 = arith.constant 0 : index
    %get3A_180 = arith.constant 0 : index
    %get3A_181 = vector.load %arg11[%get3A_179, %get3A_180] : memref<64x64xf32, #tpu.memory_space<vmem>>, vector<64x64xf32>
    %dot_general3A_182 = arith.constant dense<0.000000e+00> : vector<16x64xf32>
    %dot_general3A_183 = tpu.matmul %concatenate3A, %get3A_181, %dot_general3A_182 {dimension_numbers = #tpu.dot_dimension_numbers<[1], [1], [0], [0], [0, 0, 1, 0], [], []>, transpose_lhs_hint = false} : vector<16x64xf32>, vector<64x64xf32>, vector<16x64xf32> -> vector<16x64xf32>
    %get3A_184 = arith.constant 0 : index
    %get3A_185 = arith.constant 0 : index
    %get3A_186 = vector.load %arg12[%get3A_184, %get3A_185] : memref<1x64xf32, #tpu.memory_space<vmem>>, vector<1x64xf32>
    %add3A_187 = vector.broadcast %get3A_186 : vector<1x64xf32> to vector<16x64xf32>
    %add3A_188 = arith.addf %dot_general3A_183, %add3A_187 : vector<16x64xf32>
    %add3A_189 = arith.addf %add3A_67, %add3A_188 : vector<16x64xf32>
    %get3A_190 = arith.constant 0 : index
    %get3A_191 = arith.constant 0 : index
    %get3A_192 = vector.load %arg13[%get3A_190, %get3A_191] : memref<1x64xf32, #tpu.memory_space<vmem>>, vector<1x64xf32>
    %get3A_193 = arith.constant 0 : index
    %get3A_194 = arith.constant 0 : index
    %get3A_195 = vector.load %arg14[%get3A_193, %get3A_194] : memref<1x64xf32, #tpu.memory_space<vmem>>, vector<1x64xf32>
    %reduce_sum3A_196 = arith.constant dense<0.000000e+00> : vector<16xf32>
    %reduce_sum3A_197 = vector.multi_reduction <add>, %add3A_189, %reduce_sum3A_196 [1] : vector<16x64xf32> to vector<16xf32>
    %broadcast_in_dim3A_198 = vector.shape_cast %reduce_sum3A_197 : vector<16xf32> to vector<16x1xf32>
    %div3A_199 = arith.constant 6.400000e+01 : f32
    %div3A_200 = vector.broadcast %div3A_199 : f32 to vector<16x1xf32>
    %div3A_201 = arith.divf %broadcast_in_dim3A_198, %div3A_200 : vector<16x1xf32>
    %sub3A_202 = vector.broadcast %div3A_201 : vector<16x1xf32> to vector<16x64xf32>
    %sub3A_203 = arith.subf %add3A_189, %sub3A_202 : vector<16x64xf32>
    %integer_pow3A = arith.mulf %sub3A_203, %sub3A_203 : vector<16x64xf32>
    %reduce_sum3A_204 = arith.constant dense<0.000000e+00> : vector<16xf32>
    %reduce_sum3A_205 = vector.multi_reduction <add>, %integer_pow3A, %reduce_sum3A_204 [1] : vector<16x64xf32> to vector<16xf32>
    %broadcast_in_dim3A_206 = vector.shape_cast %reduce_sum3A_205 : vector<16xf32> to vector<16x1xf32>
    %div3A_207 = arith.constant 6.400000e+01 : f32
    %div3A_208 = vector.broadcast %div3A_207 : f32 to vector<16x1xf32>
    %div3A_209 = arith.divf %broadcast_in_dim3A_206, %div3A_208 : vector<16x1xf32>
    %sub3A_210 = vector.broadcast %div3A_201 : vector<16x1xf32> to vector<16x64xf32>
    %sub3A_211 = arith.subf %add3A_189, %sub3A_210 : vector<16x64xf32>
    %add3A_212 = arith.constant 9.99999974E-6 : f32
    %add3A_213 = vector.broadcast %add3A_212 : f32 to vector<16x1xf32>
    %add3A_214 = arith.addf %div3A_209, %add3A_213 : vector<16x1xf32>
    %rsqrt3A = math.rsqrt %add3A_214 : vector<16x1xf32>
    %mul3A_215 = vector.broadcast %rsqrt3A : vector<16x1xf32> to vector<16x64xf32>
    %mul3A_216 = arith.mulf %sub3A_211, %mul3A_215 : vector<16x64xf32>
    %mul3A_217 = vector.broadcast %get3A_192 : vector<1x64xf32> to vector<16x64xf32>
    %mul3A_218 = arith.mulf %mul3A_216, %mul3A_217 : vector<16x64xf32>
    %add3A_219 = vector.broadcast %get3A_195 : vector<1x64xf32> to vector<16x64xf32>
    %add3A_220 = arith.addf %mul3A_218, %add3A_219 : vector<16x64xf32>
    %get3A_221 = arith.constant 0 : index
    %get3A_222 = arith.constant 0 : index
    %get3A_223 = vector.load %arg15[%get3A_221, %get3A_222] : memref<128x64xf32, #tpu.memory_space<vmem>>, vector<128x64xf32>
    %dot_general3A_224 = arith.constant dense<0.000000e+00> : vector<16x128xf32>
    %dot_general3A_225 = tpu.matmul %add3A_220, %get3A_223, %dot_general3A_224 {dimension_numbers = #tpu.dot_dimension_numbers<[1], [1], [0], [0], [0, 0, 1, 0], [], []>, transpose_lhs_hint = false} : vector<16x64xf32>, vector<128x64xf32>, vector<16x128xf32> -> vector<16x128xf32>
    %get3A_226 = arith.constant 0 : index
    %get3A_227 = arith.constant 0 : index
    %get3A_228 = vector.load %arg16[%get3A_226, %get3A_227] : memref<1x128xf32, #tpu.memory_space<vmem>>, vector<1x128xf32>
    %add3A_229 = vector.broadcast %get3A_228 : vector<1x128xf32> to vector<16x128xf32>
    %add3A_230 = arith.addf %dot_general3A_225, %add3A_229 : vector<16x128xf32>
    %mul3A_231 = arith.constant 5.000000e-01 : f32
    %mul3A_232 = vector.broadcast %mul3A_231 : f32 to vector<16x128xf32>
    %mul3A_233 = arith.mulf %add3A_230, %mul3A_232 : vector<16x128xf32>
    %mul3A_234 = arith.constant 0.707106769 : f32
    %mul3A_235 = vector.broadcast %mul3A_234 : f32 to vector<16x128xf32>
    %mul3A_236 = arith.mulf %add3A_230, %mul3A_235 : vector<16x128xf32>
    %erf3A_237 = math.erf %mul3A_236 : vector<16x128xf32>
    %add3A_238 = arith.constant 1.000000e+00 : f32
    %add3A_239 = vector.broadcast %add3A_238 : f32 to vector<16x128xf32>
    %add3A_240 = arith.addf %add3A_239, %erf3A_237 : vector<16x128xf32>
    %mul3A_241 = arith.mulf %mul3A_233, %add3A_240 : vector<16x128xf32>
    %get3A_242 = arith.constant 0 : index
    %get3A_243 = arith.constant 0 : index
    %get3A_244 = vector.load %arg17[%get3A_242, %get3A_243] : memref<64x128xf32, #tpu.memory_space<vmem>>, vector<64x128xf32>
    %dot_general3A_245 = arith.constant dense<0.000000e+00> : vector<16x64xf32>
    %dot_general3A_246 = tpu.matmul %mul3A_241, %get3A_244, %dot_general3A_245 {dimension_numbers = #tpu.dot_dimension_numbers<[1], [1], [0], [0], [0, 0, 1, 0], [], []>, transpose_lhs_hint = false} : vector<16x128xf32>, vector<64x128xf32>, vector<16x64xf32> -> vector<16x64xf32>
    %get3A_247 = arith.constant 0 : index
    %get3A_248 = arith.constant 0 : index
    %get3A_249 = vector.load %arg18[%get3A_247, %get3A_248] : memref<1x64xf32, #tpu.memory_space<vmem>>, vector<1x64xf32>
    %add3A_250 = vector.broadcast %get3A_249 : vector<1x64xf32> to vector<16x64xf32>
    %add3A_251 = arith.addf %dot_general3A_246, %add3A_250 : vector<16x64xf32>
    %add3A_252 = arith.addf %add3A_220, %add3A_251 : vector<16x64xf32>
    %get3A_253 = arith.constant 0 : index
    %get3A_254 = arith.constant 0 : index
    %get3A_255 = vector.load %arg19[%get3A_253, %get3A_254] : memref<1x64xf32, #tpu.memory_space<vmem>>, vector<1x64xf32>
    %get3A_256 = arith.constant 0 : index
    %get3A_257 = arith.constant 0 : index
    %get3A_258 = vector.load %arg20[%get3A_256, %get3A_257] : memref<1x64xf32, #tpu.memory_space<vmem>>, vector<1x64xf32>
    %reduce_sum3A_259 = arith.constant dense<0.000000e+00> : vector<16xf32>
    %reduce_sum3A_260 = vector.multi_reduction <add>, %add3A_252, %reduce_sum3A_259 [1] : vector<16x64xf32> to vector<16xf32>
    %broadcast_in_dim3A_261 = vector.shape_cast %reduce_sum3A_260 : vector<16xf32> to vector<16x1xf32>
    %div3A_262 = arith.constant 6.400000e+01 : f32
    %div3A_263 = vector.broadcast %div3A_262 : f32 to vector<16x1xf32>
    %div3A_264 = arith.divf %broadcast_in_dim3A_261, %div3A_263 : vector<16x1xf32>
    %sub3A_265 = vector.broadcast %div3A_264 : vector<16x1xf32> to vector<16x64xf32>
    %sub3A_266 = arith.subf %add3A_252, %sub3A_265 : vector<16x64xf32>
    %integer_pow3A_267 = arith.mulf %sub3A_266, %sub3A_266 : vector<16x64xf32>
    %reduce_sum3A_268 = arith.constant dense<0.000000e+00> : vector<16xf32>
    %reduce_sum3A_269 = vector.multi_reduction <add>, %integer_pow3A_267, %reduce_sum3A_268 [1] : vector<16x64xf32> to vector<16xf32>
    %broadcast_in_dim3A_270 = vector.shape_cast %reduce_sum3A_269 : vector<16xf32> to vector<16x1xf32>
    %div3A_271 = arith.constant 6.400000e+01 : f32
    %div3A_272 = vector.broadcast %div3A_271 : f32 to vector<16x1xf32>
    %div3A_273 = arith.divf %broadcast_in_dim3A_270, %div3A_272 : vector<16x1xf32>
    %sub3A_274 = vector.broadcast %div3A_264 : vector<16x1xf32> to vector<16x64xf32>
    %sub3A_275 = arith.subf %add3A_252, %sub3A_274 : vector<16x64xf32>
    %add3A_276 = arith.constant 9.99999974E-6 : f32
    %add3A_277 = vector.broadcast %add3A_276 : f32 to vector<16x1xf32>
    %add3A_278 = arith.addf %div3A_273, %add3A_277 : vector<16x1xf32>
    %rsqrt3A_279 = math.rsqrt %add3A_278 : vector<16x1xf32>
    %mul3A_280 = vector.broadcast %rsqrt3A_279 : vector<16x1xf32> to vector<16x64xf32>
    %mul3A_281 = arith.mulf %sub3A_275, %mul3A_280 : vector<16x64xf32>
    %mul3A_282 = vector.broadcast %get3A_255 : vector<1x64xf32> to vector<16x64xf32>
    %mul3A_283 = arith.mulf %mul3A_281, %mul3A_282 : vector<16x64xf32>
    %add3A_284 = vector.broadcast %get3A_258 : vector<1x64xf32> to vector<16x64xf32>
    %add3A_285 = arith.addf %mul3A_283, %add3A_284 : vector<16x64xf32>
    %reduce_sum3A_286 = arith.constant dense<0.000000e+00> : vector<64xf32>
    %reduce_sum3A_287 = vector.multi_reduction <add>, %add3A_285, %reduce_sum3A_286 [0] : vector<16x64xf32> to vector<64xf32>
    %broadcast_in_dim3A_288 = vector.shape_cast %reduce_sum3A_287 : vector<64xf32> to vector<1x64xf32>
    %div3A_289 = arith.constant 1.600000e+01 : f32
    %div3A_290 = vector.broadcast %div3A_289 : f32 to vector<1x64xf32>
    %div3A_291 = arith.divf %broadcast_in_dim3A_288, %div3A_290 : vector<1x64xf32>
    %get3A_292 = arith.constant 0 : index
    %get3A_293 = arith.constant 0 : index
    %get3A_294 = vector.load %arg21[%get3A_292, %get3A_293] : memref<128x64xf32, #tpu.memory_space<vmem>>, vector<128x64xf32>
    %dot_general3A_295 = arith.constant dense<0.000000e+00> : vector<1x128xf32>
    %dot_general3A_296 = tpu.matmul %div3A_291, %get3A_294, %dot_general3A_295 {dimension_numbers = #tpu.dot_dimension_numbers<[1], [1], [0], [0], [0, 0, 1, 0], [], []>, transpose_lhs_hint = false} : vector<1x64xf32>, vector<128x64xf32>, vector<1x128xf32> -> vector<1x128xf32>
    %get3A_297 = arith.constant 0 : index
    %get3A_298 = arith.constant 0 : index
    %get3A_299 = vector.load %arg22[%get3A_297, %get3A_298] : memref<1x128xf32, #tpu.memory_space<vmem>>, vector<1x128xf32>
    %add3A_300 = arith.addf %dot_general3A_296, %get3A_299 : vector<1x128xf32>
    %mul3A_301 = arith.constant 5.000000e-01 : f32
    %mul3A_302 = vector.broadcast %mul3A_301 : f32 to vector<1x128xf32>
    %mul3A_303 = arith.mulf %add3A_300, %mul3A_302 : vector<1x128xf32>
    %mul3A_304 = arith.constant 0.707106769 : f32
    %mul3A_305 = vector.broadcast %mul3A_304 : f32 to vector<1x128xf32>
    %mul3A_306 = arith.mulf %add3A_300, %mul3A_305 : vector<1x128xf32>
    %erf3A_307 = math.erf %mul3A_306 : vector<1x128xf32>
    %add3A_308 = arith.constant 1.000000e+00 : f32
    %add3A_309 = vector.broadcast %add3A_308 : f32 to vector<1x128xf32>
    %add3A_310 = arith.addf %add3A_309, %erf3A_307 : vector<1x128xf32>
    %mul3A_311 = arith.mulf %mul3A_303, %add3A_310 : vector<1x128xf32>
    %get3A_312 = arith.constant 0 : index
    %get3A_313 = arith.constant 0 : index
    %get3A_314 = vector.load %arg23[%get3A_312, %get3A_313] : memref<128x128xf32, #tpu.memory_space<vmem>>, vector<128x128xf32>
    %dot_general3A_315 = arith.constant dense<0.000000e+00> : vector<1x128xf32>
    %dot_general3A_316 = tpu.matmul %mul3A_311, %get3A_314, %dot_general3A_315 {dimension_numbers = #tpu.dot_dimension_numbers<[1], [1], [0], [0], [0, 0, 1, 0], [], []>, transpose_lhs_hint = false} : vector<1x128xf32>, vector<128x128xf32>, vector<1x128xf32> -> vector<1x128xf32>
    %get3A_317 = arith.constant 0 : index
    %get3A_318 = arith.constant 0 : index
    %get3A_319 = vector.load %arg24[%get3A_317, %get3A_318] : memref<1x128xf32, #tpu.memory_space<vmem>>, vector<1x128xf32>
    %add3A_320 = arith.addf %dot_general3A_316, %get3A_319 : vector<1x128xf32>
    %swap3A = arith.constant 0 : index
    %swap3A_321 = arith.constant 0 : index
    %swap3A_322 = vector.load %arg25[%swap3A, %swap3A_321] : memref<2x128xf32, #tpu.memory_space<vmem>>, vector<1x128xf32>
    tpu.vector_store %arg25[%swap3A, %swap3A_321], %add3A_320 {strides = array<i32>} : memref<2x128xf32, #tpu.memory_space<vmem>>, vector<1x128xf32>,
    %get3A_323 = arith.constant 1 : index
    %get3A_324 = arith.constant 0 : index
    %get3A_325 = arith.constant 0 : index
    %get3A_326 = vector.load %arg0[%get3A_323, %get3A_324, %get3A_325] : memref<2x16x128xf32, #tpu.memory_space<vmem>>, vector<1x16x128xf32>
    %get3A_327 = vector.shape_cast %get3A_326 : vector<1x16x128xf32> to vector<16x128xf32>
    %eq3A_328 = arith.constant 66 : i32
    %eq3A_329 = vector.broadcast %eq3A_328 : i32 to vector<16x128xi32>
    %eq3A_330 = arith.cmpi eq, %iota3A, %eq3A_329 : vector<16x128xi32>
    %jit3A_331 = arith.constant 0.000000e+00 : f32
    %broadcast_in_dim3A_332 = vector.broadcast %jit3A_331 : f32 to vector<16x128xf32>
    %select_n3A_333 = arith.select %eq3A_330, %get3A_327, %broadcast_in_dim3A_332 : vector<16x128xi1>, vector<16x128xf32>
    %reduce_sum3A_334 = arith.constant dense<0.000000e+00> : vector<16xf32>
    %reduce_sum3A_335 = vector.multi_reduction <add>, %select_n3A_333, %reduce_sum3A_334 [1] : vector<16x128xf32> to vector<16xf32>
    %broadcast_in_dim3A_336 = vector.shape_cast %reduce_sum3A_335 : vector<16xf32> to vector<16x1xf32>
    %add3A_337 = arith.constant 9.99999993E-9 : f32
    %add3A_338 = vector.broadcast %add3A_337 : f32 to vector<16x1xf32>
    %add3A_339 = arith.addf %broadcast_in_dim3A_336, %add3A_338 : vector<16x1xf32>
    %eq3A_340 = arith.constant 64 : i32
    %eq3A_341 = vector.broadcast %eq3A_340 : i32 to vector<16x128xi32>
    %eq3A_342 = arith.cmpi eq, %iota3A, %eq3A_341 : vector<16x128xi32>
    %jit3A_343 = arith.constant 0.000000e+00 : f32
    %broadcast_in_dim3A_344 = vector.broadcast %jit3A_343 : f32 to vector<16x128xf32>
    %select_n3A_345 = arith.select %eq3A_342, %get3A_327, %broadcast_in_dim3A_344 : vector<16x128xi1>, vector<16x128xf32>
    %reduce_sum3A_346 = arith.constant dense<0.000000e+00> : vector<16xf32>
    %reduce_sum3A_347 = vector.multi_reduction <add>, %select_n3A_345, %reduce_sum3A_346 [1] : vector<16x128xf32> to vector<16xf32>
    %broadcast_in_dim3A_348 = vector.shape_cast %reduce_sum3A_347 : vector<16xf32> to vector<16x1xf32>
    %eq3A_349 = arith.constant 65 : i32
    %eq3A_350 = vector.broadcast %eq3A_349 : i32 to vector<16x128xi32>
    %eq3A_351 = arith.cmpi eq, %iota3A, %eq3A_350 : vector<16x128xi32>
    %jit3A_352 = arith.constant 0.000000e+00 : f32
    %broadcast_in_dim3A_353 = vector.broadcast %jit3A_352 : f32 to vector<16x128xf32>
    %select_n3A_354 = arith.select %eq3A_351, %get3A_327, %broadcast_in_dim3A_353 : vector<16x128xi1>, vector<16x128xf32>
    %reduce_sum3A_355 = arith.constant dense<0.000000e+00> : vector<16xf32>
    %reduce_sum3A_356 = vector.multi_reduction <add>, %select_n3A_354, %reduce_sum3A_355 [1] : vector<16x128xf32> to vector<16xf32>
    %broadcast_in_dim3A_357 = vector.shape_cast %reduce_sum3A_356 : vector<16xf32> to vector<16x1xf32>
    %slice3A_358 = vector.extract_strided_slice %get3A_327 {offsets = [0, 0], sizes = [16, 64], strides = [1, 1]} : vector<16x128xf32> to vector<16x64xf32>
    %div3A_359 = vector.broadcast %add3A_339 : vector<16x1xf32> to vector<16x64xf32>
    %div3A_360 = arith.divf %slice3A_358, %div3A_359 : vector<16x64xf32>
    %div3A_361 = arith.divf %broadcast_in_dim3A_348, %add3A_339 : vector<16x1xf32>
    %get3A_362 = arith.constant 0 : index
    %get3A_363 = arith.constant 0 : index
    %get3A_364 = vector.load %arg1[%get3A_362, %get3A_363] : memref<2x64xf32, #tpu.memory_space<vmem>>, vector<1x64xf32>
    %mul3A_365 = vector.broadcast %div3A_361 : vector<16x1xf32> to vector<16x64xf32>
    %mul3A_366 = vector.broadcast %get3A_364 : vector<1x64xf32> to vector<16x64xf32>
    %mul3A_367 = arith.mulf %mul3A_365, %mul3A_366 : vector<16x64xf32>
    %div3A_368 = arith.divf %broadcast_in_dim3A_357, %add3A_339 : vector<16x1xf32>
    %get3A_369 = arith.constant 1 : index
    %get3A_370 = arith.constant 0 : index
    %get3A_371 = vector.load %arg1[%get3A_369, %get3A_370] : memref<2x64xf32, #tpu.memory_space<vmem>>, vector<1x64xf32>
    %mul3A_372 = vector.broadcast %div3A_368 : vector<16x1xf32> to vector<16x64xf32>
    %mul3A_373 = vector.broadcast %get3A_371 : vector<1x64xf32> to vector<16x64xf32>
    %mul3A_374 = arith.mulf %mul3A_372, %mul3A_373 : vector<16x64xf32>
    %add3A_375 = arith.addf %mul3A_367, %mul3A_374 : vector<16x64xf32>
    %get3A_376 = arith.constant 0 : index
    %get3A_377 = arith.constant 0 : index
    %get3A_378 = vector.load %arg2[%get3A_376, %get3A_377] : memref<1x64xf32, #tpu.memory_space<vmem>>, vector<1x64xf32>
    %add3A_379 = vector.broadcast %get3A_378 : vector<1x64xf32> to vector<16x64xf32>
    %add3A_380 = arith.addf %add3A_375, %add3A_379 : vector<16x64xf32>
    %mul3A_381 = arith.constant 5.000000e-01 : f32
    %mul3A_382 = vector.broadcast %mul3A_381 : f32 to vector<16x64xf32>
    %mul3A_383 = arith.mulf %add3A_380, %mul3A_382 : vector<16x64xf32>
    %mul3A_384 = arith.constant 0.707106769 : f32
    %mul3A_385 = vector.broadcast %mul3A_384 : f32 to vector<16x64xf32>
    %mul3A_386 = arith.mulf %add3A_380, %mul3A_385 : vector<16x64xf32>
    %erf3A_387 = math.erf %mul3A_386 : vector<16x64xf32>
    %add3A_388 = arith.constant 1.000000e+00 : f32
    %add3A_389 = vector.broadcast %add3A_388 : f32 to vector<16x64xf32>
    %add3A_390 = arith.addf %add3A_389, %erf3A_387 : vector<16x64xf32>
    %mul3A_391 = arith.mulf %mul3A_383, %add3A_390 : vector<16x64xf32>
    %get3A_392 = arith.constant 0 : index
    %get3A_393 = arith.constant 0 : index
    %get3A_394 = vector.load %arg3[%get3A_392, %get3A_393] : memref<64x64xf32, #tpu.memory_space<vmem>>, vector<64x64xf32>
    %dot_general3A_395 = arith.constant dense<0.000000e+00> : vector<16x64xf32>
    %dot_general3A_396 = tpu.matmul %mul3A_391, %get3A_394, %dot_general3A_395 {dimension_numbers = #tpu.dot_dimension_numbers<[1], [1], [0], [0], [0, 0, 1, 0], [], []>, transpose_lhs_hint = false} : vector<16x64xf32>, vector<64x64xf32>, vector<16x64xf32> -> vector<16x64xf32>
    %add3A_397 = arith.addf %div3A_360, %dot_general3A_396 : vector<16x64xf32>
    %get3A_398 = arith.constant 0 : index
    %get3A_399 = arith.constant 0 : index
    %get3A_400 = vector.load %arg4[%get3A_398, %get3A_399] : memref<1x64xf32, #tpu.memory_space<vmem>>, vector<1x64xf32>
    %add3A_401 = vector.broadcast %get3A_400 : vector<1x64xf32> to vector<16x64xf32>
    %add3A_402 = arith.addf %add3A_397, %add3A_401 : vector<16x64xf32>
    %get3A_403 = arith.constant 0 : index
    %get3A_404 = arith.constant 0 : index
    %get3A_405 = vector.load %arg5[%get3A_403, %get3A_404] : memref<64x64xf32, #tpu.memory_space<vmem>>, vector<64x64xf32>
    %dot_general3A_406 = arith.constant dense<0.000000e+00> : vector<16x64xf32>
    %dot_general3A_407 = tpu.matmul %add3A_402, %get3A_405, %dot_general3A_406 {dimension_numbers = #tpu.dot_dimension_numbers<[1], [1], [0], [0], [0, 0, 1, 0], [], []>, transpose_lhs_hint = false} : vector<16x64xf32>, vector<64x64xf32>, vector<16x64xf32> -> vector<16x64xf32>
    %get3A_408 = arith.constant 0 : index
    %get3A_409 = arith.constant 0 : index
    %get3A_410 = vector.load %arg6[%get3A_408, %get3A_409] : memref<1x64xf32, #tpu.memory_space<vmem>>, vector<1x64xf32>
    %add3A_411 = vector.broadcast %get3A_410 : vector<1x64xf32> to vector<16x64xf32>
    %add3A_412 = arith.addf %dot_general3A_407, %add3A_411 : vector<16x64xf32>
    %get3A_413 = arith.constant 0 : index
    %get3A_414 = arith.constant 0 : index
    %get3A_415 = vector.load %arg7[%get3A_413, %get3A_414] : memref<64x64xf32, #tpu.memory_space<vmem>>, vector<64x64xf32>
    %dot_general3A_416 = arith.constant dense<0.000000e+00> : vector<16x64xf32>
    %dot_general3A_417 = tpu.matmul %add3A_402, %get3A_415, %dot_general3A_416 {dimension_numbers = #tpu.dot_dimension_numbers<[1], [1], [0], [0], [0, 0, 1, 0], [], []>, transpose_lhs_hint = false} : vector<16x64xf32>, vector<64x64xf32>, vector<16x64xf32> -> vector<16x64xf32>
    %get3A_418 = arith.constant 0 : index
    %get3A_419 = arith.constant 0 : index
    %get3A_420 = vector.load %arg8[%get3A_418, %get3A_419] : memref<1x64xf32, #tpu.memory_space<vmem>>, vector<1x64xf32>
    %add3A_421 = vector.broadcast %get3A_420 : vector<1x64xf32> to vector<16x64xf32>
    %add3A_422 = arith.addf %dot_general3A_417, %add3A_421 : vector<16x64xf32>
    %get3A_423 = arith.constant 0 : index
    %get3A_424 = arith.constant 0 : index
    %get3A_425 = vector.load %arg9[%get3A_423, %get3A_424] : memref<64x64xf32, #tpu.memory_space<vmem>>, vector<64x64xf32>
    %dot_general3A_426 = arith.constant dense<0.000000e+00> : vector<16x64xf32>
    %dot_general3A_427 = tpu.matmul %add3A_402, %get3A_425, %dot_general3A_426 {dimension_numbers = #tpu.dot_dimension_numbers<[1], [1], [0], [0], [0, 0, 1, 0], [], []>, transpose_lhs_hint = false} : vector<16x64xf32>, vector<64x64xf32>, vector<16x64xf32> -> vector<16x64xf32>
    %get3A_428 = arith.constant 0 : index
    %get3A_429 = arith.constant 0 : index
    %get3A_430 = vector.load %arg10[%get3A_428, %get3A_429] : memref<1x64xf32, #tpu.memory_space<vmem>>, vector<1x64xf32>
    %add3A_431 = vector.broadcast %get3A_430 : vector<1x64xf32> to vector<16x64xf32>
    %add3A_432 = arith.addf %dot_general3A_427, %add3A_431 : vector<16x64xf32>
    %slice3A_433 = vector.extract_strided_slice %add3A_412 {offsets = [0, 0], sizes = [16, 16], strides = [1, 1]} : vector<16x64xf32> to vector<16x16xf32>
    %slice3A_434 = vector.extract_strided_slice %add3A_422 {offsets = [0, 0], sizes = [16, 16], strides = [1, 1]} : vector<16x64xf32> to vector<16x16xf32>
    %slice3A_435 = vector.extract_strided_slice %add3A_432 {offsets = [0, 0], sizes = [16, 16], strides = [1, 1]} : vector<16x64xf32> to vector<16x16xf32>
    %dot_general3A_436 = arith.constant dense<0.000000e+00> : vector<16x16xf32>
    %dot_general3A_437 = tpu.matmul %slice3A_433, %slice3A_434, %dot_general3A_436 {dimension_numbers = #tpu.dot_dimension_numbers<[1], [1], [0], [0], [0, 0, 1, 0], [], []>, transpose_lhs_hint = false} : vector<16x16xf32>, vector<16x16xf32>, vector<16x16xf32> -> vector<16x16xf32>
    %mul3A_438 = arith.constant 2.500000e-01 : f32
    %mul3A_439 = vector.broadcast %mul3A_438 : f32 to vector<16x16xf32>
    %mul3A_440 = arith.mulf %dot_general3A_437, %mul3A_439 : vector<16x16xf32>
    %reduce_max3A_441 = arith.constant dense<0xFF800000> : vector<16xf32>
    %reduce_max3A_442 = vector.multi_reduction <maximumf>, %mul3A_440, %reduce_max3A_441 [1] : vector<16x16xf32> to vector<16xf32>
    %broadcast_in_dim3A_443 = vector.shape_cast %reduce_max3A_442 : vector<16xf32> to vector<16x1xf32>
    %sub3A_444 = vector.broadcast %broadcast_in_dim3A_443 : vector<16x1xf32> to vector<16x16xf32>
    %sub3A_445 = arith.subf %mul3A_440, %sub3A_444 : vector<16x16xf32>
    %exp3A_446 = math.exp %sub3A_445 : vector<16x16xf32>
    %reduce_sum3A_447 = arith.constant dense<0.000000e+00> : vector<16xf32>
    %reduce_sum3A_448 = vector.multi_reduction <add>, %exp3A_446, %reduce_sum3A_447 [1] : vector<16x16xf32> to vector<16xf32>
    %broadcast_in_dim3A_449 = vector.shape_cast %reduce_sum3A_448 : vector<16xf32> to vector<16x1xf32>
    %div3A_450 = vector.broadcast %broadcast_in_dim3A_449 : vector<16x1xf32> to vector<16x16xf32>
    %div3A_451 = arith.divf %exp3A_446, %div3A_450 : vector<16x16xf32>
    %dot_general3A_452 = arith.constant dense<0.000000e+00> : vector<16x16xf32>
    %dot_general3A_453 = tpu.matmul %div3A_451, %slice3A_435, %dot_general3A_452 {dimension_numbers = #tpu.dot_dimension_numbers<[1], [0], [0], [1], [0, 0, 1, 1], [], []>, transpose_lhs_hint = false} : vector<16x16xf32>, vector<16x16xf32>, vector<16x16xf32> -> vector<16x16xf32>
    %slice3A_454 = vector.extract_strided_slice %add3A_412 {offsets = [0, 16], sizes = [16, 16], strides = [1, 1]} : vector<16x64xf32> to vector<16x16xf32>
    %slice3A_455 = vector.extract_strided_slice %add3A_422 {offsets = [0, 16], sizes = [16, 16], strides = [1, 1]} : vector<16x64xf32> to vector<16x16xf32>
    %slice3A_456 = vector.extract_strided_slice %add3A_432 {offsets = [0, 16], sizes = [16, 16], strides = [1, 1]} : vector<16x64xf32> to vector<16x16xf32>
    %dot_general3A_457 = arith.constant dense<0.000000e+00> : vector<16x16xf32>
    %dot_general3A_458 = tpu.matmul %slice3A_454, %slice3A_455, %dot_general3A_457 {dimension_numbers = #tpu.dot_dimension_numbers<[1], [1], [0], [0], [0, 0, 1, 0], [], []>, transpose_lhs_hint = false} : vector<16x16xf32>, vector<16x16xf32>, vector<16x16xf32> -> vector<16x16xf32>
    %mul3A_459 = arith.constant 2.500000e-01 : f32
    %mul3A_460 = vector.broadcast %mul3A_459 : f32 to vector<16x16xf32>
    %mul3A_461 = arith.mulf %dot_general3A_458, %mul3A_460 : vector<16x16xf32>
    %reduce_max3A_462 = arith.constant dense<0xFF800000> : vector<16xf32>
    %reduce_max3A_463 = vector.multi_reduction <maximumf>, %mul3A_461, %reduce_max3A_462 [1] : vector<16x16xf32> to vector<16xf32>
    %broadcast_in_dim3A_464 = vector.shape_cast %reduce_max3A_463 : vector<16xf32> to vector<16x1xf32>
    %sub3A_465 = vector.broadcast %broadcast_in_dim3A_464 : vector<16x1xf32> to vector<16x16xf32>
    %sub3A_466 = arith.subf %mul3A_461, %sub3A_465 : vector<16x16xf32>
    %exp3A_467 = math.exp %sub3A_466 : vector<16x16xf32>
    %reduce_sum3A_468 = arith.constant dense<0.000000e+00> : vector<16xf32>
    %reduce_sum3A_469 = vector.multi_reduction <add>, %exp3A_467, %reduce_sum3A_468 [1] : vector<16x16xf32> to vector<16xf32>
    %broadcast_in_dim3A_470 = vector.shape_cast %reduce_sum3A_469 : vector<16xf32> to vector<16x1xf32>
    %div3A_471 = vector.broadcast %broadcast_in_dim3A_470 : vector<16x1xf32> to vector<16x16xf32>
    %div3A_472 = arith.divf %exp3A_467, %div3A_471 : vector<16x16xf32>
    %dot_general3A_473 = arith.constant dense<0.000000e+00> : vector<16x16xf32>
    %dot_general3A_474 = tpu.matmul %div3A_472, %slice3A_456, %dot_general3A_473 {dimension_numbers = #tpu.dot_dimension_numbers<[1], [0], [0], [1], [0, 0, 1, 1], [], []>, transpose_lhs_hint = false} : vector<16x16xf32>, vector<16x16xf32>, vector<16x16xf32> -> vector<16x16xf32>
    %slice3A_475 = vector.extract_strided_slice %add3A_412 {offsets = [0, 32], sizes = [16, 16], strides = [1, 1]} : vector<16x64xf32> to vector<16x16xf32>
    %slice3A_476 = vector.extract_strided_slice %add3A_422 {offsets = [0, 32], sizes = [16, 16], strides = [1, 1]} : vector<16x64xf32> to vector<16x16xf32>
    %slice3A_477 = vector.extract_strided_slice %add3A_432 {offsets = [0, 32], sizes = [16, 16], strides = [1, 1]} : vector<16x64xf32> to vector<16x16xf32>
    %dot_general3A_478 = arith.constant dense<0.000000e+00> : vector<16x16xf32>
    %dot_general3A_479 = tpu.matmul %slice3A_475, %slice3A_476, %dot_general3A_478 {dimension_numbers = #tpu.dot_dimension_numbers<[1], [1], [0], [0], [0, 0, 1, 0], [], []>, transpose_lhs_hint = false} : vector<16x16xf32>, vector<16x16xf32>, vector<16x16xf32> -> vector<16x16xf32>
    %mul3A_480 = arith.constant 2.500000e-01 : f32
    %mul3A_481 = vector.broadcast %mul3A_480 : f32 to vector<16x16xf32>
    %mul3A_482 = arith.mulf %dot_general3A_479, %mul3A_481 : vector<16x16xf32>
    %reduce_max3A_483 = arith.constant dense<0xFF800000> : vector<16xf32>
    %reduce_max3A_484 = vector.multi_reduction <maximumf>, %mul3A_482, %reduce_max3A_483 [1] : vector<16x16xf32> to vector<16xf32>
    %broadcast_in_dim3A_485 = vector.shape_cast %reduce_max3A_484 : vector<16xf32> to vector<16x1xf32>
    %sub3A_486 = vector.broadcast %broadcast_in_dim3A_485 : vector<16x1xf32> to vector<16x16xf32>
    %sub3A_487 = arith.subf %mul3A_482, %sub3A_486 : vector<16x16xf32>
    %exp3A_488 = math.exp %sub3A_487 : vector<16x16xf32>
    %reduce_sum3A_489 = arith.constant dense<0.000000e+00> : vector<16xf32>
    %reduce_sum3A_490 = vector.multi_reduction <add>, %exp3A_488, %reduce_sum3A_489 [1] : vector<16x16xf32> to vector<16xf32>
    %broadcast_in_dim3A_491 = vector.shape_cast %reduce_sum3A_490 : vector<16xf32> to vector<16x1xf32>
    %div3A_492 = vector.broadcast %broadcast_in_dim3A_491 : vector<16x1xf32> to vector<16x16xf32>
    %div3A_493 = arith.divf %exp3A_488, %div3A_492 : vector<16x16xf32>
    %dot_general3A_494 = arith.constant dense<0.000000e+00> : vector<16x16xf32>
    %dot_general3A_495 = tpu.matmul %div3A_493, %slice3A_477, %dot_general3A_494 {dimension_numbers = #tpu.dot_dimension_numbers<[1], [0], [0], [1], [0, 0, 1, 1], [], []>, transpose_lhs_hint = false} : vector<16x16xf32>, vector<16x16xf32>, vector<16x16xf32> -> vector<16x16xf32>
    %slice3A_496 = vector.extract_strided_slice %add3A_412 {offsets = [0, 48], sizes = [16, 16], strides = [1, 1]} : vector<16x64xf32> to vector<16x16xf32>
    %slice3A_497 = vector.extract_strided_slice %add3A_422 {offsets = [0, 48], sizes = [16, 16], strides = [1, 1]} : vector<16x64xf32> to vector<16x16xf32>
    %slice3A_498 = vector.extract_strided_slice %add3A_432 {offsets = [0, 48], sizes = [16, 16], strides = [1, 1]} : vector<16x64xf32> to vector<16x16xf32>
    %dot_general3A_499 = arith.constant dense<0.000000e+00> : vector<16x16xf32>
    %dot_general3A_500 = tpu.matmul %slice3A_496, %slice3A_497, %dot_general3A_499 {dimension_numbers = #tpu.dot_dimension_numbers<[1], [1], [0], [0], [0, 0, 1, 0], [], []>, transpose_lhs_hint = false} : vector<16x16xf32>, vector<16x16xf32>, vector<16x16xf32> -> vector<16x16xf32>
    %mul3A_501 = arith.constant 2.500000e-01 : f32
    %mul3A_502 = vector.broadcast %mul3A_501 : f32 to vector<16x16xf32>
    %mul3A_503 = arith.mulf %dot_general3A_500, %mul3A_502 : vector<16x16xf32>
    %reduce_max3A_504 = arith.constant dense<0xFF800000> : vector<16xf32>
    %reduce_max3A_505 = vector.multi_reduction <maximumf>, %mul3A_503, %reduce_max3A_504 [1] : vector<16x16xf32> to vector<16xf32>
    %broadcast_in_dim3A_506 = vector.shape_cast %reduce_max3A_505 : vector<16xf32> to vector<16x1xf32>
    %sub3A_507 = vector.broadcast %broadcast_in_dim3A_506 : vector<16x1xf32> to vector<16x16xf32>
    %sub3A_508 = arith.subf %mul3A_503, %sub3A_507 : vector<16x16xf32>
    %exp3A_509 = math.exp %sub3A_508 : vector<16x16xf32>
    %reduce_sum3A_510 = arith.constant dense<0.000000e+00> : vector<16xf32>
    %reduce_sum3A_511 = vector.multi_reduction <add>, %exp3A_509, %reduce_sum3A_510 [1] : vector<16x16xf32> to vector<16xf32>
    %broadcast_in_dim3A_512 = vector.shape_cast %reduce_sum3A_511 : vector<16xf32> to vector<16x1xf32>
    %div3A_513 = vector.broadcast %broadcast_in_dim3A_512 : vector<16x1xf32> to vector<16x16xf32>
    %div3A_514 = arith.divf %exp3A_509, %div3A_513 : vector<16x16xf32>
    %dot_general3A_515 = arith.constant dense<0.000000e+00> : vector<16x16xf32>
    %dot_general3A_516 = tpu.matmul %div3A_514, %slice3A_498, %dot_general3A_515 {dimension_numbers = #tpu.dot_dimension_numbers<[1], [0], [0], [1], [0, 0, 1, 1], [], []>, transpose_lhs_hint = false} : vector<16x16xf32>, vector<16x16xf32>, vector<16x16xf32> -> vector<16x16xf32>
    %concatenate3A_517 = tpu.concatenate %dot_general3A_453, %dot_general3A_474, %dot_general3A_495, %dot_general3A_516 in 1 : vector<16x16xf32>, vector<16x16xf32>, vector<16x16xf32>, vector<16x16xf32> -> vector<16x64xf32>
    %get3A_518 = arith.constant 0 : index
    %get3A_519 = arith.constant 0 : index
    %get3A_520 = vector.load %arg11[%get3A_518, %get3A_519] : memref<64x64xf32, #tpu.memory_space<vmem>>, vector<64x64xf32>
    %dot_general3A_521 = arith.constant dense<0.000000e+00> : vector<16x64xf32>
    %dot_general3A_522 = tpu.matmul %concatenate3A_517, %get3A_520, %dot_general3A_521 {dimension_numbers = #tpu.dot_dimension_numbers<[1], [1], [0], [0], [0, 0, 1, 0], [], []>, transpose_lhs_hint = false} : vector<16x64xf32>, vector<64x64xf32>, vector<16x64xf32> -> vector<16x64xf32>
    %get3A_523 = arith.constant 0 : index
    %get3A_524 = arith.constant 0 : index
    %get3A_525 = vector.load %arg12[%get3A_523, %get3A_524] : memref<1x64xf32, #tpu.memory_space<vmem>>, vector<1x64xf32>
    %add3A_526 = vector.broadcast %get3A_525 : vector<1x64xf32> to vector<16x64xf32>
    %add3A_527 = arith.addf %dot_general3A_522, %add3A_526 : vector<16x64xf32>
    %add3A_528 = arith.addf %add3A_402, %add3A_527 : vector<16x64xf32>
    %get3A_529 = arith.constant 0 : index
    %get3A_530 = arith.constant 0 : index
    %get3A_531 = vector.load %arg13[%get3A_529, %get3A_530] : memref<1x64xf32, #tpu.memory_space<vmem>>, vector<1x64xf32>
    %get3A_532 = arith.constant 0 : index
    %get3A_533 = arith.constant 0 : index
    %get3A_534 = vector.load %arg14[%get3A_532, %get3A_533] : memref<1x64xf32, #tpu.memory_space<vmem>>, vector<1x64xf32>
    %reduce_sum3A_535 = arith.constant dense<0.000000e+00> : vector<16xf32>
    %reduce_sum3A_536 = vector.multi_reduction <add>, %add3A_528, %reduce_sum3A_535 [1] : vector<16x64xf32> to vector<16xf32>
    %broadcast_in_dim3A_537 = vector.shape_cast %reduce_sum3A_536 : vector<16xf32> to vector<16x1xf32>
    %div3A_538 = arith.constant 6.400000e+01 : f32
    %div3A_539 = vector.broadcast %div3A_538 : f32 to vector<16x1xf32>
    %div3A_540 = arith.divf %broadcast_in_dim3A_537, %div3A_539 : vector<16x1xf32>
    %sub3A_541 = vector.broadcast %div3A_540 : vector<16x1xf32> to vector<16x64xf32>
    %sub3A_542 = arith.subf %add3A_528, %sub3A_541 : vector<16x64xf32>
    %integer_pow3A_543 = arith.mulf %sub3A_542, %sub3A_542 : vector<16x64xf32>
    %reduce_sum3A_544 = arith.constant dense<0.000000e+00> : vector<16xf32>
    %reduce_sum3A_545 = vector.multi_reduction <add>, %integer_pow3A_543, %reduce_sum3A_544 [1] : vector<16x64xf32> to vector<16xf32>
    %broadcast_in_dim3A_546 = vector.shape_cast %reduce_sum3A_545 : vector<16xf32> to vector<16x1xf32>
    %div3A_547 = arith.constant 6.400000e+01 : f32
    %div3A_548 = vector.broadcast %div3A_547 : f32 to vector<16x1xf32>
    %div3A_549 = arith.divf %broadcast_in_dim3A_546, %div3A_548 : vector<16x1xf32>
    %sub3A_550 = vector.broadcast %div3A_540 : vector<16x1xf32> to vector<16x64xf32>
    %sub3A_551 = arith.subf %add3A_528, %sub3A_550 : vector<16x64xf32>
    %add3A_552 = arith.constant 9.99999974E-6 : f32
    %add3A_553 = vector.broadcast %add3A_552 : f32 to vector<16x1xf32>
    %add3A_554 = arith.addf %div3A_549, %add3A_553 : vector<16x1xf32>
    %rsqrt3A_555 = math.rsqrt %add3A_554 : vector<16x1xf32>
    %mul3A_556 = vector.broadcast %rsqrt3A_555 : vector<16x1xf32> to vector<16x64xf32>
    %mul3A_557 = arith.mulf %sub3A_551, %mul3A_556 : vector<16x64xf32>
    %mul3A_558 = vector.broadcast %get3A_531 : vector<1x64xf32> to vector<16x64xf32>
    %mul3A_559 = arith.mulf %mul3A_557, %mul3A_558 : vector<16x64xf32>
    %add3A_560 = vector.broadcast %get3A_534 : vector<1x64xf32> to vector<16x64xf32>
    %add3A_561 = arith.addf %mul3A_559, %add3A_560 : vector<16x64xf32>
    %get3A_562 = arith.constant 0 : index
    %get3A_563 = arith.constant 0 : index
    %get3A_564 = vector.load %arg15[%get3A_562, %get3A_563] : memref<128x64xf32, #tpu.memory_space<vmem>>, vector<128x64xf32>
    %dot_general3A_565 = arith.constant dense<0.000000e+00> : vector<16x128xf32>
    %dot_general3A_566 = tpu.matmul %add3A_561, %get3A_564, %dot_general3A_565 {dimension_numbers = #tpu.dot_dimension_numbers<[1], [1], [0], [0], [0, 0, 1, 0], [], []>, transpose_lhs_hint = false} : vector<16x64xf32>, vector<128x64xf32>, vector<16x128xf32> -> vector<16x128xf32>
    %get3A_567 = arith.constant 0 : index
    %get3A_568 = arith.constant 0 : index
    %get3A_569 = vector.load %arg16[%get3A_567, %get3A_568] : memref<1x128xf32, #tpu.memory_space<vmem>>, vector<1x128xf32>
    %add3A_570 = vector.broadcast %get3A_569 : vector<1x128xf32> to vector<16x128xf32>
    %add3A_571 = arith.addf %dot_general3A_566, %add3A_570 : vector<16x128xf32>
    %mul3A_572 = arith.constant 5.000000e-01 : f32
    %mul3A_573 = vector.broadcast %mul3A_572 : f32 to vector<16x128xf32>
    %mul3A_574 = arith.mulf %add3A_571, %mul3A_573 : vector<16x128xf32>
    %mul3A_575 = arith.constant 0.707106769 : f32
    %mul3A_576 = vector.broadcast %mul3A_575 : f32 to vector<16x128xf32>
    %mul3A_577 = arith.mulf %add3A_571, %mul3A_576 : vector<16x128xf32>
    %erf3A_578 = math.erf %mul3A_577 : vector<16x128xf32>
    %add3A_579 = arith.constant 1.000000e+00 : f32
    %add3A_580 = vector.broadcast %add3A_579 : f32 to vector<16x128xf32>
    %add3A_581 = arith.addf %add3A_580, %erf3A_578 : vector<16x128xf32>
    %mul3A_582 = arith.mulf %mul3A_574, %add3A_581 : vector<16x128xf32>
    %get3A_583 = arith.constant 0 : index
    %get3A_584 = arith.constant 0 : index
    %get3A_585 = vector.load %arg17[%get3A_583, %get3A_584] : memref<64x128xf32, #tpu.memory_space<vmem>>, vector<64x128xf32>
    %dot_general3A_586 = arith.constant dense<0.000000e+00> : vector<16x64xf32>
    %dot_general3A_587 = tpu.matmul %mul3A_582, %get3A_585, %dot_general3A_586 {dimension_numbers = #tpu.dot_dimension_numbers<[1], [1], [0], [0], [0, 0, 1, 0], [], []>, transpose_lhs_hint = false} : vector<16x128xf32>, vector<64x128xf32>, vector<16x64xf32> -> vector<16x64xf32>
    %get3A_588 = arith.constant 0 : index
    %get3A_589 = arith.constant 0 : index
    %get3A_590 = vector.load %arg18[%get3A_588, %get3A_589] : memref<1x64xf32, #tpu.memory_space<vmem>>, vector<1x64xf32>
    %add3A_591 = vector.broadcast %get3A_590 : vector<1x64xf32> to vector<16x64xf32>
    %add3A_592 = arith.addf %dot_general3A_587, %add3A_591 : vector<16x64xf32>
    %add3A_593 = arith.addf %add3A_561, %add3A_592 : vector<16x64xf32>
    %get3A_594 = arith.constant 0 : index
    %get3A_595 = arith.constant 0 : index
    %get3A_596 = vector.load %arg19[%get3A_594, %get3A_595] : memref<1x64xf32, #tpu.memory_space<vmem>>, vector<1x64xf32>
    %get3A_597 = arith.constant 0 : index
    %get3A_598 = arith.constant 0 : index
    %get3A_599 = vector.load %arg20[%get3A_597, %get3A_598] : memref<1x64xf32, #tpu.memory_space<vmem>>, vector<1x64xf32>
    %reduce_sum3A_600 = arith.constant dense<0.000000e+00> : vector<16xf32>
    %reduce_sum3A_601 = vector.multi_reduction <add>, %add3A_593, %reduce_sum3A_600 [1] : vector<16x64xf32> to vector<16xf32>
    %broadcast_in_dim3A_602 = vector.shape_cast %reduce_sum3A_601 : vector<16xf32> to vector<16x1xf32>
    %div3A_603 = arith.constant 6.400000e+01 : f32
    %div3A_604 = vector.broadcast %div3A_603 : f32 to vector<16x1xf32>
    %div3A_605 = arith.divf %broadcast_in_dim3A_602, %div3A_604 : vector<16x1xf32>
    %sub3A_606 = vector.broadcast %div3A_605 : vector<16x1xf32> to vector<16x64xf32>
    %sub3A_607 = arith.subf %add3A_593, %sub3A_606 : vector<16x64xf32>
    %integer_pow3A_608 = arith.mulf %sub3A_607, %sub3A_607 : vector<16x64xf32>
    %reduce_sum3A_609 = arith.constant dense<0.000000e+00> : vector<16xf32>
    %reduce_sum3A_610 = vector.multi_reduction <add>, %integer_pow3A_608, %reduce_sum3A_609 [1] : vector<16x64xf32> to vector<16xf32>
    %broadcast_in_dim3A_611 = vector.shape_cast %reduce_sum3A_610 : vector<16xf32> to vector<16x1xf32>
    %div3A_612 = arith.constant 6.400000e+01 : f32
    %div3A_613 = vector.broadcast %div3A_612 : f32 to vector<16x1xf32>
    %div3A_614 = arith.divf %broadcast_in_dim3A_611, %div3A_613 : vector<16x1xf32>
    %sub3A_615 = vector.broadcast %div3A_605 : vector<16x1xf32> to vector<16x64xf32>
    %sub3A_616 = arith.subf %add3A_593, %sub3A_615 : vector<16x64xf32>
    %add3A_617 = arith.constant 9.99999974E-6 : f32
    %add3A_618 = vector.broadcast %add3A_617 : f32 to vector<16x1xf32>
    %add3A_619 = arith.addf %div3A_614, %add3A_618 : vector<16x1xf32>
    %rsqrt3A_620 = math.rsqrt %add3A_619 : vector<16x1xf32>
    %mul3A_621 = vector.broadcast %rsqrt3A_620 : vector<16x1xf32> to vector<16x64xf32>
    %mul3A_622 = arith.mulf %sub3A_616, %mul3A_621 : vector<16x64xf32>
    %mul3A_623 = vector.broadcast %get3A_596 : vector<1x64xf32> to vector<16x64xf32>
    %mul3A_624 = arith.mulf %mul3A_622, %mul3A_623 : vector<16x64xf32>
    %add3A_625 = vector.broadcast %get3A_599 : vector<1x64xf32> to vector<16x64xf32>
    %add3A_626 = arith.addf %mul3A_624, %add3A_625 : vector<16x64xf32>
    %reduce_sum3A_627 = arith.constant dense<0.000000e+00> : vector<64xf32>
    %reduce_sum3A_628 = vector.multi_reduction <add>, %add3A_626, %reduce_sum3A_627 [0] : vector<16x64xf32> to vector<64xf32>
    %broadcast_in_dim3A_629 = vector.shape_cast %reduce_sum3A_628 : vector<64xf32> to vector<1x64xf32>
    %div3A_630 = arith.constant 1.600000e+01 : f32
    %div3A_631 = vector.broadcast %div3A_630 : f32 to vector<1x64xf32>
    %div3A_632 = arith.divf %broadcast_in_dim3A_629, %div3A_631 : vector<1x64xf32>
    %get3A_633 = arith.constant 0 : index
    %get3A_634 = arith.constant 0 : index
    %get3A_635 = vector.load %arg21[%get3A_633, %get3A_634] : memref<128x64xf32, #tpu.memory_space<vmem>>, vector<128x64xf32>
    %dot_general3A_636 = arith.constant dense<0.000000e+00> : vector<1x128xf32>
    %dot_general3A_637 = tpu.matmul %div3A_632, %get3A_635, %dot_general3A_636 {dimension_numbers = #tpu.dot_dimension_numbers<[1], [1], [0], [0], [0, 0, 1, 0], [], []>, transpose_lhs_hint = false} : vector<1x64xf32>, vector<128x64xf32>, vector<1x128xf32> -> vector<1x128xf32>
    %get3A_638 = arith.constant 0 : index
    %get3A_639 = arith.constant 0 : index
    %get3A_640 = vector.load %arg22[%get3A_638, %get3A_639] : memref<1x128xf32, #tpu.memory_space<vmem>>, vector<1x128xf32>
    %add3A_641 = arith.addf %dot_general3A_637, %get3A_640 : vector<1x128xf32>
    %mul3A_642 = arith.constant 5.000000e-01 : f32
    %mul3A_643 = vector.broadcast %mul3A_642 : f32 to vector<1x128xf32>
    %mul3A_644 = arith.mulf %add3A_641, %mul3A_643 : vector<1x128xf32>
    %mul3A_645 = arith.constant 0.707106769 : f32
    %mul3A_646 = vector.broadcast %mul3A_645 : f32 to vector<1x128xf32>
    %mul3A_647 = arith.mulf %add3A_641, %mul3A_646 : vector<1x128xf32>
    %erf3A_648 = math.erf %mul3A_647 : vector<1x128xf32>
    %add3A_649 = arith.constant 1.000000e+00 : f32
    %add3A_650 = vector.broadcast %add3A_649 : f32 to vector<1x128xf32>
    %add3A_651 = arith.addf %add3A_650, %erf3A_648 : vector<1x128xf32>
    %mul3A_652 = arith.mulf %mul3A_644, %add3A_651 : vector<1x128xf32>
    %get3A_653 = arith.constant 0 : index
    %get3A_654 = arith.constant 0 : index
    %get3A_655 = vector.load %arg23[%get3A_653, %get3A_654] : memref<128x128xf32, #tpu.memory_space<vmem>>, vector<128x128xf32>
    %dot_general3A_656 = arith.constant dense<0.000000e+00> : vector<1x128xf32>
    %dot_general3A_657 = tpu.matmul %mul3A_652, %get3A_655, %dot_general3A_656 {dimension_numbers = #tpu.dot_dimension_numbers<[1], [1], [0], [0], [0, 0, 1, 0], [], []>, transpose_lhs_hint = false} : vector<1x128xf32>, vector<128x128xf32>, vector<1x128xf32> -> vector<1x128xf32>
    %get3A_658 = arith.constant 0 : index
    %get3A_659 = arith.constant 0 : index
    %get3A_660 = vector.load %arg24[%get3A_658, %get3A_659] : memref<1x128xf32, #tpu.memory_space<vmem>>, vector<1x128xf32>
    %add3A_661 = arith.addf %dot_general3A_657, %get3A_660 : vector<1x128xf32>
    %swap3A_662 = arith.constant 1 : index
    %swap3A_663 = arith.constant 0 : index
    %swap3A_664 = vector.load %arg25[%swap3A_662, %swap3A_663] : memref<2x128xf32, #tpu.memory_space<vmem>>, vector<1x128xf32>
    tpu.vector_store %arg25[%swap3A_662, %swap3A_663], %add3A_661 {strides = array<i32>} : memref<2x128xf32, #tpu.memory_space<vmem>>, vector<1x128xf32>,
    return
  }
}

</mosaic_0001>

<sc_bundles>
// kernel: kernel.7.cloned.1.call-start
scs
__scs_entry_jumppad:
0x0: {  	(pc) =	sbr.rel $0x88, $3  }
0x1: {  	(tag) =	ssettag $0x0;
	lr =	simm.s32 $0x1  }
0x2: {  	[smem:$0x3F71] =	sst lr;
	_ =	strace $0xD0000000  }
0x3: {  	_ = 	snop  }
0x4: {  	_ = 	snop  }
0x5: {  	_ = 	snop  }
0x6: {  	_ = 	snop  }
0x7: {  	_ = 	snop  }
__scs_overlays_trampoline_lowered:
0x8: {  	[smem:$0x3F80] =	sst s0  }
0x9: {  	[smem:$0x3F81] =	sst s1  }
0xa: {  	[smem:$0x3F82] =	sst s2  }
0xb: {  	[smem:$0x3F83] =	sst s3  }
0xc: {  	[smem:$0x3F84] =	sst s4  }
0xd: {  	[smem:$0x3F85] =	sst s5  }
0xe: {  	[smem:$0x3F86] =	sst s6  }
0xf: {  	[smem:$0x3F87] =	sst s7  }
0x10: {  	[smem:$0x3F88] =	sst s8  }
0x11: {  	[smem:$0x3F89] =	sst s9;
	s0 =	simm.s32 @!p0 $0x0  }
0x12: {  	s1 =	sld [smem:$0x3F6F];
	s0 =	simm.s32 @p0 $0x1  }
0x13: {  	[smem:$0x3F8A] =	sst s0;
	s0 =	simm.s32 @!p1 $0x0  }
0x14: {  	s2 =	sld [smem:$0x3F6E];
	s0 =	simm.s32 @p1 $0x1  }
0x15: {  	[smem:$0x3F8B] =	sst s0;
	s0 =	simm.s32 @!p2 $0x0  }
0x16: {  	s3 =	sld [smem:$0x3FDB];
	s0 =	simm.s32 @p2 $0x1  }
0x17: {  	s4 =	simm.s32 $0x1BF5;
	[smem:$0x3F8D] =	sst s0  }
0x18: {  	s0 =	sld [smem:$0x3F70];
	_ =	swait.ge [sflag:s4], $0x0  }
0x19: {  	s7 =	sld [smem:$0x3F71]  }
0x1a: {  	s8 =	sadd.s32 $0xFFFFE003, lr  }
0x1b: {  	s9 =	sadd.s32 $0xFFFFFEF7, lr;
	s5 =	simm.s32 $0xFFFFFFFF;
	p2 =	slt.u32 s8, $0xFFFFF086  }
0x1c: {  	p1 =	slt.u32 s9, $0xF7A;
	s5 =	simm.s32 @!p2 $0x0  }
0x1d: {  	s5 =	simm.s32 @p1 $0x1;
	p0 =	seq.s32 s7, s2  }
0x1e: {  	s7 =	smul.u32 @!p0 $0xF7A, s2;
	p2 =	seq.s32 @!p0 s5, $0x0  }
0x1f: {  	s9 =	smul.u32 $0xF7A, s1;
	s8 =	simm.s32 @!p0 $0x1BF5;
	p2 =	por !p2, p0  }
0x20: {  	[sflag:s8] =	ssyncset.s32 @!p0 $0xFFFFF086;
	s6 =	sadd.s32 @!p0 s3, s7;
	s7 =	simm.s32 @!p0 $0x108  }
0x21: {  	s3 =	sadd.s32 s3, s9;
	s6 =	sadd.s32 @!p0 $0x88, s6;
	s7 =	simm.s32 @p2 $0x1082  }
0x22: {  	[simem:s7], [sflag:s8] =	dma.local @!p0 [hbm:s6], $0xF7A  }
0x23: {  	s9 =	sor.u32 $0xD0000000, s2;
	s6 =	simm.s32 $0x108;
	_ =	swait.ge @!p0 [sflag:s8], $0x0  }
0x24: {  	s3 =	sadd.s32 $0x88, s3;
	s6 =	simm.s32 @!p1 $0x1082;
	[sflag:s4] =	ssyncset.s32 $0xFFFFF086  }
0x25: {  	[simem:s6], [sflag:s4] =	dma.local [hbm:s3], $0xF7A  }
0x26: {  	[smem:$0x3F71] =	sst s1;
	(tag) =	ssettag s2;
	_ =	strace s9  }
0x27: {  	s1 =	sld [smem:$0x3F81]  }
0x28: {  	s2 =	sld [smem:$0x3F82]  }
0x29: {  	s4 =	sld [smem:$0x3F84]  }
0x2a: {  	p0 =	seq.s32 s5, $0x0;
	s5 =	sld [smem:$0x3F85]  }
0x2b: {  	s6 =	sld [smem:$0x3F86]  }
0x2c: {  	s7 =	sld [smem:$0x3F87]  }
0x2d: {  	s3 =	simm.s32 $0x108;
	s8 =	sld [smem:$0x3F88]  }
0x2e: {  	s3 =	simm.s32 @!p0 $0x1082;
	s9 =	sld [smem:$0x3F89]  }
0x2f: {  	lr =	sadd.s32 s0, s3;
	s0 =	sld [smem:$0x3F80]  }
0x30: {  	s3 =	sld [smem:$0x3F83]  }
0x31: {  	[smem:$0x3F8C] =	sst s10  }
0x32: {  	s10 =	sld [smem:$0x3F8A];
	_ =	sdelay $0x3  }
0x33: {  	p0 =	seq.s32 s10, $0x1;
	s10 =	sld [smem:$0x3F8C];
	_ =	sdelay $0x3  }
0x34: {  	[smem:$0x3F8C] =	sst s10  }
0x35: {  	s10 =	sld [smem:$0x3F8B];
	_ =	sdelay $0x3  }
0x36: {  	p1 =	seq.s32 s10, $0x1;
	s10 =	sld [smem:$0x3F8C];
	_ =	sdelay $0x3  }
0x37: {  	[smem:$0x3F8C] =	sst s10  }
0x38: {  	s10 =	sld [smem:$0x3F8D]  }
0x39: {  	_ = 	snop;
	(pc) =	sbr.ind lr, $3  }
0x3a: {  	_ = 	snop  }
0x3b: {  	_ = 	snop  }
0x3c: {  	p2 =	seq.s32 s10, $0x1;
	s10 =	sld [smem:$0x3F8C]  }
0x3d: {  	_ =	shalt  }
0x3e: {  	_ =	shalt  }
0x3f: {  	_ =	shalt  }
0x40: {  	_ =	shalt  }
0x41: {  	_ =	shalt  }
0x42: {  	_ =	shalt  }
0x43: {  	_ =	shalt  }
0x44: {  	_ =	shalt  }
0x45: {  	_ =	shalt  }
0x46: {  	_ =	shalt  }
0x47: {  	_ =	shalt  }
0x48: {  	_ =	shalt  }
0x49: {  	_ =	shalt  }
0x4a: {  	_ =	shalt  }
0x4b: {  	_ =	shalt  }
0x4c: {  	_ =	shalt  }
0x4d: {  	_ =	shalt  }
0x4e: {  	_ =	shalt  }
0x4f: {  	_ =	shalt  }
0x50: {  	_ =	shalt  }
0x51: {  	_ =	shalt  }
0x52: {  	_ =	shalt  }
0x53: {  	_ =	shalt  }
0x54: {  	_ =	shalt  }
0x55: {  	_ =	shalt  }
0x56: {  	_ =	shalt  }
0x57: {  	_ =	shalt  }
0x58: {  	_ =	shalt  }
0x59: {  	_ =	shalt  }
0x5a: {  	_ =	shalt  }
0x5b: {  	_ =	shalt  }
0x5c: {  	_ =	shalt  }
0x5d: {  	_ =	shalt  }
0x5e: {  	_ =	shalt  }
0x5f: {  	_ =	shalt  }
0x60: {  	_ =	shalt  }
0x61: {  	_ =	shalt  }
0x62: {  	_ =	shalt  }
0x63: {  	_ =	shalt  }
0x64: {  	_ =	shalt  }
0x65: {  	_ =	shalt  }
0x66: {  	_ =	shalt  }
0x67: {  	_ =	shalt  }
0x68: {  	_ =	shalt  }
0x69: {  	_ =	shalt  }
0x6a: {  	_ =	shalt  }
0x6b: {  	_ =	shalt  }
0x6c: {  	_ =	shalt  }
0x6d: {  	_ =	shalt  }
0x6e: {  	_ =	shalt  }
0x6f: {  	_ =	shalt  }
0x70: {  	_ =	shalt  }
0x71: {  	_ =	shalt  }
0x72: {  	_ =	shalt  }
0x73: {  	_ =	shalt  }
0x74: {  	_ =	shalt  }
0x75: {  	_ =	shalt  }
0x76: {  	_ =	shalt  }
0x77: {  	_ =	shalt  }
0x78: {  	_ =	shalt  }
0x79: {  	_ =	shalt  }
0x7a: {  	_ =	shalt  }
0x7b: {  	_ =	shalt  }
0x7c: {  	_ =	shalt  }
0x7d: {  	_ =	shalt  }
0x7e: {  	_ =	shalt  }
0x7f: {  	_ =	shalt  }
0x80: {  	_ =	shalt  }
0x81: {  	_ =	shalt  }
0x82: {  	_ =	shalt  }
0x83: {  	_ =	shalt  }
0x84: {  	_ =	shalt  }
0x85: {  	_ =	shalt  }
0x86: {  	_ =	shalt  }
0x87: {  	_ =	shalt  }
.Lfunc_end0:
.L_simem_size_0:
called_computation_lowered:
.L_overlay_start_0:
0x88: {  	s2 =	sld [smem:$0x3FD9]  }
0x89: {  	s3 =	sld [smem:$0x3FFE];
	_ =	sdelay $0x1  }
0x8a: {  	s1 =	srdreg.scid  }
0x8b: {  	s0 =	sand.u32 $0x1, s1  }
0x8c: {  	s16 =	sshll.u32 s0, $0xA;
	s2 =	sadd.s32 s3, s2  }
0x8d: {  	s2 =	sadd.s32 s2, s16  }
0x8e: {  	[smem:$0x3F98] =	sst s2  }
0x8f: {  	_ = 	snop  }
0x90: {  	(tm) =	ssettm $0x1  }
0x91: {  	s17 =	sld [smem:$0x3FFB];
	_ =	sdelay $0x3  }
0x92: {  	_ =	strace s17  }
0x93: {  	s2 =	sld [smem:$0x3FFC];
	_ =	sdelay $0x3  }
0x94: {  	_ =	strace s2  }
0x95: {  	s2 =	sld [smem:$0x3FFD];
	_ =	sdelay $0x3  }
0x96: {  	_ =	strace s2  }
0x97: {  	_ =	strace $0x8FFFFFFF  }
0x98: {  	s18 =	sld [smem:$0x3FDB];
	_ =	sdelay $0x1  }
0x99: {  	s19 =	simm.s32 $_scs_section_size  }
0x9a: {  	s4 =	simm.s32 $_size__tile_overlayer_lowered;
	s5 =	simm.s32 $_tile_overlayer_lowered  }
0x9b: {  	s22 =	simm.s32 $0x1BFF;
	s21 =	sshll.u32 s5, $0x1;
	s2 =	sadd.s32 s19, s18  }
0x9c: {  	s6 =	simm.s32 $0x0;
	s20 =	sshll.u32 s4, $0x1;
	s4 =	sadd.s32 s21, s2  }
0x9d: {  	[timem:s6], [sflag:s22] =	dma.local [hbm:s4], s20  }
0x9e: {  	_ =	swait.ge [sflag:s22], s20  }
0x9f: {  	s3 =	ssub.s32 $0x0, s20;
	[sflag:s22] =	ssyncset.done $0x0  }
0xa0: {  	[sflag:s22] =	ssyncadd.s32 s3;
	_ =	sdelay $0x1  }
0xa1: {  	s23 =	simm.s32 $0x1B8B  }
0xa2: {  	_ =	swait.ge [sflag:s23], $0x1  }
0xa3: {  	[sflag:s23] =	ssyncset.done $0x0  }
0xa4: {  	s25 =	simm.s32 $0x1B8E;
	s24 =	sld [smem:$0x3FFE];
	[sflag:s23] =	ssyncadd.s32 $0xFFFFFFFF  }
0xa5: {  	s26 =	simm.s32 $execute0_lowered;
	[smem:$0x3FD2] =	sst s25  }
0xa6: {  	s4 =	sshll.u32 s26, $0x1;
	_ =	strace $0x80000046;
	[dreg:$0x1] =	wrdreg $0xFFFFFFFF  }
0xa7: {  	s28 =	simm.s32 $_size_execute0_lowered;
	s2 =	sadd.s32 s2, s4;
	[dreg:$0x0] =	wrdreg $0x0  }
0xa8: {  	s4 =	sshll.u32 s28, $0x1;
	[dreg:$0x2] =	wrdreg s2  }
0xa9: {  	[dreg:$0x3] =	wrdreg s4  }
0xaa: {  	[dreg:$0x4] =	wrdreg $0xC0  }
0xab: {  	_ =	task [dreg:s6], $0x5FFFF  }
0xac: {  	[dreg:$0x1] =	wrdreg $0xFFFFFFFF  }
0xad: {  	[dreg:$0x0] =	wrdreg $0x60  }
0xae: {  	[dreg:$0x2] =	wrdreg s24  }
0xaf: {  	[dreg:$0x3] =	wrdreg $0x43000  }
0xb0: {  	[dreg:$0x4] =	wrdreg $0x1CB400  }
0xb1: {  	[dreg:$0x5] =	wrdreg $0x9  }
0xb2: {  	_ =	task.clear_ibuf [dreg:s6], $0x6FFFF;
	_ =	strace $0x90000046  }
0xb3: {  	s29 =	simm.s32 $0x9;
	_ =	strace $0x80000048  }
0xb4: {  	_ =	swait.ge [sflag:s29], $0x1  }
0xb5: {  	[sflag:s29] =	ssyncadd.s32 $0xFFFFFFFF  }
0xb6: {  	_ =	strace $0x90000048  }
0xb7: {  	_ =	sfence  }
0xb8: {  	s30 =	sld [smem:$0x0];
	_ =	sdelay $0x2  }
0xb9: {  	s31 =	sshll.u32 s1, $0xD;
	s1 =	sshrl.u32 s1, $0x2  }
0xba: {  	s3 =	sand.u32 $0x4000, s31;
	s1 =	sadd.s32 s1, s30  }
0xbb: {  	s0 =	sor.u32 s3, s0;
	s1 =	sshll.u32 s1, $0x11  }
0xbc: {  	s0 =	sor.u32 s1, s0  }
0xbd: {  	s0 =	sadd.s32 $0x8F2B, s0  }
0xbe: {  	[sflag:s0] =	ssyncadd.remote.s32 $0x1  }
0xbf: {  	_ =	sfence.sel $0xFFFF  }
0xc0: {  	[dreg:$0x0] =	wrdreg $0xFFFFFFFF;
	(pc) =	sbr.abs _section_cstart, $3  }
0xc1: {  	[dreg:$0x1] =	wrdreg $0xFFFFFFFF  }
0xc2: {  	_ =	task.clear_ibuf [dreg:s6], $0x2FFFF;
	_ =	strace $0x9FFFFFFF  }
0xc3: {  	(tm) =	ssettm $0x7FFFFFFF  }
tec
execute0_lowered:
.L_overlay_start_1:
0x0: {  	(tag) =	ssettag $0x1  }
0x1: {  	s0 =	rddreg [dreg:$0x0]  }
0x2: {  	s1 =	rddreg [dreg:$0x1]  }
0x3: {  	s2 =	rddreg [dreg:$0x2]  }
0x4: {  	s3 =	simm.s32 $0x0;
	s20 =	srdreg.scid;
	s4 =	sadd.s32 $0x18F600, s0  }
0x5: {  	s17 =	stileid.u32;
	s5 =	sadd.s32 $0x7C8200, s0;
	s6 =	sadd.s32 $0x7BBE00, s0  }
0x6: {  	[smem:$0x7FF] =	sst s3;
	s7 =	sadd.s32 $0x7AFA00, s0;
	s8 =	smul.u32 $0x62000, s17  }
0x7: {  	s9 =	sadd.s32 $0x6E00, s0;
	s3 =	sand.u32 $0x1, s20;
	s14 =	smul.u32 $0x310, s17  }
0x8: {  	s11 =	sadd.s32 $0xA800, s0;
	s0 =	sadd.s32 $0x7600, s0;
	s21 =	smul.u32 $0xC00, s17  }
0x9: {  	s28 =	smul.u32 $0x3000, s17;
	p0 =	sne.s32 s17, $0x0;
	s30 =	sadd.s32 $0x188000, s1  }
0xa: {  	s31 =	sadd.s32 $0xC000, s2;
	s12 =	smul.u32 $0x6200, s3;
	s13 =	ssub.s32 $0x2, s3  }
0xb: {  	s3 =	smul.u32 $0xC400, s3;
	s8 =	sshrl.u32 s8, $0x2;
	s15 =	sshrl.u32 s13, $0x1  }
0xc: {  	_ =	strace $0x80000047;
	s10 =	sadd.s32 s8, s1;
	s8 =	ssub.s32 s13, s15  }
0xd: {  	s13 =	sadd.s32 s21, s3;
	s16 =	sadd.s32 s14, s12;
	s22 =	sadd.s32 $0x4000, s10  }
0xe: {  	s3 =	sshrl.u32 s3, $0x3;
	s23 =	sadd.s32 $0x6000, s10;
	[dreg:$0x4] =	wrdreg s22  }
0xf: {  	s15 =	sshrl.u32 s28, $0x2;
	s24 =	sadd.s32 $0x8000, s10;
	[dreg:$0x5] =	wrdreg s23  }
0x10: {  	s26 =	sadd.s32 $0x2000, s10;
	s25 =	sadd.s32 $0xA000, s10;
	[dreg:$0x6] =	wrdreg s24  }
0x11: {  	s13 =	sshrl.u32 s13, $0x3;
	s18 =	sadd.s32 $0xC000, s10;
	[dreg:$0x7] =	wrdreg s25  }
0x12: {  	s19 =	sshll.u32 s16, $0x4;
	s21 =	sadd.s32 $0xE000, s10;
	[dreg:$0x9] =	wrdreg s18  }
0x13: {  	s28 =	sadd.s32 $0x16000, s10;
	s29 =	sadd.s32 $0x18000, s10;
	[dreg:$0xc] =	wrdreg s21  }
0x14: {  	s16 =	simm.s32 $0x40;
	s13 =	sadd.s32 s0, s13;
	[dreg:$0x12] =	wrdreg s28  }
0x15: {  	s0 =	sadd.s32 s0, s3;
	s3 =	sadd.s32 s11, s19;
	[dreg:$0x8] =	wrdreg s13  }
0x16: {  	s21 =	sadd.s32 s15, s2;
	s22 =	smax.u32 s8, $0x1;
	[dreg:$0xa] =	wrdreg s3  }
0x17: {  	s23 =	sadd.s32 $0x10000, s10;
	s24 =	sadd.s32 $0x12000, s10;
	[dreg:$0xe] =	wrdreg s22  }
0x18: {  	s25 =	sadd.s32 $0x14000, s10;
	s8 =	simm.s32 $0x2300;
	[dreg:$0xf] =	wrdreg s23  }
0x19: {  	s18 =	simm.s32 $0x80;
	s19 =	simm.s32 $0x300;
	[dreg:$0x10] =	wrdreg s24  }
0x1a: {  	s13 =	sadd.s32 $0x3100, s12;
	s0 =	sadd.s32 $0x1800, s0;
	[dreg:$0x11] =	wrdreg s25  }
0x1b: {  	s22 =	simm.s32 $0x1;
	s23 =	simm.s32 $0x100;
	s14 =	sadd.s32 s14, s13  }
0x1c: {  	v0 =	vmov s12;
	s12 =	simm.s32 $0x180;
	[dreg:$0xd] =	wrdreg s0;
	s20 =	sshll.u32 s14, $0x4  }
0x1d: {  	s0 =	smul.u32 $0x6200, s17;
	v1 =	vmov s13;
	s13 =	simm.s32 $0x0;
	s3 =	sadd.s32 s11, s20  }
0x1e: {  	v2 =	vimm.f32 $0.0e+00;
	s11 =	simm.s32 $0x200;
	[dreg:$0xb] =	wrdreg s3;
	s3 =	simm.s32 $0x2  }
.LBB2_1:
0x1f: {  	s15 =	simm.s32 $0x0  }
0x20: {  	s14 =	sand.u32 $0x7E00, s15  }
0x21: {  	[bflag:$0x0] =	sbarrier.arrive $0xFFFF;
	s15 =	sand.u32 $0x70, s15;
	s17 =	sshrl.u32 s14, $0x2  }
0x22: {  	s14 =	simm.s32 $0x40;
	s17 =	sor.u32 s15, s17;
	s15 =	simm.s32 $0x0  }
.LBB2_2:
0x23: {  	p1 =	sne.s32 s14, $0x7FC0  }
0x24: {  	[tilespmem:s17+$0x2300] =	vst v2;
	s15 =	sadd.s32 $0x10, s15;
	s17 =	smov.u32 s14;
	s14 =	sadd.s32 $0x40, s14  }
.Ltmp0:
0x25: {  	(pc) =	sbr.rel @p1 .LBB2_2-.Ltmp0, $4  }
0x26: {  	_ = 	snop  }
0x27: {  	s17 =	sand.u32 $0x7E00, s17  }
0x28: {  	s20 =	sand.u32 $0x70, s15;
	s17 =	sshrl.u32 s17, $0x2  }
0x29: {  	s17 =	sor.u32 s20, s17  }
0x2a: {  	[tilespmem:s17+$0x2300] =	vst v2  }
0x2b: {  	[spmem:s10] =	stream.linear.scatter [tilespmem:s8], [sflag:$0x2], $0x2000, $0x38;
	[tilespmem:$0x1D7C0] =	vst v63  }
0x2c: {  	_ =	swait.ge [sflag:s3], $0x2000  }
0x2d: {  	[sflag:s3] =	ssyncset.done $0x0  }
0x2e: {  	[sflag:s3] =	ssyncadd.s32 $0xFFFFE000  }
0x2f: {  	[spmem:s26] =	stream.linear.scatter [tilespmem:s8], [sflag:$0x2], $0x2000, $0x38;
	[tilespmem:$0x1D7C0] =	vst v63  }
0x30: {  	_ =	swait.ge [sflag:s3], $0x2000  }
0x31: {  	[sflag:s3] =	ssyncset.done $0x0  }
0x32: {  	s14 =	rddreg [dreg:$0x4];
	[sflag:s3] =	ssyncadd.s32 $0xFFFFE000  }
0x33: {  	[spmem:s14] =	stream.linear.scatter [tilespmem:s8], [sflag:$0x2], $0x2000, $0x38;
	[tilespmem:$0x1D7C0] =	vst v63  }
0x34: {  	_ =	swait.ge [sflag:s3], $0x2000  }
0x35: {  	[sflag:s3] =	ssyncset.done $0x0  }
0x36: {  	s24 =	rddreg [dreg:$0x5];
	[sflag:s3] =	ssyncadd.s32 $0xFFFFE000  }
0x37: {  	[spmem:s24] =	stream.linear.scatter [tilespmem:s8], [sflag:$0x2], $0x2000, $0x38;
	[tilespmem:$0x1D7C0] =	vst v63  }
0x38: {  	_ =	swait.ge [sflag:s3], $0x2000  }
0x39: {  	[sflag:s3] =	ssyncset.done $0x0  }
0x3a: {  	s25 =	rddreg [dreg:$0x6];
	[sflag:s3] =	ssyncadd.s32 $0xFFFFE000  }
0x3b: {  	[spmem:s25] =	stream.linear.scatter [tilespmem:s8], [sflag:$0x2], $0x2000, $0x38;
	[tilespmem:$0x1D7C0] =	vst v63  }
0x3c: {  	_ =	swait.ge [sflag:s3], $0x2000  }
0x3d: {  	[sflag:s3] =	ssyncset.done $0x0  }
0x3e: {  	s28 =	rddreg [dreg:$0x7];
	[sflag:s3] =	ssyncadd.s32 $0xFFFFE000  }
0x3f: {  	[spmem:s28] =	stream.linear.scatter [tilespmem:s8], [sflag:$0x2], $0x2000, $0x38;
	[tilespmem:$0x1D7C0] =	vst v63  }
0x40: {  	_ =	swait.ge [sflag:s3], $0x2000  }
0x41: {  	[sflag:s3] =	ssyncset.done $0x0  }
0x42: {  	s15 =	rddreg [dreg:$0x9];
	[sflag:s3] =	ssyncadd.s32 $0xFFFFE000  }
0x43: {  	[spmem:s15] =	stream.linear.scatter [tilespmem:s8], [sflag:$0x2], $0x2000, $0x38;
	[tilespmem:$0x1D7C0] =	vst v63  }
0x44: {  	_ =	swait.ge [sflag:s3], $0x2000  }
0x45: {  	[sflag:s3] =	ssyncset.done $0x0  }
0x46: {  	s17 =	rddreg [dreg:$0xc];
	[sflag:s3] =	ssyncadd.s32 $0xFFFFE000  }
0x47: {  	[spmem:s17] =	stream.linear.scatter [tilespmem:s8], [sflag:$0x2], $0x2000, $0x38;
	[tilespmem:$0x1D7C0] =	vst v63  }
0x48: {  	_ =	swait.ge [sflag:s3], $0x2000  }
0x49: {  	[sflag:s3] =	ssyncset.done $0x0  }
0x4a: {  	s20 =	rddreg [dreg:$0xf];
	[sflag:s3] =	ssyncadd.s32 $0xFFFFE000  }
0x4b: {  	[spmem:s20] =	stream.linear.scatter [tilespmem:s8], [sflag:$0x2], $0x2000, $0x38;
	[tilespmem:$0x1D7C0] =	vst v63  }
0x4c: {  	_ =	swait.ge [sflag:s3], $0x2000  }
0x4d: {  	[sflag:s3] =	ssyncset.done $0x0  }
0x4e: {  	s24 =	rddreg [dreg:$0x10];
	[sflag:s3] =	ssyncadd.s32 $0xFFFFE000  }
0x4f: {  	[spmem:s24] =	stream.linear.scatter [tilespmem:s8], [sflag:$0x2], $0x2000, $0x38;
	[tilespmem:$0x1D7C0] =	vst v63  }
0x50: {  	_ =	swait.ge [sflag:s3], $0x2000  }
0x51: {  	[sflag:s3] =	ssyncset.done $0x0  }
0x52: {  	s25 =	rddreg [dreg:$0x11];
	[sflag:s3] =	ssyncadd.s32 $0xFFFFE000  }
0x53: {  	[spmem:s25] =	stream.linear.scatter [tilespmem:s8], [sflag:$0x2], $0x2000, $0x38;
	[tilespmem:$0x1D7C0] =	vst v63  }
0x54: {  	_ =	swait.ge [sflag:s3], $0x2000  }
0x55: {  	[sflag:s3] =	ssyncset.done $0x0  }
0x56: {  	s28 =	rddreg [dreg:$0x12];
	[sflag:s3] =	ssyncadd.s32 $0xFFFFE000  }
0x57: {  	[spmem:s28] =	stream.linear.scatter [tilespmem:s8], [sflag:$0x2], $0x2000, $0x38;
	[tilespmem:$0x1D7C0] =	vst v63  }
0x58: {  	_ =	swait.ge [sflag:s3], $0x2000  }
0x59: {  	[sflag:s3] =	ssyncset.done $0x0  }
0x5a: {  	[sflag:s3] =	ssyncadd.s32 $0xFFFFE000  }
0x5b: {  	[spmem:s29] =	stream.linear.scatter [tilespmem:s8], [sflag:$0x2], $0x800, $0x38;
	[tilespmem:$0x1D7C0] =	vst v63  }
0x5c: {  	_ =	swait.ge [sflag:s3], $0x800  }
0x5d: {  	[sflag:s3] =	ssyncset.done $0x0  }
0x5e: {  	s14 =	simm.s32 @p0 $0x2300;
	[sflag:s3] =	ssyncadd.s32 $0xFFFFF800  }
0x5f: {  	[spmem:s21] =	stream.linear.scatter @p0 [tilespmem:s14], [sflag:$0x2], $0xC00, $0x38;
	[tilespmem:$0x1D7C0] =	vst v63  }
0x60: {  	s14 =	simm.s32 @p0 $0x2  }
0x61: {  	_ =	swait.ge @p0 [sflag:s14], $0xC00  }
0x62: {  	[sflag:s14] =	ssyncset.done @p0 $0x0  }
0x63: {  	s15 =	simm.s32 @!p0 $0x2;
	[sflag:s14] =	ssyncadd.s32 @p0 $0xFFFFF400;
	s14 =	simm.s32 @!p0 $0x2300  }
0x64: {  	[spmem:s30] =	stream.linear.scatter @!p0 [tilespmem:s14], [sflag:$0x2], $0x400, $0x38;
	[tilespmem:$0x1D7C0] =	vst v63  }
0x65: {  	_ =	swait.ge @!p0 [sflag:s15], $0x400  }
0x66: {  	[sflag:s15] =	ssyncset.done @!p0 $0x0  }
0x67: {  	[sflag:s15] =	ssyncadd.s32 @!p0 $0xFFFFFC00  }
0x68: {  	[spmem:s21] =	stream.linear.scatter @!p0 [tilespmem:s14], [sflag:$0x2], $0xC00, $0x38;
	[tilespmem:$0x1D7C0] =	vst v63  }
0x69: {  	_ =	swait.ge @!p0 [sflag:s15], $0xC00  }
0x6a: {  	[sflag:s15] =	ssyncset.done @!p0 $0x0  }
0x6b: {  	[sflag:s15] =	ssyncadd.s32 @!p0 $0xFFFFF400  }
0x6c: {  	[spmem:s31] =	stream.linear.scatter @!p0 [tilespmem:s14], [sflag:$0x2], $0x400, $0x38;
	[tilespmem:$0x1D7C0] =	vst v63  }
0x6d: {  	_ =	swait.ge @!p0 [sflag:s15], $0x400  }
0x6e: {  	[sflag:s15] =	ssyncset.done @!p0 $0x0  }
0x6f: {  	[sflag:s15] =	ssyncadd.s32 @!p0 $0xFFFFFC00  }
0x70: {  	s14 =	simm.s32 $0x0;
	s15 =	simm.s32 $0x0;
	[bflag:$0x0] =	sbarrier.arrive $0xFFFF  }
.LBB2_4:
0x71: {  	s17 =	sshll.u32 s15, $0x6  }
0x72: {  	s17 =	sadd.s32 s0, s17  }
0x73: {  	s20 =	sshrl.u32 s17, $0x3  }
0x74: {  	s24 =	sadd.s32 s6, s20  }
0x75: {  	[tilespmem:s14], [sflag:$0x2] =	stream.linear.gather [hbm4b:s24+s14], $0x40, $0x38;
	[tilespmem:$0x1D7C0] =	vst v63  }
0x76: {  	_ =	swait.ge [sflag:s3], $0x40  }
0x77: {  	[sflag:s3] =	ssyncset.done $0x0  }
0x78: {  	[sflag:s3] =	ssyncadd.s32 $0xFFFFFFC0  }
0x79: {  	[tilespmem:s8], [sflag:$0x1] =	stream.indirect.gather [hbm4b:s4+s16], $0x80, s14, s16, $0xb8;
	[tilespmem:$0x1D7C0] =	vst v63  }
0x7a: {  	s20 =	sadd.s32 s7, s20  }
0x7b: {  	[tilespmem:s18], [sflag:$0x2] =	stream.linear.gather [hbm4b:s20+s14], $0x40, $0x38;
	[tilespmem:$0x1D7C0] =	vst v63  }
0x7c: {  	_ =	swait.ge [sflag:s3], $0x40  }
0x7d: {  	s17 =	sshll.u32 s17, $0x4;
	[sflag:s3] =	ssyncset.done $0x0  }
0x7e: {  	s17 =	sadd.s32 s5, s17;
	[sflag:s3] =	ssyncadd.s32 $0xFFFFFFC0  }
0x7f: {  	[tilespmem:s19], [sflag:$0x2] =	stream.linear.gather [hbm4b:s17+s14], $0x2000, $0x38;
	[tilespmem:$0x1D7C0] =	vst v63  }
0x80: {  	_ =	swait.ge [sflag:s3], $0x2000  }
0x81: {  	[sflag:s3] =	ssyncset.done $0x0  }
0x82: {  	[sflag:s3] =	ssyncadd.s32 $0xFFFFE000  }
0x83: {  	v3 =	vld [tilespmem:$0x80]  }
0x84: {  	v4 =	vld [tilespmem:$0x90]  }
0x85: {  	v5 =	vld [tilespmem:$0xA0]  }
0x86: {  	v6 =	vld [tilespmem:$0xB0];
	_ =	sdelay $0x1  }
0x87: {  	v7 =	vld [tilespmem:$0x80];
	v3 =	vsub.s32 v3, v0  }
0x88: {  	v8 =	vld [tilespmem:$0x90];
	v4 =	vsub.s32 v4, v0;
	v3 =	vmin.u32 v3, $0x3100  }
0x89: {  	[tilespmem:$0x100] =	vst v3;
	v3 =	vmin.u32 v4, $0x3100;
	v4 =	vsub.s32 v5, v0;
	v5 =	vld [tilespmem:$0xA0]  }
0x8a: {  	[tilespmem:$0x110] =	vst v3;
	v3 =	vmin.u32 v4, $0x3100;
	v4 =	vsub.s32 v6, v0;
	v6 =	vld [tilespmem:$0xB0]  }
0x8b: {  	[tilespmem:$0x120] =	vst v3;
	v3 =	vmin.u32 v4, $0x3100;
	v4 =	vld [tilespmem:$0x80]  }
0x8c: {  	[tilespmem:$0x130] =	vst v3;
	v3 =	vshra.s32 v7, $0x7;
	v7 =	vld [tilespmem:$0x90]  }
0x8d: {  	[tilespmem:$0x180] =	vst v3;
	v3 =	vshra.s32 v8, $0x7;
	v8 =	vld [tilespmem:$0xA0]  }
0x8e: {  	[tilespmem:$0x190] =	vst v3;
	v3 =	vshra.s32 v5, $0x7;
	v5 =	vld [tilespmem:$0xB0]  }
0x8f: {  	[tilespmem:$0x1A0] =	vst v3;
	v3 =	vshra.s32 v6, $0x7  }
0x90: {  	[tilespmem:$0x1B0] =	vst v3;
	v3 =	vand.u32 $0x7F, v4  }
0x91: {  	[tilespmem:$0x200] =	vst v3;
	v3 =	vand.u32 $0x7F, v7  }
0x92: {  	[tilespmem:$0x210] =	vst v3;
	v3 =	vand.u32 $0x7F, v8  }
0x93: {  	[tilespmem:$0x220] =	vst v3;
	v3 =	vand.u32 $0x7F, v5  }
0x94: {  	[tilespmem:$0x230] =	vst v3  }
0x95: {  	_ =	swait.ge [sflag:s22], $0x2000  }
0x96: {  	[sflag:s22] =	ssyncset.done $0x0  }
0x97: {  	s17 =	simm.s32 $0x0;
	[sflag:s22] =	ssyncadd.s32 $0xFFFFE000  }
0x98: {  	v6 =	vld [tilespmem:s17+$0x300]  }
0x99: {  	v5 =	vld [tilespmem:s17+$0x310]  }
0x9a: {  	v4 =	vld [tilespmem:s17+$0x320]  }
0x9b: {  	v3 =	vld [tilespmem:s17+$0x330]  }
0x9c: {  	v8 =	vld [tilespmem:s17+$0x2300]  }
0x9d: {  	v12 =	vld [tilespmem:s17+$0x2310]  }
0x9e: {  	v11 =	vld [tilespmem:s17+$0x2320]  }
0x9f: {  	v10 =	vld [tilespmem:s17+$0x2330]  }
0xa0: {  	v9 =	vld [tilespmem:s17+$0x2340]  }
0xa1: {  	v7 =	vld [tilespmem:s17+$0x2350];
	v13 =	vmul.f32 v8, v6  }
0xa2: {  	s20 =	simm.s32 $0x200;
	v12 =	vmul.f32 v12, v5;
	v8 =	vld [tilespmem:s17+$0x2360]  }
.LBB2_5:
0xa3: {  	s24 =	sshra.s32 s20, $0x2;
	p1 =	sne.s32 s20, $0x7E00;
	[tilespmem:s17+$0x2300] =	vst v13;
	v11 =	vmul.f32 v11, v4;
	v13 =	vld [tilespmem:s17+$0x2370]  }
0xa4: {  	v14 =	vld [tilespmem:s24+$0x300];
	[tilespmem:s17+$0x2310] =	vst v12;
	v10 =	vmul.f32 v10, v3  }
0xa5: {  	v12 =	vld [tilespmem:s24+$0x310];
	[tilespmem:s17+$0x2320] =	vst v11;
	v6 =	vmul.f32 v9, v6  }
0xa6: {  	v9 =	vld [tilespmem:s24+$0x320];
	[tilespmem:s17+$0x2330] =	vst v10;
	v5 =	vmul.f32 v7, v5  }
0xa7: {  	v7 =	vld [tilespmem:s24+$0x330];
	[tilespmem:s17+$0x2340] =	vst v6;
	v4 =	vmul.f32 v8, v4  }
0xa8: {  	v8 =	vld [tilespmem:s24+$0x2300];
	[tilespmem:s17+$0x2350] =	vst v5;
	v3 =	vmul.f32 v13, v3  }
0xa9: {  	v15 =	vld [tilespmem:s24+$0x2310];
	[tilespmem:s17+$0x2360] =	vst v4;
	v6 =	vmov v14  }
.Ltmp1:
0xaa: {  	v11 =	vld [tilespmem:s24+$0x2320];
	[tilespmem:s17+$0x2370] =	vst v3;
	v5 =	vmov v12;
	s17 =	smov.u32 s24;
	(pc) =	sbr.rel @p1 .LBB2_5-.Ltmp1, $4  }
0xab: {  	v10 =	vld [tilespmem:s17+$0x2330];
	v4 =	vmov v9  }
0xac: {  	v9 =	vld [tilespmem:s17+$0x2340];
	v3 =	vmov v7  }
0xad: {  	v13 =	vmul.f32 v8, v6;
	v7 =	vld [tilespmem:s17+$0x2350]  }
0xae: {  	s20 =	sadd.s32 $0x200, s20;
	v12 =	vmul.f32 v15, v5;
	v8 =	vld [tilespmem:s17+$0x2360]  }
0xaf: {  	[tilespmem:s17+$0x2300] =	vst v13;
	v11 =	vmul.f32 v11, v4;
	v62 =	vld [tilespmem:s17+$0x2370]  }
0xb0: {  	[tilespmem:s17+$0x2310] =	vst v12;
	v10 =	vmul.f32 v10, v3  }
0xb1: {  	[tilespmem:s17+$0x2320] =	vst v11;
	v6 =	vmul.f32 v9, v6  }
0xb2: {  	[tilespmem:s17+$0x2330] =	vst v10;
	v5 =	vmul.f32 v7, v5  }
0xb3: {  	[tilespmem:s17+$0x2340] =	vst v6;
	v63 =	vmul.f32 v8, v4  }
0xb4: {  	[tilespmem:s17+$0x2350] =	vst v5;
	v3 =	vmul.f32 v62, v3  }
0xb5: {  	[tilespmem:s17+$0x2360] =	vst v63  }
0xb6: {  	[tilespmem:s17+$0x2370] =	vst v3  }
0xb7: {  	[spmem:s1] =	stream.indirect.scatter.add.f32 [tilespmem:s8], [sflag:$0x2], $0x80, s23, s16, $0xb8;
	[tilespmem:$0x1D7C0] =	vst v63  }
0xb8: {  	_ =	swait.ge [sflag:s3], $0x2000  }
0xb9: {  	[sflag:s3] =	ssyncset.done $0x0  }
0xba: {  	[sflag:s3] =	ssyncadd.s32 $0xFFFFE000  }
0xbb: {  	[tilespmem:s8], [sflag:$0x1] =	stream.indirect.gather [hbm4b:s9+s16], $0x80, s11, s16, $0xb8;
	[tilespmem:$0x1D7C0] =	vst v63  }
0xbc: {  	s15 =	sadd.s32 $0x1, s15;
	_ =	swait.ge [sflag:s22], $0x2000  }
0xbd: {  	p1 =	sne.s32 s15, $0x188;
	[sflag:s22] =	ssyncset.done $0x0  }
.Ltmp2:
0xbe: {  	[sflag:s22] =	ssyncadd.s32 $0xFFFFE000;
	(pc) =	sbr.rel @p1 .LBB2_4-.Ltmp2, $4  }
0xbf: {  	[spmem:s2] =	stream.indirect.scatter.add.f32 [tilespmem:s8], [sflag:$0x2], $0x80, s12, s16, $0xb8;
	[tilespmem:$0x1D7C0] =	vst v63  }
0xc0: {  	_ =	swait.ge [sflag:s3], $0x2000  }
0xc1: {  	[sflag:s3] =	ssyncset.done $0x0  }
0xc2: {  	[sflag:s3] =	ssyncadd.s32 $0xFFFFE000  }
0xc3: {  	s14 =	stileid.u32  }
0xc4: {  	[bflag:$0x0] =	sbarrier.arrive $0xFFFF;
	s14 =	sshll.u32 s14, $0x6  }
0xc5: {  	s15 =	sshrl.u32 s10, $0x3;
	s17 =	rddreg [dreg:$0xa];
	s14 =	sor.u32 $0x1C02, s14  }
0xc6: {  	[hbm:s17], [sflag:s14] =	dma.local [spmem:s15], $0x3100  }
0xc7: {  	_ =	swait.ge [sflag:s3], $0x3100  }
0xc8: {  	[sflag:s3] =	ssyncset.done $0x0  }
0xc9: {  	s28 =	sshrl.u32 s21, $0x3;
	s20 =	rddreg [dreg:$0x8];
	[sflag:s3] =	ssyncadd.s32 $0xFFFFCF00  }
0xca: {  	[hbm:s20], [sflag:s14] =	dma.local [spmem:s28], $0x180  }
0xcb: {  	_ =	swait.ge [sflag:s3], $0x180  }
0xcc: {  	[sflag:s3] =	ssyncset.done $0x0  }
0xcd: {  	s17 =	sshrl.u32 @!p0 s31, $0x3;
	s20 =	rddreg [dreg:$0xd];
	[sflag:s3] =	ssyncadd.s32 $0xFFFFFE80  }
0xce: {  	[hbm:s20], [sflag:s14] =	dma.local @!p0 [spmem:s17], $0x80  }
0xcf: {  	s20 =	simm.s32 @!p0 $0x2  }
0xd0: {  	s17 =	simm.s32 $0x0;
	_ =	swait.ge @!p0 [sflag:s20], $0x80  }
0xd1: {  	s24 =	sand.u32 $0x7E00, s17;
	[sflag:s20] =	ssyncset.done @!p0 $0x0  }
0xd2: {  	s25 =	sand.u32 $0x70, s17;
	s24 =	sshrl.u32 s24, $0x2;
	[sflag:s20] =	ssyncadd.s32 @!p0 $0xFFFFFF80  }
0xd3: {  	s20 =	simm.s32 $0x40;
	s24 =	sor.u32 s25, s24;
	[bflag:$0x0] =	sbarrier.arrive $0xFFFF  }
.LBB2_8:
0xd4: {  	p1 =	sne.s32 s20, $0x7FC0  }
0xd5: {  	[tilespmem:s24+$0x2300] =	vst v2;
	s17 =	sadd.s32 $0x10, s17;
	s24 =	smov.u32 s20;
	s20 =	sadd.s32 $0x40, s20  }
.Ltmp3:
0xd6: {  	(pc) =	sbr.rel @p1 .LBB2_8-.Ltmp3, $4  }
0xd7: {  	_ = 	snop  }
0xd8: {  	s24 =	sand.u32 $0x7E00, s24  }
0xd9: {  	s25 =	sand.u32 $0x70, s17;
	s24 =	sshrl.u32 s24, $0x2  }
0xda: {  	s24 =	sor.u32 s25, s24  }
0xdb: {  	[tilespmem:s24+$0x2300] =	vst v2  }
0xdc: {  	[spmem:s10] =	stream.linear.scatter [tilespmem:s8], [sflag:$0x2], $0x2000, $0x38;
	[tilespmem:$0x1D7C0] =	vst v63  }
0xdd: {  	_ =	swait.ge [sflag:s3], $0x2000  }
0xde: {  	[sflag:s3] =	ssyncset.done $0x0  }
0xdf: {  	[sflag:s3] =	ssyncadd.s32 $0xFFFFE000  }
0xe0: {  	[spmem:s26] =	stream.linear.scatter [tilespmem:s8], [sflag:$0x2], $0x2000, $0x38;
	[tilespmem:$0x1D7C0] =	vst v63  }
0xe1: {  	_ =	swait.ge [sflag:s3], $0x2000  }
0xe2: {  	[sflag:s3] =	ssyncset.done $0x0  }
0xe3: {  	s17 =	rddreg [dreg:$0x4];
	[sflag:s3] =	ssyncadd.s32 $0xFFFFE000  }
0xe4: {  	[spmem:s17] =	stream.linear.scatter [tilespmem:s8], [sflag:$0x2], $0x2000, $0x38;
	[tilespmem:$0x1D7C0] =	vst v63  }
0xe5: {  	_ =	swait.ge [sflag:s3], $0x2000  }
0xe6: {  	[sflag:s3] =	ssyncset.done $0x0  }
0xe7: {  	s28 =	smov.u32 s26;
	s26 =	rddreg [dreg:$0x5];
	[sflag:s3] =	ssyncadd.s32 $0xFFFFE000  }
0xe8: {  	[spmem:s26] =	stream.linear.scatter [tilespmem:s8], [sflag:$0x2], $0x2000, $0x38;
	[tilespmem:$0x1D7C0] =	vst v63  }
0xe9: {  	_ =	swait.ge [sflag:s3], $0x2000  }
0xea: {  	[sflag:s3] =	ssyncset.done $0x0  }
0xeb: {  	s20 =	rddreg [dreg:$0x6];
	[sflag:s3] =	ssyncadd.s32 $0xFFFFE000  }
0xec: {  	[spmem:s20] =	stream.linear.scatter [tilespmem:s8], [sflag:$0x2], $0x2000, $0x38;
	[tilespmem:$0x1D7C0] =	vst v63  }
0xed: {  	_ =	swait.ge [sflag:s3], $0x2000  }
0xee: {  	[sflag:s3] =	ssyncset.done $0x0  }
0xef: {  	s24 =	rddreg [dreg:$0x7];
	[sflag:s3] =	ssyncadd.s32 $0xFFFFE000  }
0xf0: {  	[spmem:s24] =	stream.linear.scatter [tilespmem:s8], [sflag:$0x2], $0x2000, $0x38;
	[tilespmem:$0x1D7C0] =	vst v63  }
0xf1: {  	_ =	swait.ge [sflag:s3], $0x2000  }
0xf2: {  	[sflag:s3] =	ssyncset.done $0x0  }
0xf3: {  	s25 =	rddreg [dreg:$0x9];
	[sflag:s3] =	ssyncadd.s32 $0xFFFFE000  }
0xf4: {  	[spmem:s25] =	stream.linear.scatter [tilespmem:s8], [sflag:$0x2], $0x2000, $0x38;
	[tilespmem:$0x1D7C0] =	vst v63  }
0xf5: {  	_ =	swait.ge [sflag:s3], $0x2000  }
0xf6: {  	[sflag:s3] =	ssyncset.done $0x0  }
0xf7: {  	s26 =	rddreg [dreg:$0xc];
	[sflag:s3] =	ssyncadd.s32 $0xFFFFE000  }
0xf8: {  	[spmem:s26] =	stream.linear.scatter [tilespmem:s8], [sflag:$0x2], $0x2000, $0x38;
	[tilespmem:$0x1D7C0] =	vst v63  }
0xf9: {  	_ =	swait.ge [sflag:s3], $0x2000  }
0xfa: {  	[sflag:s3] =	ssyncset.done $0x0  }
0xfb: {  	s20 =	rddreg [dreg:$0xf];
	[sflag:s3] =	ssyncadd.s32 $0xFFFFE000  }
0xfc: {  	[spmem:s20] =	stream.linear.scatter [tilespmem:s8], [sflag:$0x2], $0x2000, $0x38;
	[tilespmem:$0x1D7C0] =	vst v63  }
0xfd: {  	_ =	swait.ge [sflag:s3], $0x2000  }
0xfe: {  	[sflag:s3] =	ssyncset.done $0x0  }
0xff: {  	s24 =	rddreg [dreg:$0x10];
	[sflag:s3] =	ssyncadd.s32 $0xFFFFE000  }
0x100: {  	[spmem:s24] =	stream.linear.scatter [tilespmem:s8], [sflag:$0x2], $0x2000, $0x38;
	[tilespmem:$0x1D7C0] =	vst v63  }
0x101: {  	_ =	swait.ge [sflag:s3], $0x2000  }
0x102: {  	[sflag:s3] =	ssyncset.done $0x0  }
0x103: {  	s25 =	rddreg [dreg:$0x11];
	[sflag:s3] =	ssyncadd.s32 $0xFFFFE000  }
0x104: {  	[spmem:s25] =	stream.linear.scatter [tilespmem:s8], [sflag:$0x2], $0x2000, $0x38;
	[tilespmem:$0x1D7C0] =	vst v63  }
0x105: {  	_ =	swait.ge [sflag:s3], $0x2000  }
0x106: {  	[sflag:s3] =	ssyncset.done $0x0  }
0x107: {  	s26 =	rddreg [dreg:$0x12];
	[sflag:s3] =	ssyncadd.s32 $0xFFFFE000  }
0x108: {  	[spmem:s26] =	stream.linear.scatter [tilespmem:s8], [sflag:$0x2], $0x2000, $0x38;
	[tilespmem:$0x1D7C0] =	vst v63  }
0x109: {  	_ =	swait.ge [sflag:s3], $0x2000  }
0x10a: {  	[sflag:s3] =	ssyncset.done $0x0  }
0x10b: {  	[sflag:s3] =	ssyncadd.s32 $0xFFFFE000  }
0x10c: {  	[spmem:s29] =	stream.linear.scatter [tilespmem:s8], [sflag:$0x2], $0x800, $0x38;
	[tilespmem:$0x1D7C0] =	vst v63  }
0x10d: {  	_ =	swait.ge [sflag:s3], $0x800  }
0x10e: {  	[sflag:s3] =	ssyncset.done $0x0  }
0x10f: {  	s17 =	simm.s32 @!p0 $0x2300;
	[sflag:s3] =	ssyncadd.s32 $0xFFFFF800  }
0x110: {  	[spmem:s30] =	stream.linear.scatter @!p0 [tilespmem:s17], [sflag:$0x2], $0x400, $0x38;
	[tilespmem:$0x1D7C0] =	vst v63  }
0x111: {  	s17 =	simm.s32 @!p0 $0x2  }
0x112: {  	_ =	swait.ge @!p0 [sflag:s17], $0x400  }
0x113: {  	[sflag:s17] =	ssyncset.done @!p0 $0x0  }
0x114: {  	[sflag:s17] =	ssyncadd.s32 @!p0 $0xFFFFFC00  }
0x115: {  	s20 =	simm.s32 $0x0;
	s17 =	simm.s32 $0x0;
	[bflag:$0x0] =	sbarrier.arrive $0xFFFF  }
.LBB2_10:
0x116: {  	s24 =	sshll.u32 s20, $0x6  }
0x117: {  	s24 =	sadd.s32 s0, s24  }
0x118: {  	s25 =	sshrl.u32 s24, $0x3  }
0x119: {  	s26 =	sadd.s32 s6, s25  }
0x11a: {  	[tilespmem:s17], [sflag:$0x2] =	stream.linear.gather [hbm4b:s26+s17], $0x40, $0x38;
	[tilespmem:$0x1D7C0] =	vst v63  }
0x11b: {  	_ =	swait.ge [sflag:s3], $0x40  }
0x11c: {  	[sflag:s3] =	ssyncset.done $0x0  }
0x11d: {  	[sflag:s3] =	ssyncadd.s32 $0xFFFFFFC0  }
0x11e: {  	[tilespmem:s8], [sflag:$0x1] =	stream.indirect.gather [hbm4b:s4+s16], $0x80, s17, s16, $0xb8;
	[tilespmem:$0x1D7C0] =	vst v63  }
0x11f: {  	s25 =	sadd.s32 s7, s25  }
0x120: {  	[tilespmem:s18], [sflag:$0x2] =	stream.linear.gather [hbm4b:s25+s17], $0x40, $0x38;
	[tilespmem:$0x1D7C0] =	vst v63  }
0x121: {  	_ =	swait.ge [sflag:s3], $0x40  }
0x122: {  	s24 =	sshll.u32 s24, $0x4;
	[sflag:s3] =	ssyncset.done $0x0  }
0x123: {  	s24 =	sadd.s32 s5, s24;
	[sflag:s3] =	ssyncadd.s32 $0xFFFFFFC0  }
0x124: {  	[tilespmem:s19], [sflag:$0x2] =	stream.linear.gather [hbm4b:s24+s17], $0x2000, $0x38;
	[tilespmem:$0x1D7C0] =	vst v63  }
0x125: {  	_ =	swait.ge [sflag:s3], $0x2000  }
0x126: {  	[sflag:s3] =	ssyncset.done $0x0  }
0x127: {  	[sflag:s3] =	ssyncadd.s32 $0xFFFFE000  }
0x128: {  	v3 =	vld [tilespmem:$0x80]  }
0x129: {  	v4 =	vld [tilespmem:$0x90]  }
0x12a: {  	v5 =	vld [tilespmem:$0xA0]  }
0x12b: {  	v6 =	vld [tilespmem:$0xB0];
	_ =	sdelay $0x1  }
0x12c: {  	v3 =	vsub.s32 v3, v1  }
0x12d: {  	v4 =	vsub.s32 v4, v1;
	v3 =	vmin.u32 v3, $0x3100  }
0x12e: {  	[tilespmem:$0x100] =	vst v3;
	v3 =	vmin.u32 v4, $0x3100;
	v4 =	vsub.s32 v5, v1  }
0x12f: {  	[tilespmem:$0x110] =	vst v3;
	v3 =	vmin.u32 v4, $0x3100;
	v4 =	vsub.s32 v6, v1  }
0x130: {  	[tilespmem:$0x120] =	vst v3;
	v3 =	vmin.u32 v4, $0x3100  }
0x131: {  	[tilespmem:$0x130] =	vst v3  }
0x132: {  	_ =	swait.ge [sflag:s22], $0x2000  }
0x133: {  	[sflag:s22] =	ssyncset.done $0x0  }
0x134: {  	s24 =	simm.s32 $0x0;
	[sflag:s22] =	ssyncadd.s32 $0xFFFFE000  }
0x135: {  	v6 =	vld [tilespmem:s24+$0x300]  }
0x136: {  	v5 =	vld [tilespmem:s24+$0x310]  }
0x137: {  	v4 =	vld [tilespmem:s24+$0x320]  }
0x138: {  	v3 =	vld [tilespmem:s24+$0x330]  }
0x139: {  	v8 =	vld [tilespmem:s24+$0x2300]  }
0x13a: {  	v12 =	vld [tilespmem:s24+$0x2310]  }
0x13b: {  	v11 =	vld [tilespmem:s24+$0x2320]  }
0x13c: {  	v10 =	vld [tilespmem:s24+$0x2330]  }
0x13d: {  	v9 =	vld [tilespmem:s24+$0x2340]  }
0x13e: {  	v7 =	vld [tilespmem:s24+$0x2350];
	v13 =	vmul.f32 v8, v6  }
0x13f: {  	s25 =	simm.s32 $0x200;
	v12 =	vmul.f32 v12, v5;
	v8 =	vld [tilespmem:s24+$0x2360]  }
.LBB2_11:
0x140: {  	s26 =	sshra.s32 s25, $0x2;
	p1 =	sne.s32 s25, $0x7E00;
	[tilespmem:s24+$0x2300] =	vst v13;
	v11 =	vmul.f32 v11, v4;
	v13 =	vld [tilespmem:s24+$0x2370]  }
0x141: {  	v14 =	vld [tilespmem:s26+$0x300];
	[tilespmem:s24+$0x2310] =	vst v12;
	v10 =	vmul.f32 v10, v3  }
0x142: {  	v12 =	vld [tilespmem:s26+$0x310];
	[tilespmem:s24+$0x2320] =	vst v11;
	v6 =	vmul.f32 v9, v6  }
0x143: {  	v9 =	vld [tilespmem:s26+$0x320];
	[tilespmem:s24+$0x2330] =	vst v10;
	v5 =	vmul.f32 v7, v5  }
0x144: {  	v7 =	vld [tilespmem:s26+$0x330];
	[tilespmem:s24+$0x2340] =	vst v6;
	v4 =	vmul.f32 v8, v4  }
0x145: {  	v8 =	vld [tilespmem:s26+$0x2300];
	[tilespmem:s24+$0x2350] =	vst v5;
	v3 =	vmul.f32 v13, v3  }
0x146: {  	v15 =	vld [tilespmem:s26+$0x2310];
	[tilespmem:s24+$0x2360] =	vst v4;
	v6 =	vmov v14  }
.Ltmp4:
0x147: {  	v11 =	vld [tilespmem:s26+$0x2320];
	[tilespmem:s24+$0x2370] =	vst v3;
	v5 =	vmov v12;
	s24 =	smov.u32 s26;
	(pc) =	sbr.rel @p1 .LBB2_11-.Ltmp4, $4  }
0x148: {  	v10 =	vld [tilespmem:s24+$0x2330];
	v4 =	vmov v9  }
0x149: {  	v9 =	vld [tilespmem:s24+$0x2340];
	v3 =	vmov v7  }
0x14a: {  	v13 =	vmul.f32 v8, v6;
	v7 =	vld [tilespmem:s24+$0x2350]  }
0x14b: {  	s25 =	sadd.s32 $0x200, s25;
	v12 =	vmul.f32 v15, v5;
	v8 =	vld [tilespmem:s24+$0x2360]  }
0x14c: {  	[tilespmem:s24+$0x2300] =	vst v13;
	v11 =	vmul.f32 v11, v4;
	v62 =	vld [tilespmem:s24+$0x2370]  }
0x14d: {  	[tilespmem:s24+$0x2310] =	vst v12;
	v10 =	vmul.f32 v10, v3  }
0x14e: {  	[tilespmem:s24+$0x2320] =	vst v11;
	v6 =	vmul.f32 v9, v6  }
0x14f: {  	[tilespmem:s24+$0x2330] =	vst v10;
	v5 =	vmul.f32 v7, v5  }
0x150: {  	[tilespmem:s24+$0x2340] =	vst v6;
	v63 =	vmul.f32 v8, v4  }
0x151: {  	s20 =	sadd.s32 $0x1, s20;
	[tilespmem:s24+$0x2350] =	vst v5;
	v3 =	vmul.f32 v62, v3  }
0x152: {  	p1 =	sne.s32 s20, $0x188;
	[tilespmem:s24+$0x2360] =	vst v63  }
.Ltmp5:
0x153: {  	[tilespmem:s24+$0x2370] =	vst v3;
	(pc) =	sbr.rel @p1 .LBB2_10-.Ltmp5, $4  }
0x154: {  	[spmem:s1] =	stream.indirect.scatter.add.f32 [tilespmem:s8], [sflag:$0x2], $0x80, s23, s16, $0xb8;
	[tilespmem:$0x1D7C0] =	vst v63  }
0x155: {  	_ =	swait.ge [sflag:s3], $0x2000  }
0x156: {  	[sflag:s3] =	ssyncset.done $0x0  }
0x157: {  	[sflag:s3] =	ssyncadd.s32 $0xFFFFE000  }
0x158: {  	[bflag:$0x0] =	sbarrier.arrive $0xFFFF  }
0x159: {  	s17 =	rddreg [dreg:$0xb]  }
0x15a: {  	[hbm:s17], [sflag:s14] =	dma.local [spmem:s15], $0x3100  }
0x15b: {  	_ =	swait.ge [sflag:s3], $0x3100  }
0x15c: {  	s13 =	sadd.s32 $0x1, s13;
	s26 =	rddreg [dreg:$0xe]  }
0x15d: {  	p1 =	sne.s32 s13, s26  }
.Ltmp6:
0x15e: {  	_ = 	snop;
	(pc) =	sbr.rel @p1 .LBB2_1-.Ltmp6, $4  }
0x15f: {  	[sflag:s3] =	ssyncset.done $0x0  }
0x160: {  	[sflag:s3] =	ssyncadd.s32 $0xFFFFCF00  }
0x161: {  	[bflag:$0x0] =	sbarrier.arrive $0xFFFF  }
0x162: {  	s26 =	smov.u32 s28  }
0x163: {  	_ =	sfence.sel $0x180000  }
0x164: {  	[bflag:$0x0] =	sbarrier.arrive $0xFFFF  }
0x165: {  	_ =	strace $0x90000047  }
0x166: {  	[bflag:$0x2] =	sbarrier.arrive $0xFFFF  }
0x167: {  	s0 =	rddreg [dreg:$0x3]  }
0x168: {  	s0 =	sadd.s32 @!p0 $0x100000, s0  }
0x169: {  	[sflag:s0] =	ssyncadd.tile.s32 @!p0 $0x1;
	_ =	shalt  }
.Lfunc_end2:
_tile_overlayer_lowered:
.L_overlay_start_2:
0x16a: {  	(tag) =	ssettag $0x2  }
0x16b: {  	s0 =	rddreg [dreg:$0x0];
	s2 =	stileid.u32  }
0x16c: {  	s1 =	rddreg [dreg:$0x1];
	p0 =	sne.s32 s2, $0x0  }
0x16d: {  	s3 =	rddreg [dreg:$0x2];
	[bflag:$0x3] =	sbarrier.arrive $0xFFFF;
	s2 =	simm.s32 @!p0 $0x1C02  }
0x16e: {  	[timem:s3], [sflag:s2] =	dma.local @!p0 [hbm:s0], s1  }
0x16f: {  	s0 =	simm.s32 @!p0 $0x2  }
0x170: {  	_ =	swait.ge @!p0 [sflag:s0], s1  }
0x171: {  	s1 =	ssub.s32 @!p0 $0x0, s1;
	[sflag:s0] =	ssyncset.done @!p0 $0x0  }
0x172: {  	[sflag:s0] =	ssyncadd.s32 @!p0 s1  }
0x173: {  	[bflag:$0x3] =	sbarrier.arrive $0xFFFF  }
0x174: {  	_ =	shalt  }

</sc_bundles>
